<compile_context>
chip_gen: v7x
topology: tpu7x:2x2x1
jax: 0.10.2.dev20260603
libtpu: 0.0.44.dev20260713+nightly
codegen_flags: <defaults>
</compile_context>

<pallas_src>
import functools

import jax
import jax.numpy as jnp
from jax import lax
from jax.experimental import pallas as pl
from jax.experimental.pallas import tpu as pltpu
from jax.experimental.pallas import tpu_sc as plsc

_NUM_CORES = 2
_NUM_SUBCORES = 16
_NBUF = 3
_CH = 32


def kernel(x, W):
    B, S = x.shape
    _, D = W.shape
    NW = _NUM_CORES * _NUM_SUBCORES
    rows_per_w = S // NW
    n_ch = rows_per_w // _CH

    mesh = plsc.VectorSubcoreMesh(
        core_axis_name="c", subcore_axis_name="s", num_cores=_NUM_CORES
    )

    @functools.partial(
        pl.kernel,
        out_type=jax.ShapeDtypeStruct((B, S, D), jnp.float32),
        mesh=mesh,
        scratch_types=[
            pltpu.VMEM((_NBUF, _CH, D), jnp.float32),
            pltpu.SemaphoreType.DMA((_NBUF,)),
            pltpu.SemaphoreType.DMA((_NBUF,)),
        ],
    )
    def sc_copy(w_hbm, out_hbm, buf, rsem, wsem):
        wid = lax.axis_index("s") * _NUM_CORES + lax.axis_index("c")
        base0 = wid * rows_per_w

        def rstart(k):
            return pltpu.async_copy(
                w_hbm.at[pl.ds(base0 + k * _CH, _CH)],
                buf.at[k % _NBUF],
                rsem.at[k % _NBUF],
            )

        def wstart(k):
            return [
                pltpu.async_copy(
                    buf.at[k % _NBUF],
                    out_hbm.at[b, pl.ds(base0 + k * _CH, _CH)],
                    wsem.at[k % _NBUF],
                )
                for b in range(B)
            ]

        reads, writes = {}, {}
        for j in range(min(_NBUF, n_ch)):
            reads[j] = rstart(j)
        for k in range(n_ch):
            reads[k].wait()
            writes[k] = wstart(k)
            nxt = k + 1
            if _NBUF <= nxt < n_ch:
                for c in writes[nxt - _NBUF]:
                    c.wait()
                reads[nxt] = rstart(nxt)
        for k in range(max(0, n_ch - _NBUF), n_ch):
            for c in writes[k]:
                c.wait()

    return sc_copy(W)

# --- scband reference (transcript-rebuilt; emitter-appended) ---
"""Pipeline reference for scband-positional-embedding-12060268167267 (READ-ONLY COPY).

The authoritative reference and input builder live on the scoring server;
editing this copy changes nothing except your own understanding.
"""

import jax, jax.numpy as jnp
import numpy as np

MAX_SEQ_LEN = 8192
D_MODEL = 1024
BATCH = 4
SEQ_LEN = 8192

def setup_inputs(seed: int = 0) -> dict:
    key = jax.random.key(seed)
    k1, k2 = jax.random.split(key)
    # x values are irrelevant to the module (only its shape is used), but keep it an int token tensor
    x = jax.random.randint(k1, (BATCH, SEQ_LEN), 0, 32000, dtype=jnp.int32)
    # learned positional embedding table (nn.Embedding weight)
    W = jax.random.normal(k2, (MAX_SEQ_LEN, D_MODEL), dtype=jnp.float32) * 0.02
    return {"x": x, "W": W}

def reference(x, W):
    batch_size, seq_len = x.shape[0], x.shape[1]
    positions = jnp.broadcast_to(jnp.arange(seq_len, dtype=jnp.int32)[None, :], (batch_size, seq_len))
    # embedding lookup: gather rows of W by position index
    return jnp.take(W, positions, axis=0)

if __name__ == "__main__":
    import jax
    _d = setup_inputs()
    print(jax.jit(kernel)(*tuple(_d.values())))

</pallas_src>

<mosaic_0001>
#map = affine_map<(d0, d1) -> (0, 0)>
#map1 = affine_map<(d0, d1) -> (0, 0, 0)>
module attributes {stable_mosaic.version = 14 : i64} {
  func.func @sc_copy(%arg0: i32, %arg1: i32, %arg2: memref<8192x1024xf32, #tpu.memory_space<hbm>>, %arg3: memref<4x8192x1024xf32, #tpu.memory_space<hbm>>, %arg4: memref<3x32x1024xf32, #tpu.memory_space<vmem>>, %arg5: memref<3x!tpu.dma_semaphore, #tpu.memory_space<semaphore_mem>>, %arg6: memref<3x!tpu.dma_semaphore, #tpu.memory_space<semaphore_mem>>) attributes {dimension_semantics = [#tpu.dimension_semantics<core_parallel>, #tpu.dimension_semantics<subcore_parallel>], iteration_bounds = array<i64: 2, 16>, scalar_prefetch = 0 : i64, scratch_operands = 3 : i64, tpu.core_type = #tpu.core_type<sc_vector_subcore>, window_params = [{transform_indices = #map}, {transform_indices = #map1}]} {
    %mul3A = arith.constant 2 : i32
    %mul3A_0 = arith.muli %arg1, %mul3A : i32
    %add3A = arith.addi %mul3A_0, %arg0 : i32
    %mul3A_1 = arith.constant 256 : i32
    %mul3A_2 = arith.muli %add3A, %mul3A_1 : i32
    %add3A_3 = arith.constant 0 : i32
    %add3A_4 = arith.addi %mul3A_2, %add3A_3 : i32
    %dma_start3A = arith.constant 0 : i32
    %dma_start3A_5 = arith.constant 0 : i32
    %dma_start3A_6 = arith.constant 0 : i32
    %dma_start3A_7 = arith.constant 0 : i32
    %dma_start3A_8 = tpu.memref_slice %arg4[%dma_start3A, %dma_start3A_6, %dma_start3A_7] : memref<3x32x1024xf32, #tpu.memory_space<vmem>> -> memref<1x32x1024xf32, #tpu.memory_space<vmem>>
    %dma_start3A_9 = tpu.memref_squeeze %dma_start3A_8 : memref<1x32x1024xf32, #tpu.memory_space<vmem>> -> memref<32x1024xf32, #tpu.memory_space<vmem>>
    %dma_start3A_10 = arith.constant 0 : i32
    %dma_start3A_11 = tpu.memref_slice %arg2[%add3A_4, %dma_start3A_10] : memref<8192x1024xf32, #tpu.memory_space<hbm>> -> memref<32x1024xf32, #tpu.memory_space<hbm>>
    %dma_start3A_12 = tpu.memref_slice %arg5[%dma_start3A_5] : memref<3x!tpu.dma_semaphore, #tpu.memory_space<semaphore_mem>> -> memref<1x!tpu.dma_semaphore, #tpu.memory_space<semaphore_mem>>
    %dma_start3A_13 = tpu.memref_squeeze %dma_start3A_12 : memref<1x!tpu.dma_semaphore, #tpu.memory_space<semaphore_mem>> -> memref<!tpu.dma_semaphore, #tpu.memory_space<semaphore_mem>>
    %dma_start3A_14 = arith.constant 0 : i32
    %dma_start3A_15 = arith.constant 0 : i32
    %dma_start3A_16 = tpu.memref_slice %arg4[%dma_start3A, %dma_start3A_14, %dma_start3A_15] : memref<3x32x1024xf32, #tpu.memory_space<vmem>> -> memref<1x32x1024xf32, #tpu.memory_space<vmem>>
    %dma_start3A_17 = tpu.memref_squeeze %dma_start3A_16 : memref<1x32x1024xf32, #tpu.memory_space<vmem>> -> memref<32x1024xf32, #tpu.memory_space<vmem>>
    %dma_start3A_18 = arith.constant 0 : i32
    %dma_start3A_19 = tpu.memref_slice %arg2[%add3A_4, %dma_start3A_18] : memref<8192x1024xf32, #tpu.memory_space<hbm>> -> memref<32x1024xf32, #tpu.memory_space<hbm>>
    tpu.enqueue_dma source(%dma_start3A_19 : memref<32x1024xf32, #tpu.memory_space<hbm>>) target(%dma_start3A_17 : memref<32x1024xf32, #tpu.memory_space<vmem>>) target_semaphore(%dma_start3A_13 : memref<!tpu.dma_semaphore, #tpu.memory_space<semaphore_mem>>)
    %add3A_20 = arith.constant 32 : i32
    %add3A_21 = arith.addi %mul3A_2, %add3A_20 : i32
    %dma_start3A_22 = arith.constant 1 : i32
    %dma_start3A_23 = arith.constant 1 : i32
    %dma_start3A_24 = arith.constant 0 : i32
    %dma_start3A_25 = arith.constant 0 : i32
    %dma_start3A_26 = tpu.memref_slice %arg4[%dma_start3A_22, %dma_start3A_24, %dma_start3A_25] : memref<3x32x1024xf32, #tpu.memory_space<vmem>> -> memref<1x32x1024xf32, #tpu.memory_space<vmem>>
    %dma_start3A_27 = tpu.memref_squeeze %dma_start3A_26 : memref<1x32x1024xf32, #tpu.memory_space<vmem>> -> memref<32x1024xf32, #tpu.memory_space<vmem>>
    %dma_start3A_28 = arith.constant 0 : i32
    %dma_start3A_29 = tpu.memref_slice %arg2[%add3A_21, %dma_start3A_28] : memref<8192x1024xf32, #tpu.memory_space<hbm>> -> memref<32x1024xf32, #tpu.memory_space<hbm>>
    %dma_start3A_30 = tpu.memref_slice %arg5[%dma_start3A_23] : memref<3x!tpu.dma_semaphore, #tpu.memory_space<semaphore_mem>> -> memref<1x!tpu.dma_semaphore, #tpu.memory_space<semaphore_mem>>
    %dma_start3A_31 = tpu.memref_squeeze %dma_start3A_30 : memref<1x!tpu.dma_semaphore, #tpu.memory_space<semaphore_mem>> -> memref<!tpu.dma_semaphore, #tpu.memory_space<semaphore_mem>>
    %dma_start3A_32 = arith.constant 0 : i32
    %dma_start3A_33 = arith.constant 0 : i32
    %dma_start3A_34 = tpu.memref_slice %arg4[%dma_start3A_22, %dma_start3A_32, %dma_start3A_33] : memref<3x32x1024xf32, #tpu.memory_space<vmem>> -> memref<1x32x1024xf32, #tpu.memory_space<vmem>>
    %dma_start3A_35 = tpu.memref_squeeze %dma_start3A_34 : memref<1x32x1024xf32, #tpu.memory_space<vmem>> -> memref<32x1024xf32, #tpu.memory_space<vmem>>
    %dma_start3A_36 = arith.constant 0 : i32
    %dma_start3A_37 = tpu.memref_slice %arg2[%add3A_21, %dma_start3A_36] : memref<8192x1024xf32, #tpu.memory_space<hbm>> -> memref<32x1024xf32, #tpu.memory_space<hbm>>
    tpu.enqueue_dma source(%dma_start3A_37 : memref<32x1024xf32, #tpu.memory_space<hbm>>) target(%dma_start3A_35 : memref<32x1024xf32, #tpu.memory_space<vmem>>) target_semaphore(%dma_start3A_31 : memref<!tpu.dma_semaphore, #tpu.memory_space<semaphore_mem>>)
    %add3A_38 = arith.constant 64 : i32
    %add3A_39 = arith.addi %mul3A_2, %add3A_38 : i32
    %dma_start3A_40 = arith.constant 2 : i32
    %dma_start3A_41 = arith.constant 2 : i32
    %dma_start3A_42 = arith.constant 0 : i32
    %dma_start3A_43 = arith.constant 0 : i32
    %dma_start3A_44 = tpu.memref_slice %arg4[%dma_start3A_40, %dma_start3A_42, %dma_start3A_43] : memref<3x32x1024xf32, #tpu.memory_space<vmem>> -> memref<1x32x1024xf32, #tpu.memory_space<vmem>>
    %dma_start3A_45 = tpu.memref_squeeze %dma_start3A_44 : memref<1x32x1024xf32, #tpu.memory_space<vmem>> -> memref<32x1024xf32, #tpu.memory_space<vmem>>
    %dma_start3A_46 = arith.constant 0 : i32
    %dma_start3A_47 = tpu.memref_slice %arg2[%add3A_39, %dma_start3A_46] : memref<8192x1024xf32, #tpu.memory_space<hbm>> -> memref<32x1024xf32, #tpu.memory_space<hbm>>
    %dma_start3A_48 = tpu.memref_slice %arg5[%dma_start3A_41] : memref<3x!tpu.dma_semaphore, #tpu.memory_space<semaphore_mem>> -> memref<1x!tpu.dma_semaphore, #tpu.memory_space<semaphore_mem>>
    %dma_start3A_49 = tpu.memref_squeeze %dma_start3A_48 : memref<1x!tpu.dma_semaphore, #tpu.memory_space<semaphore_mem>> -> memref<!tpu.dma_semaphore, #tpu.memory_space<semaphore_mem>>
    %dma_start3A_50 = arith.constant 0 : i32
    %dma_start3A_51 = arith.constant 0 : i32
    %dma_start3A_52 = tpu.memref_slice %arg4[%dma_start3A_40, %dma_start3A_50, %dma_start3A_51] : memref<3x32x1024xf32, #tpu.memory_space<vmem>> -> memref<1x32x1024xf32, #tpu.memory_space<vmem>>
    %dma_start3A_53 = tpu.memref_squeeze %dma_start3A_52 : memref<1x32x1024xf32, #tpu.memory_space<vmem>> -> memref<32x1024xf32, #tpu.memory_space<vmem>>
    %dma_start3A_54 = arith.constant 0 : i32
    %dma_start3A_55 = tpu.memref_slice %arg2[%add3A_39, %dma_start3A_54] : memref<8192x1024xf32, #tpu.memory_space<hbm>> -> memref<32x1024xf32, #tpu.memory_space<hbm>>
    tpu.enqueue_dma source(%dma_start3A_55 : memref<32x1024xf32, #tpu.memory_space<hbm>>) target(%dma_start3A_53 : memref<32x1024xf32, #tpu.memory_space<vmem>>) target_semaphore(%dma_start3A_49 : memref<!tpu.dma_semaphore, #tpu.memory_space<semaphore_mem>>)
    %dma_wait3A = arith.constant 0 : i32
    %dma_wait3A_56 = arith.constant 0 : i32
    %dma_wait3A_57 = arith.constant 0 : i32
    %dma_wait3A_58 = arith.constant 0 : i32
    %dma_wait3A_59 = tpu.memref_slice %arg4[%dma_wait3A, %dma_wait3A_57, %dma_wait3A_58] : memref<3x32x1024xf32, #tpu.memory_space<vmem>> -> memref<1x32x1024xf32, #tpu.memory_space<vmem>>
    %dma_wait3A_60 = tpu.memref_squeeze %dma_wait3A_59 : memref<1x32x1024xf32, #tpu.memory_space<vmem>> -> memref<32x1024xf32, #tpu.memory_space<vmem>>
    %dma_wait3A_61 = arith.constant 0 : i32
    %dma_wait3A_62 = tpu.memref_slice %arg2[%add3A_4, %dma_wait3A_61] : memref<8192x1024xf32, #tpu.memory_space<hbm>> -> memref<32x1024xf32, #tpu.memory_space<hbm>>
    %dma_wait3A_63 = tpu.memref_slice %arg5[%dma_wait3A_56] : memref<3x!tpu.dma_semaphore, #tpu.memory_space<semaphore_mem>> -> memref<1x!tpu.dma_semaphore, #tpu.memory_space<semaphore_mem>>
    %dma_wait3A_64 = tpu.memref_squeeze %dma_wait3A_63 : memref<1x!tpu.dma_semaphore, #tpu.memory_space<semaphore_mem>> -> memref<!tpu.dma_semaphore, #tpu.memory_space<semaphore_mem>>
    %dma_wait3A_65 = arith.constant 0 : i32
    %dma_wait3A_66 = arith.constant 0 : i32
    %dma_wait3A_67 = tpu.memref_slice %arg4[%dma_wait3A, %dma_wait3A_65, %dma_wait3A_66] : memref<3x32x1024xf32, #tpu.memory_space<vmem>> -> memref<1x32x1024xf32, #tpu.memory_space<vmem>>
    %dma_wait3A_68 = tpu.memref_squeeze %dma_wait3A_67 : memref<1x32x1024xf32, #tpu.memory_space<vmem>> -> memref<32x1024xf32, #tpu.memory_space<vmem>>
    %dma_wait3A_69 = arith.constant 0 : i32
    %dma_wait3A_70 = tpu.memref_slice %arg2[%add3A_4, %dma_wait3A_69] : memref<8192x1024xf32, #tpu.memory_space<hbm>> -> memref<32x1024xf32, #tpu.memory_space<hbm>>
    tpu.wait_dma2 semaphore(%dma_wait3A_64 : memref<!tpu.dma_semaphore, #tpu.memory_space<semaphore_mem>>) src(%dma_wait3A_70 : memref<32x1024xf32, #tpu.memory_space<hbm>>) dst(%dma_wait3A_68 : memref<32x1024xf32, #tpu.memory_space<vmem>>)
    %add3A_71 = arith.constant 0 : i32
    %add3A_72 = arith.addi %mul3A_2, %add3A_71 : i32
    %dma_start3A_73 = arith.constant 0 : i32
    %dma_start3A_74 = arith.constant 0 : i32
    %dma_start3A_75 = arith.constant 0 : i32
    %dma_start3A_76 = arith.constant 0 : i32
    %dma_start3A_77 = arith.constant 0 : i32
    %dma_start3A_78 = tpu.memref_slice %arg4[%dma_start3A_73, %dma_start3A_76, %dma_start3A_77] : memref<3x32x1024xf32, #tpu.memory_space<vmem>> -> memref<1x32x1024xf32, #tpu.memory_space<vmem>>
    %dma_start3A_79 = tpu.memref_squeeze %dma_start3A_78 : memref<1x32x1024xf32, #tpu.memory_space<vmem>> -> memref<32x1024xf32, #tpu.memory_space<vmem>>
    %dma_start3A_80 = arith.constant 0 : i32
    %dma_start3A_81 = tpu.memref_slice %arg3[%dma_start3A_74, %add3A_72, %dma_start3A_80] : memref<4x8192x1024xf32, #tpu.memory_space<hbm>> -> memref<1x32x1024xf32, #tpu.memory_space<hbm>>
    %dma_start3A_82 = tpu.memref_squeeze %dma_start3A_81 : memref<1x32x1024xf32, #tpu.memory_space<hbm>> -> memref<32x1024xf32, #tpu.memory_space<hbm>>
    %dma_start3A_83 = tpu.memref_slice %arg6[%dma_start3A_75] : memref<3x!tpu.dma_semaphore, #tpu.memory_space<semaphore_mem>> -> memref<1x!tpu.dma_semaphore, #tpu.memory_space<semaphore_mem>>
    %dma_start3A_84 = tpu.memref_squeeze %dma_start3A_83 : memref<1x!tpu.dma_semaphore, #tpu.memory_space<semaphore_mem>> -> memref<!tpu.dma_semaphore, #tpu.memory_space<semaphore_mem>>
    %dma_start3A_85 = arith.constant 0 : i32
    %dma_start3A_86 = tpu.memref_slice %arg3[%dma_start3A_74, %add3A_72, %dma_start3A_85] : memref<4x8192x1024xf32, #tpu.memory_space<hbm>> -> memref<1x32x1024xf32, #tpu.memory_space<hbm>>
    %dma_start3A_87 = tpu.memref_squeeze %dma_start3A_86 : memref<1x32x1024xf32, #tpu.memory_space<hbm>> -> memref<32x1024xf32, #tpu.memory_space<hbm>>
    %dma_start3A_88 = arith.constant 0 : i32
    %dma_start3A_89 = arith.constant 0 : i32
    %dma_start3A_90 = tpu.memref_slice %arg4[%dma_start3A_73, %dma_start3A_88, %dma_start3A_89] : memref<3x32x1024xf32, #tpu.memory_space<vmem>> -> memref<1x32x1024xf32, #tpu.memory_space<vmem>>
    %dma_start3A_91 = tpu.memref_squeeze %dma_start3A_90 : memref<1x32x1024xf32, #tpu.memory_space<vmem>> -> memref<32x1024xf32, #tpu.memory_space<vmem>>
    tpu.enqueue_dma source(%dma_start3A_91 : memref<32x1024xf32, #tpu.memory_space<vmem>>) target(%dma_start3A_87 : memref<32x1024xf32, #tpu.memory_space<hbm>>) target_semaphore(%dma_start3A_84 : memref<!tpu.dma_semaphore, #tpu.memory_space<semaphore_mem>>)
    %add3A_92 = arith.constant 0 : i32
    %add3A_93 = arith.addi %mul3A_2, %add3A_92 : i32
    %dma_start3A_94 = arith.constant 0 : i32
    %dma_start3A_95 = arith.constant 1 : i32
    %dma_start3A_96 = arith.constant 0 : i32
    %dma_start3A_97 = arith.constant 0 : i32
    %dma_start3A_98 = arith.constant 0 : i32
    %dma_start3A_99 = tpu.memref_slice %arg4[%dma_start3A_94, %dma_start3A_97, %dma_start3A_98] : memref<3x32x1024xf32, #tpu.memory_space<vmem>> -> memref<1x32x1024xf32, #tpu.memory_space<vmem>>
    %dma_start3A_100 = tpu.memref_squeeze %dma_start3A_99 : memref<1x32x1024xf32, #tpu.memory_space<vmem>> -> memref<32x1024xf32, #tpu.memory_space<vmem>>
    %dma_start3A_101 = arith.constant 0 : i32
    %dma_start3A_102 = tpu.memref_slice %arg3[%dma_start3A_95, %add3A_93, %dma_start3A_101] : memref<4x8192x1024xf32, #tpu.memory_space<hbm>> -> memref<1x32x1024xf32, #tpu.memory_space<hbm>>
    %dma_start3A_103 = tpu.memref_squeeze %dma_start3A_102 : memref<1x32x1024xf32, #tpu.memory_space<hbm>> -> memref<32x1024xf32, #tpu.memory_space<hbm>>
    %dma_start3A_104 = tpu.memref_slice %arg6[%dma_start3A_96] : memref<3x!tpu.dma_semaphore, #tpu.memory_space<semaphore_mem>> -> memref<1x!tpu.dma_semaphore, #tpu.memory_space<semaphore_mem>>
    %dma_start3A_105 = tpu.memref_squeeze %dma_start3A_104 : memref<1x!tpu.dma_semaphore, #tpu.memory_space<semaphore_mem>> -> memref<!tpu.dma_semaphore, #tpu.memory_space<semaphore_mem>>
    %dma_start3A_106 = arith.constant 0 : i32
    %dma_start3A_107 = tpu.memref_slice %arg3[%dma_start3A_95, %add3A_93, %dma_start3A_106] : memref<4x8192x1024xf32, #tpu.memory_space<hbm>> -> memref<1x32x1024xf32, #tpu.memory_space<hbm>>
    %dma_start3A_108 = tpu.memref_squeeze %dma_start3A_107 : memref<1x32x1024xf32, #tpu.memory_space<hbm>> -> memref<32x1024xf32, #tpu.memory_space<hbm>>
    %dma_start3A_109 = arith.constant 0 : i32
    %dma_start3A_110 = arith.constant 0 : i32
    %dma_start3A_111 = tpu.memref_slice %arg4[%dma_start3A_94, %dma_start3A_109, %dma_start3A_110] : memref<3x32x1024xf32, #tpu.memory_space<vmem>> -> memref<1x32x1024xf32, #tpu.memory_space<vmem>>
    %dma_start3A_112 = tpu.memref_squeeze %dma_start3A_111 : memref<1x32x1024xf32, #tpu.memory_space<vmem>> -> memref<32x1024xf32, #tpu.memory_space<vmem>>
    tpu.enqueue_dma source(%dma_start3A_112 : memref<32x1024xf32, #tpu.memory_space<vmem>>) target(%dma_start3A_108 : memref<32x1024xf32, #tpu.memory_space<hbm>>) target_semaphore(%dma_start3A_105 : memref<!tpu.dma_semaphore, #tpu.memory_space<semaphore_mem>>)
    %add3A_113 = arith.constant 0 : i32
    %add3A_114 = arith.addi %mul3A_2, %add3A_113 : i32
    %dma_start3A_115 = arith.constant 0 : i32
    %dma_start3A_116 = arith.constant 2 : i32
    %dma_start3A_117 = arith.constant 0 : i32
    %dma_start3A_118 = arith.constant 0 : i32
    %dma_start3A_119 = arith.constant 0 : i32
    %dma_start3A_120 = tpu.memref_slice %arg4[%dma_start3A_115, %dma_start3A_118, %dma_start3A_119] : memref<3x32x1024xf32, #tpu.memory_space<vmem>> -> memref<1x32x1024xf32, #tpu.memory_space<vmem>>
    %dma_start3A_121 = tpu.memref_squeeze %dma_start3A_120 : memref<1x32x1024xf32, #tpu.memory_space<vmem>> -> memref<32x1024xf32, #tpu.memory_space<vmem>>
    %dma_start3A_122 = arith.constant 0 : i32
    %dma_start3A_123 = tpu.memref_slice %arg3[%dma_start3A_116, %add3A_114, %dma_start3A_122] : memref<4x8192x1024xf32, #tpu.memory_space<hbm>> -> memref<1x32x1024xf32, #tpu.memory_space<hbm>>
    %dma_start3A_124 = tpu.memref_squeeze %dma_start3A_123 : memref<1x32x1024xf32, #tpu.memory_space<hbm>> -> memref<32x1024xf32, #tpu.memory_space<hbm>>
    %dma_start3A_125 = tpu.memref_slice %arg6[%dma_start3A_117] : memref<3x!tpu.dma_semaphore, #tpu.memory_space<semaphore_mem>> -> memref<1x!tpu.dma_semaphore, #tpu.memory_space<semaphore_mem>>
    %dma_start3A_126 = tpu.memref_squeeze %dma_start3A_125 : memref<1x!tpu.dma_semaphore, #tpu.memory_space<semaphore_mem>> -> memref<!tpu.dma_semaphore, #tpu.memory_space<semaphore_mem>>
    %dma_start3A_127 = arith.constant 0 : i32
    %dma_start3A_128 = tpu.memref_slice %arg3[%dma_start3A_116, %add3A_114, %dma_start3A_127] : memref<4x8192x1024xf32, #tpu.memory_space<hbm>> -> memref<1x32x1024xf32, #tpu.memory_space<hbm>>
    %dma_start3A_129 = tpu.memref_squeeze %dma_start3A_128 : memref<1x32x1024xf32, #tpu.memory_space<hbm>> -> memref<32x1024xf32, #tpu.memory_space<hbm>>
    %dma_start3A_130 = arith.constant 0 : i32
    %dma_start3A_131 = arith.constant 0 : i32
    %dma_start3A_132 = tpu.memref_slice %arg4[%dma_start3A_115, %dma_start3A_130, %dma_start3A_131] : memref<3x32x1024xf32, #tpu.memory_space<vmem>> -> memref<1x32x1024xf32, #tpu.memory_space<vmem>>
    %dma_start3A_133 = tpu.memref_squeeze %dma_start3A_132 : memref<1x32x1024xf32, #tpu.memory_space<vmem>> -> memref<32x1024xf32, #tpu.memory_space<vmem>>
    tpu.enqueue_dma source(%dma_start3A_133 : memref<32x1024xf32, #tpu.memory_space<vmem>>) target(%dma_start3A_129 : memref<32x1024xf32, #tpu.memory_space<hbm>>) target_semaphore(%dma_start3A_126 : memref<!tpu.dma_semaphore, #tpu.memory_space<semaphore_mem>>)
    %add3A_134 = arith.constant 0 : i32
    %add3A_135 = arith.addi %mul3A_2, %add3A_134 : i32
    %dma_start3A_136 = arith.constant 0 : i32
    %dma_start3A_137 = arith.constant 3 : i32
    %dma_start3A_138 = arith.constant 0 : i32
    %dma_start3A_139 = arith.constant 0 : i32
    %dma_start3A_140 = arith.constant 0 : i32
    %dma_start3A_141 = tpu.memref_slice %arg4[%dma_start3A_136, %dma_start3A_139, %dma_start3A_140] : memref<3x32x1024xf32, #tpu.memory_space<vmem>> -> memref<1x32x1024xf32, #tpu.memory_space<vmem>>
    %dma_start3A_142 = tpu.memref_squeeze %dma_start3A_141 : memref<1x32x1024xf32, #tpu.memory_space<vmem>> -> memref<32x1024xf32, #tpu.memory_space<vmem>>
    %dma_start3A_143 = arith.constant 0 : i32
    %dma_start3A_144 = tpu.memref_slice %arg3[%dma_start3A_137, %add3A_135, %dma_start3A_143] : memref<4x8192x1024xf32, #tpu.memory_space<hbm>> -> memref<1x32x1024xf32, #tpu.memory_space<hbm>>
    %dma_start3A_145 = tpu.memref_squeeze %dma_start3A_144 : memref<1x32x1024xf32, #tpu.memory_space<hbm>> -> memref<32x1024xf32, #tpu.memory_space<hbm>>
    %dma_start3A_146 = tpu.memref_slice %arg6[%dma_start3A_138] : memref<3x!tpu.dma_semaphore, #tpu.memory_space<semaphore_mem>> -> memref<1x!tpu.dma_semaphore, #tpu.memory_space<semaphore_mem>>
    %dma_start3A_147 = tpu.memref_squeeze %dma_start3A_146 : memref<1x!tpu.dma_semaphore, #tpu.memory_space<semaphore_mem>> -> memref<!tpu.dma_semaphore, #tpu.memory_space<semaphore_mem>>
    %dma_start3A_148 = arith.constant 0 : i32
    %dma_start3A_149 = tpu.memref_slice %arg3[%dma_start3A_137, %add3A_135, %dma_start3A_148] : memref<4x8192x1024xf32, #tpu.memory_space<hbm>> -> memref<1x32x1024xf32, #tpu.memory_space<hbm>>
    %dma_start3A_150 = tpu.memref_squeeze %dma_start3A_149 : memref<1x32x1024xf32, #tpu.memory_space<hbm>> -> memref<32x1024xf32, #tpu.memory_space<hbm>>
    %dma_start3A_151 = arith.constant 0 : i32
    %dma_start3A_152 = arith.constant 0 : i32
    %dma_start3A_153 = tpu.memref_slice %arg4[%dma_start3A_136, %dma_start3A_151, %dma_start3A_152] : memref<3x32x1024xf32, #tpu.memory_space<vmem>> -> memref<1x32x1024xf32, #tpu.memory_space<vmem>>
    %dma_start3A_154 = tpu.memref_squeeze %dma_start3A_153 : memref<1x32x1024xf32, #tpu.memory_space<vmem>> -> memref<32x1024xf32, #tpu.memory_space<vmem>>
    tpu.enqueue_dma source(%dma_start3A_154 : memref<32x1024xf32, #tpu.memory_space<vmem>>) target(%dma_start3A_150 : memref<32x1024xf32, #tpu.memory_space<hbm>>) target_semaphore(%dma_start3A_147 : memref<!tpu.dma_semaphore, #tpu.memory_space<semaphore_mem>>)
    %dma_wait3A_155 = arith.constant 1 : i32
    %dma_wait3A_156 = arith.constant 1 : i32
    %dma_wait3A_157 = arith.constant 0 : i32
    %dma_wait3A_158 = arith.constant 0 : i32
    %dma_wait3A_159 = tpu.memref_slice %arg4[%dma_wait3A_155, %dma_wait3A_157, %dma_wait3A_158] : memref<3x32x1024xf32, #tpu.memory_space<vmem>> -> memref<1x32x1024xf32, #tpu.memory_space<vmem>>
    %dma_wait3A_160 = tpu.memref_squeeze %dma_wait3A_159 : memref<1x32x1024xf32, #tpu.memory_space<vmem>> -> memref<32x1024xf32, #tpu.memory_space<vmem>>
    %dma_wait3A_161 = arith.constant 0 : i32
    %dma_wait3A_162 = tpu.memref_slice %arg2[%add3A_21, %dma_wait3A_161] : memref<8192x1024xf32, #tpu.memory_space<hbm>> -> memref<32x1024xf32, #tpu.memory_space<hbm>>
    %dma_wait3A_163 = tpu.memref_slice %arg5[%dma_wait3A_156] : memref<3x!tpu.dma_semaphore, #tpu.memory_space<semaphore_mem>> -> memref<1x!tpu.dma_semaphore, #tpu.memory_space<semaphore_mem>>
    %dma_wait3A_164 = tpu.memref_squeeze %dma_wait3A_163 : memref<1x!tpu.dma_semaphore, #tpu.memory_space<semaphore_mem>> -> memref<!tpu.dma_semaphore, #tpu.memory_space<semaphore_mem>>
    %dma_wait3A_165 = arith.constant 0 : i32
    %dma_wait3A_166 = arith.constant 0 : i32
    %dma_wait3A_167 = tpu.memref_slice %arg4[%dma_wait3A_155, %dma_wait3A_165, %dma_wait3A_166] : memref<3x32x1024xf32, #tpu.memory_space<vmem>> -> memref<1x32x1024xf32, #tpu.memory_space<vmem>>
    %dma_wait3A_168 = tpu.memref_squeeze %dma_wait3A_167 : memref<1x32x1024xf32, #tpu.memory_space<vmem>> -> memref<32x1024xf32, #tpu.memory_space<vmem>>
    %dma_wait3A_169 = arith.constant 0 : i32
    %dma_wait3A_170 = tpu.memref_slice %arg2[%add3A_21, %dma_wait3A_169] : memref<8192x1024xf32, #tpu.memory_space<hbm>> -> memref<32x1024xf32, #tpu.memory_space<hbm>>
    tpu.wait_dma2 semaphore(%dma_wait3A_164 : memref<!tpu.dma_semaphore, #tpu.memory_space<semaphore_mem>>) src(%dma_wait3A_170 : memref<32x1024xf32, #tpu.memory_space<hbm>>) dst(%dma_wait3A_168 : memref<32x1024xf32, #tpu.memory_space<vmem>>)
    %add3A_171 = arith.constant 32 : i32
    %add3A_172 = arith.addi %mul3A_2, %add3A_171 : i32
    %dma_start3A_173 = arith.constant 1 : i32
    %dma_start3A_174 = arith.constant 0 : i32
    %dma_start3A_175 = arith.constant 1 : i32
    %dma_start3A_176 = arith.constant 0 : i32
    %dma_start3A_177 = arith.constant 0 : i32
    %dma_start3A_178 = tpu.memref_slice %arg4[%dma_start3A_173, %dma_start3A_176, %dma_start3A_177] : memref<3x32x1024xf32, #tpu.memory_space<vmem>> -> memref<1x32x1024xf32, #tpu.memory_space<vmem>>
    %dma_start3A_179 = tpu.memref_squeeze %dma_start3A_178 : memref<1x32x1024xf32, #tpu.memory_space<vmem>> -> memref<32x1024xf32, #tpu.memory_space<vmem>>
    %dma_start3A_180 = arith.constant 0 : i32
    %dma_start3A_181 = tpu.memref_slice %arg3[%dma_start3A_174, %add3A_172, %dma_start3A_180] : memref<4x8192x1024xf32, #tpu.memory_space<hbm>> -> memref<1x32x1024xf32, #tpu.memory_space<hbm>>
    %dma_start3A_182 = tpu.memref_squeeze %dma_start3A_181 : memref<1x32x1024xf32, #tpu.memory_space<hbm>> -> memref<32x1024xf32, #tpu.memory_space<hbm>>
    %dma_start3A_183 = tpu.memref_slice %arg6[%dma_start3A_175] : memref<3x!tpu.dma_semaphore, #tpu.memory_space<semaphore_mem>> -> memref<1x!tpu.dma_semaphore, #tpu.memory_space<semaphore_mem>>
    %dma_start3A_184 = tpu.memref_squeeze %dma_start3A_183 : memref<1x!tpu.dma_semaphore, #tpu.memory_space<semaphore_mem>> -> memref<!tpu.dma_semaphore, #tpu.memory_space<semaphore_mem>>
    %dma_start3A_185 = arith.constant 0 : i32
    %dma_start3A_186 = tpu.memref_slice %arg3[%dma_start3A_174, %add3A_172, %dma_start3A_185] : memref<4x8192x1024xf32, #tpu.memory_space<hbm>> -> memref<1x32x1024xf32, #tpu.memory_space<hbm>>
    %dma_start3A_187 = tpu.memref_squeeze %dma_start3A_186 : memref<1x32x1024xf32, #tpu.memory_space<hbm>> -> memref<32x1024xf32, #tpu.memory_space<hbm>>
    %dma_start3A_188 = arith.constant 0 : i32
    %dma_start3A_189 = arith.constant 0 : i32
    %dma_start3A_190 = tpu.memref_slice %arg4[%dma_start3A_173, %dma_start3A_188, %dma_start3A_189] : memref<3x32x1024xf32, #tpu.memory_space<vmem>> -> memref<1x32x1024xf32, #tpu.memory_space<vmem>>
    %dma_start3A_191 = tpu.memref_squeeze %dma_start3A_190 : memref<1x32x1024xf32, #tpu.memory_space<vmem>> -> memref<32x1024xf32, #tpu.memory_space<vmem>>
    tpu.enqueue_dma source(%dma_start3A_191 : memref<32x1024xf32, #tpu.memory_space<vmem>>) target(%dma_start3A_187 : memref<32x1024xf32, #tpu.memory_space<hbm>>) target_semaphore(%dma_start3A_184 : memref<!tpu.dma_semaphore, #tpu.memory_space<semaphore_mem>>)
    %add3A_192 = arith.constant 32 : i32
    %add3A_193 = arith.addi %mul3A_2, %add3A_192 : i32
    %dma_start3A_194 = arith.constant 1 : i32
    %dma_start3A_195 = arith.constant 1 : i32
    %dma_start3A_196 = arith.constant 1 : i32
    %dma_start3A_197 = arith.constant 0 : i32
    %dma_start3A_198 = arith.constant 0 : i32
    %dma_start3A_199 = tpu.memref_slice %arg4[%dma_start3A_194, %dma_start3A_197, %dma_start3A_198] : memref<3x32x1024xf32, #tpu.memory_space<vmem>> -> memref<1x32x1024xf32, #tpu.memory_space<vmem>>
    %dma_start3A_200 = tpu.memref_squeeze %dma_start3A_199 : memref<1x32x1024xf32, #tpu.memory_space<vmem>> -> memref<32x1024xf32, #tpu.memory_space<vmem>>
    %dma_start3A_201 = arith.constant 0 : i32
    %dma_start3A_202 = tpu.memref_slice %arg3[%dma_start3A_195, %add3A_193, %dma_start3A_201] : memref<4x8192x1024xf32, #tpu.memory_space<hbm>> -> memref<1x32x1024xf32, #tpu.memory_space<hbm>>
    %dma_start3A_203 = tpu.memref_squeeze %dma_start3A_202 : memref<1x32x1024xf32, #tpu.memory_space<hbm>> -> memref<32x1024xf32, #tpu.memory_space<hbm>>
    %dma_start3A_204 = tpu.memref_slice %arg6[%dma_start3A_196] : memref<3x!tpu.dma_semaphore, #tpu.memory_space<semaphore_mem>> -> memref<1x!tpu.dma_semaphore, #tpu.memory_space<semaphore_mem>>
    %dma_start3A_205 = tpu.memref_squeeze %dma_start3A_204 : memref<1x!tpu.dma_semaphore, #tpu.memory_space<semaphore_mem>> -> memref<!tpu.dma_semaphore, #tpu.memory_space<semaphore_mem>>
    %dma_start3A_206 = arith.constant 0 : i32
    %dma_start3A_207 = tpu.memref_slice %arg3[%dma_start3A_195, %add3A_193, %dma_start3A_206] : memref<4x8192x1024xf32, #tpu.memory_space<hbm>> -> memref<1x32x1024xf32, #tpu.memory_space<hbm>>
    %dma_start3A_208 = tpu.memref_squeeze %dma_start3A_207 : memref<1x32x1024xf32, #tpu.memory_space<hbm>> -> memref<32x1024xf32, #tpu.memory_space<hbm>>
    %dma_start3A_209 = arith.constant 0 : i32
    %dma_start3A_210 = arith.constant 0 : i32
    %dma_start3A_211 = tpu.memref_slice %arg4[%dma_start3A_194, %dma_start3A_209, %dma_start3A_210] : memref<3x32x1024xf32, #tpu.memory_space<vmem>> -> memref<1x32x1024xf32, #tpu.memory_space<vmem>>
    %dma_start3A_212 = tpu.memref_squeeze %dma_start3A_211 : memref<1x32x1024xf32, #tpu.memory_space<vmem>> -> memref<32x1024xf32, #tpu.memory_space<vmem>>
    tpu.enqueue_dma source(%dma_start3A_212 : memref<32x1024xf32, #tpu.memory_space<vmem>>) target(%dma_start3A_208 : memref<32x1024xf32, #tpu.memory_space<hbm>>) target_semaphore(%dma_start3A_205 : memref<!tpu.dma_semaphore, #tpu.memory_space<semaphore_mem>>)
    %add3A_213 = arith.constant 32 : i32
    %add3A_214 = arith.addi %mul3A_2, %add3A_213 : i32
    %dma_start3A_215 = arith.constant 1 : i32
    %dma_start3A_216 = arith.constant 2 : i32
    %dma_start3A_217 = arith.constant 1 : i32
    %dma_start3A_218 = arith.constant 0 : i32
    %dma_start3A_219 = arith.constant 0 : i32
    %dma_start3A_220 = tpu.memref_slice %arg4[%dma_start3A_215, %dma_start3A_218, %dma_start3A_219] : memref<3x32x1024xf32, #tpu.memory_space<vmem>> -> memref<1x32x1024xf32, #tpu.memory_space<vmem>>
    %dma_start3A_221 = tpu.memref_squeeze %dma_start3A_220 : memref<1x32x1024xf32, #tpu.memory_space<vmem>> -> memref<32x1024xf32, #tpu.memory_space<vmem>>
    %dma_start3A_222 = arith.constant 0 : i32
    %dma_start3A_223 = tpu.memref_slice %arg3[%dma_start3A_216, %add3A_214, %dma_start3A_222] : memref<4x8192x1024xf32, #tpu.memory_space<hbm>> -> memref<1x32x1024xf32, #tpu.memory_space<hbm>>
    %dma_start3A_224 = tpu.memref_squeeze %dma_start3A_223 : memref<1x32x1024xf32, #tpu.memory_space<hbm>> -> memref<32x1024xf32, #tpu.memory_space<hbm>>
    %dma_start3A_225 = tpu.memref_slice %arg6[%dma_start3A_217] : memref<3x!tpu.dma_semaphore, #tpu.memory_space<semaphore_mem>> -> memref<1x!tpu.dma_semaphore, #tpu.memory_space<semaphore_mem>>
    %dma_start3A_226 = tpu.memref_squeeze %dma_start3A_225 : memref<1x!tpu.dma_semaphore, #tpu.memory_space<semaphore_mem>> -> memref<!tpu.dma_semaphore, #tpu.memory_space<semaphore_mem>>
    %dma_start3A_227 = arith.constant 0 : i32
    %dma_start3A_228 = tpu.memref_slice %arg3[%dma_start3A_216, %add3A_214, %dma_start3A_227] : memref<4x8192x1024xf32, #tpu.memory_space<hbm>> -> memref<1x32x1024xf32, #tpu.memory_space<hbm>>
    %dma_start3A_229 = tpu.memref_squeeze %dma_start3A_228 : memref<1x32x1024xf32, #tpu.memory_space<hbm>> -> memref<32x1024xf32, #tpu.memory_space<hbm>>
    %dma_start3A_230 = arith.constant 0 : i32
    %dma_start3A_231 = arith.constant 0 : i32
    %dma_start3A_232 = tpu.memref_slice %arg4[%dma_start3A_215, %dma_start3A_230, %dma_start3A_231] : memref<3x32x1024xf32, #tpu.memory_space<vmem>> -> memref<1x32x1024xf32, #tpu.memory_space<vmem>>
    %dma_start3A_233 = tpu.memref_squeeze %dma_start3A_232 : memref<1x32x1024xf32, #tpu.memory_space<vmem>> -> memref<32x1024xf32, #tpu.memory_space<vmem>>
    tpu.enqueue_dma source(%dma_start3A_233 : memref<32x1024xf32, #tpu.memory_space<vmem>>) target(%dma_start3A_229 : memref<32x1024xf32, #tpu.memory_space<hbm>>) target_semaphore(%dma_start3A_226 : memref<!tpu.dma_semaphore, #tpu.memory_space<semaphore_mem>>)
    %add3A_234 = arith.constant 32 : i32
    %add3A_235 = arith.addi %mul3A_2, %add3A_234 : i32
    %dma_start3A_236 = arith.constant 1 : i32
    %dma_start3A_237 = arith.constant 3 : i32
    %dma_start3A_238 = arith.constant 1 : i32
    %dma_start3A_239 = arith.constant 0 : i32
    %dma_start3A_240 = arith.constant 0 : i32
    %dma_start3A_241 = tpu.memref_slice %arg4[%dma_start3A_236, %dma_start3A_239, %dma_start3A_240] : memref<3x32x1024xf32, #tpu.memory_space<vmem>> -> memref<1x32x1024xf32, #tpu.memory_space<vmem>>
    %dma_start3A_242 = tpu.memref_squeeze %dma_start3A_241 : memref<1x32x1024xf32, #tpu.memory_space<vmem>> -> memref<32x1024xf32, #tpu.memory_space<vmem>>
    %dma_start3A_243 = arith.constant 0 : i32
    %dma_start3A_244 = tpu.memref_slice %arg3[%dma_start3A_237, %add3A_235, %dma_start3A_243] : memref<4x8192x1024xf32, #tpu.memory_space<hbm>> -> memref<1x32x1024xf32, #tpu.memory_space<hbm>>
    %dma_start3A_245 = tpu.memref_squeeze %dma_start3A_244 : memref<1x32x1024xf32, #tpu.memory_space<hbm>> -> memref<32x1024xf32, #tpu.memory_space<hbm>>
    %dma_start3A_246 = tpu.memref_slice %arg6[%dma_start3A_238] : memref<3x!tpu.dma_semaphore, #tpu.memory_space<semaphore_mem>> -> memref<1x!tpu.dma_semaphore, #tpu.memory_space<semaphore_mem>>
    %dma_start3A_247 = tpu.memref_squeeze %dma_start3A_246 : memref<1x!tpu.dma_semaphore, #tpu.memory_space<semaphore_mem>> -> memref<!tpu.dma_semaphore, #tpu.memory_space<semaphore_mem>>
    %dma_start3A_248 = arith.constant 0 : i32
    %dma_start3A_249 = tpu.memref_slice %arg3[%dma_start3A_237, %add3A_235, %dma_start3A_248] : memref<4x8192x1024xf32, #tpu.memory_space<hbm>> -> memref<1x32x1024xf32, #tpu.memory_space<hbm>>
    %dma_start3A_250 = tpu.memref_squeeze %dma_start3A_249 : memref<1x32x1024xf32, #tpu.memory_space<hbm>> -> memref<32x1024xf32, #tpu.memory_space<hbm>>
    %dma_start3A_251 = arith.constant 0 : i32
    %dma_start3A_252 = arith.constant 0 : i32
    %dma_start3A_253 = tpu.memref_slice %arg4[%dma_start3A_236, %dma_start3A_251, %dma_start3A_252] : memref<3x32x1024xf32, #tpu.memory_space<vmem>> -> memref<1x32x1024xf32, #tpu.memory_space<vmem>>
    %dma_start3A_254 = tpu.memref_squeeze %dma_start3A_253 : memref<1x32x1024xf32, #tpu.memory_space<vmem>> -> memref<32x1024xf32, #tpu.memory_space<vmem>>
    tpu.enqueue_dma source(%dma_start3A_254 : memref<32x1024xf32, #tpu.memory_space<vmem>>) target(%dma_start3A_250 : memref<32x1024xf32, #tpu.memory_space<hbm>>) target_semaphore(%dma_start3A_247 : memref<!tpu.dma_semaphore, #tpu.memory_space<semaphore_mem>>)
    %dma_wait3A_255 = arith.constant 2 : i32
    %dma_wait3A_256 = arith.constant 2 : i32
    %dma_wait3A_257 = arith.constant 0 : i32
    %dma_wait3A_258 = arith.constant 0 : i32
    %dma_wait3A_259 = tpu.memref_slice %arg4[%dma_wait3A_255, %dma_wait3A_257, %dma_wait3A_258] : memref<3x32x1024xf32, #tpu.memory_space<vmem>> -> memref<1x32x1024xf32, #tpu.memory_space<vmem>>
    %dma_wait3A_260 = tpu.memref_squeeze %dma_wait3A_259 : memref<1x32x1024xf32, #tpu.memory_space<vmem>> -> memref<32x1024xf32, #tpu.memory_space<vmem>>
    %dma_wait3A_261 = arith.constant 0 : i32
    %dma_wait3A_262 = tpu.memref_slice %arg2[%add3A_39, %dma_wait3A_261] : memref<8192x1024xf32, #tpu.memory_space<hbm>> -> memref<32x1024xf32, #tpu.memory_space<hbm>>
    %dma_wait3A_263 = tpu.memref_slice %arg5[%dma_wait3A_256] : memref<3x!tpu.dma_semaphore, #tpu.memory_space<semaphore_mem>> -> memref<1x!tpu.dma_semaphore, #tpu.memory_space<semaphore_mem>>
    %dma_wait3A_264 = tpu.memref_squeeze %dma_wait3A_263 : memref<1x!tpu.dma_semaphore, #tpu.memory_space<semaphore_mem>> -> memref<!tpu.dma_semaphore, #tpu.memory_space<semaphore_mem>>
    %dma_wait3A_265 = arith.constant 0 : i32
    %dma_wait3A_266 = arith.constant 0 : i32
    %dma_wait3A_267 = tpu.memref_slice %arg4[%dma_wait3A_255, %dma_wait3A_265, %dma_wait3A_266] : memref<3x32x1024xf32, #tpu.memory_space<vmem>> -> memref<1x32x1024xf32, #tpu.memory_space<vmem>>
    %dma_wait3A_268 = tpu.memref_squeeze %dma_wait3A_267 : memref<1x32x1024xf32, #tpu.memory_space<vmem>> -> memref<32x1024xf32, #tpu.memory_space<vmem>>
    %dma_wait3A_269 = arith.constant 0 : i32
    %dma_wait3A_270 = tpu.memref_slice %arg2[%add3A_39, %dma_wait3A_269] : memref<8192x1024xf32, #tpu.memory_space<hbm>> -> memref<32x1024xf32, #tpu.memory_space<hbm>>
    tpu.wait_dma2 semaphore(%dma_wait3A_264 : memref<!tpu.dma_semaphore, #tpu.memory_space<semaphore_mem>>) src(%dma_wait3A_270 : memref<32x1024xf32, #tpu.memory_space<hbm>>) dst(%dma_wait3A_268 : memref<32x1024xf32, #tpu.memory_space<vmem>>)
    %add3A_271 = arith.constant 64 : i32
    %add3A_272 = arith.addi %mul3A_2, %add3A_271 : i32
    %dma_start3A_273 = arith.constant 2 : i32
    %dma_start3A_274 = arith.constant 0 : i32
    %dma_start3A_275 = arith.constant 2 : i32
    %dma_start3A_276 = arith.constant 0 : i32
    %dma_start3A_277 = arith.constant 0 : i32
    %dma_start3A_278 = tpu.memref_slice %arg4[%dma_start3A_273, %dma_start3A_276, %dma_start3A_277] : memref<3x32x1024xf32, #tpu.memory_space<vmem>> -> memref<1x32x1024xf32, #tpu.memory_space<vmem>>
    %dma_start3A_279 = tpu.memref_squeeze %dma_start3A_278 : memref<1x32x1024xf32, #tpu.memory_space<vmem>> -> memref<32x1024xf32, #tpu.memory_space<vmem>>
    %dma_start3A_280 = arith.constant 0 : i32
    %dma_start3A_281 = tpu.memref_slice %arg3[%dma_start3A_274, %add3A_272, %dma_start3A_280] : memref<4x8192x1024xf32, #tpu.memory_space<hbm>> -> memref<1x32x1024xf32, #tpu.memory_space<hbm>>
    %dma_start3A_282 = tpu.memref_squeeze %dma_start3A_281 : memref<1x32x1024xf32, #tpu.memory_space<hbm>> -> memref<32x1024xf32, #tpu.memory_space<hbm>>
    %dma_start3A_283 = tpu.memref_slice %arg6[%dma_start3A_275] : memref<3x!tpu.dma_semaphore, #tpu.memory_space<semaphore_mem>> -> memref<1x!tpu.dma_semaphore, #tpu.memory_space<semaphore_mem>>
    %dma_start3A_284 = tpu.memref_squeeze %dma_start3A_283 : memref<1x!tpu.dma_semaphore, #tpu.memory_space<semaphore_mem>> -> memref<!tpu.dma_semaphore, #tpu.memory_space<semaphore_mem>>
    %dma_start3A_285 = arith.constant 0 : i32
    %dma_start3A_286 = tpu.memref_slice %arg3[%dma_start3A_274, %add3A_272, %dma_start3A_285] : memref<4x8192x1024xf32, #tpu.memory_space<hbm>> -> memref<1x32x1024xf32, #tpu.memory_space<hbm>>
    %dma_start3A_287 = tpu.memref_squeeze %dma_start3A_286 : memref<1x32x1024xf32, #tpu.memory_space<hbm>> -> memref<32x1024xf32, #tpu.memory_space<hbm>>
    %dma_start3A_288 = arith.constant 0 : i32
    %dma_start3A_289 = arith.constant 0 : i32
    %dma_start3A_290 = tpu.memref_slice %arg4[%dma_start3A_273, %dma_start3A_288, %dma_start3A_289] : memref<3x32x1024xf32, #tpu.memory_space<vmem>> -> memref<1x32x1024xf32, #tpu.memory_space<vmem>>
    %dma_start3A_291 = tpu.memref_squeeze %dma_start3A_290 : memref<1x32x1024xf32, #tpu.memory_space<vmem>> -> memref<32x1024xf32, #tpu.memory_space<vmem>>
    tpu.enqueue_dma source(%dma_start3A_291 : memref<32x1024xf32, #tpu.memory_space<vmem>>) target(%dma_start3A_287 : memref<32x1024xf32, #tpu.memory_space<hbm>>) target_semaphore(%dma_start3A_284 : memref<!tpu.dma_semaphore, #tpu.memory_space<semaphore_mem>>)
    %add3A_292 = arith.constant 64 : i32
    %add3A_293 = arith.addi %mul3A_2, %add3A_292 : i32
    %dma_start3A_294 = arith.constant 2 : i32
    %dma_start3A_295 = arith.constant 1 : i32
    %dma_start3A_296 = arith.constant 2 : i32
    %dma_start3A_297 = arith.constant 0 : i32
    %dma_start3A_298 = arith.constant 0 : i32
    %dma_start3A_299 = tpu.memref_slice %arg4[%dma_start3A_294, %dma_start3A_297, %dma_start3A_298] : memref<3x32x1024xf32, #tpu.memory_space<vmem>> -> memref<1x32x1024xf32, #tpu.memory_space<vmem>>
    %dma_start3A_300 = tpu.memref_squeeze %dma_start3A_299 : memref<1x32x1024xf32, #tpu.memory_space<vmem>> -> memref<32x1024xf32, #tpu.memory_space<vmem>>
    %dma_start3A_301 = arith.constant 0 : i32
    %dma_start3A_302 = tpu.memref_slice %arg3[%dma_start3A_295, %add3A_293, %dma_start3A_301] : memref<4x8192x1024xf32, #tpu.memory_space<hbm>> -> memref<1x32x1024xf32, #tpu.memory_space<hbm>>
    %dma_start3A_303 = tpu.memref_squeeze %dma_start3A_302 : memref<1x32x1024xf32, #tpu.memory_space<hbm>> -> memref<32x1024xf32, #tpu.memory_space<hbm>>
    %dma_start3A_304 = tpu.memref_slice %arg6[%dma_start3A_296] : memref<3x!tpu.dma_semaphore, #tpu.memory_space<semaphore_mem>> -> memref<1x!tpu.dma_semaphore, #tpu.memory_space<semaphore_mem>>
    %dma_start3A_305 = tpu.memref_squeeze %dma_start3A_304 : memref<1x!tpu.dma_semaphore, #tpu.memory_space<semaphore_mem>> -> memref<!tpu.dma_semaphore, #tpu.memory_space<semaphore_mem>>
    %dma_start3A_306 = arith.constant 0 : i32
    %dma_start3A_307 = tpu.memref_slice %arg3[%dma_start3A_295, %add3A_293, %dma_start3A_306] : memref<4x8192x1024xf32, #tpu.memory_space<hbm>> -> memref<1x32x1024xf32, #tpu.memory_space<hbm>>
    %dma_start3A_308 = tpu.memref_squeeze %dma_start3A_307 : memref<1x32x1024xf32, #tpu.memory_space<hbm>> -> memref<32x1024xf32, #tpu.memory_space<hbm>>
    %dma_start3A_309 = arith.constant 0 : i32
    %dma_start3A_310 = arith.constant 0 : i32
    %dma_start3A_311 = tpu.memref_slice %arg4[%dma_start3A_294, %dma_start3A_309, %dma_start3A_310] : memref<3x32x1024xf32, #tpu.memory_space<vmem>> -> memref<1x32x1024xf32, #tpu.memory_space<vmem>>
    %dma_start3A_312 = tpu.memref_squeeze %dma_start3A_311 : memref<1x32x1024xf32, #tpu.memory_space<vmem>> -> memref<32x1024xf32, #tpu.memory_space<vmem>>
    tpu.enqueue_dma source(%dma_start3A_312 : memref<32x1024xf32, #tpu.memory_space<vmem>>) target(%dma_start3A_308 : memref<32x1024xf32, #tpu.memory_space<hbm>>) target_semaphore(%dma_start3A_305 : memref<!tpu.dma_semaphore, #tpu.memory_space<semaphore_mem>>)
    %add3A_313 = arith.constant 64 : i32
    %add3A_314 = arith.addi %mul3A_2, %add3A_313 : i32
    %dma_start3A_315 = arith.constant 2 : i32
    %dma_start3A_316 = arith.constant 2 : i32
    %dma_start3A_317 = arith.constant 2 : i32
    %dma_start3A_318 = arith.constant 0 : i32
    %dma_start3A_319 = arith.constant 0 : i32
    %dma_start3A_320 = tpu.memref_slice %arg4[%dma_start3A_315, %dma_start3A_318, %dma_start3A_319] : memref<3x32x1024xf32, #tpu.memory_space<vmem>> -> memref<1x32x1024xf32, #tpu.memory_space<vmem>>
    %dma_start3A_321 = tpu.memref_squeeze %dma_start3A_320 : memref<1x32x1024xf32, #tpu.memory_space<vmem>> -> memref<32x1024xf32, #tpu.memory_space<vmem>>
    %dma_start3A_322 = arith.constant 0 : i32
    %dma_start3A_323 = tpu.memref_slice %arg3[%dma_start3A_316, %add3A_314, %dma_start3A_322] : memref<4x8192x1024xf32, #tpu.memory_space<hbm>> -> memref<1x32x1024xf32, #tpu.memory_space<hbm>>
    %dma_start3A_324 = tpu.memref_squeeze %dma_start3A_323 : memref<1x32x1024xf32, #tpu.memory_space<hbm>> -> memref<32x1024xf32, #tpu.memory_space<hbm>>
    %dma_start3A_325 = tpu.memref_slice %arg6[%dma_start3A_317] : memref<3x!tpu.dma_semaphore, #tpu.memory_space<semaphore_mem>> -> memref<1x!tpu.dma_semaphore, #tpu.memory_space<semaphore_mem>>
    %dma_start3A_326 = tpu.memref_squeeze %dma_start3A_325 : memref<1x!tpu.dma_semaphore, #tpu.memory_space<semaphore_mem>> -> memref<!tpu.dma_semaphore, #tpu.memory_space<semaphore_mem>>
    %dma_start3A_327 = arith.constant 0 : i32
    %dma_start3A_328 = tpu.memref_slice %arg3[%dma_start3A_316, %add3A_314, %dma_start3A_327] : memref<4x8192x1024xf32, #tpu.memory_space<hbm>> -> memref<1x32x1024xf32, #tpu.memory_space<hbm>>
    %dma_start3A_329 = tpu.memref_squeeze %dma_start3A_328 : memref<1x32x1024xf32, #tpu.memory_space<hbm>> -> memref<32x1024xf32, #tpu.memory_space<hbm>>
    %dma_start3A_330 = arith.constant 0 : i32
    %dma_start3A_331 = arith.constant 0 : i32
    %dma_start3A_332 = tpu.memref_slice %arg4[%dma_start3A_315, %dma_start3A_330, %dma_start3A_331] : memref<3x32x1024xf32, #tpu.memory_space<vmem>> -> memref<1x32x1024xf32, #tpu.memory_space<vmem>>
    %dma_start3A_333 = tpu.memref_squeeze %dma_start3A_332 : memref<1x32x1024xf32, #tpu.memory_space<vmem>> -> memref<32x1024xf32, #tpu.memory_space<vmem>>
    tpu.enqueue_dma source(%dma_start3A_333 : memref<32x1024xf32, #tpu.memory_space<vmem>>) target(%dma_start3A_329 : memref<32x1024xf32, #tpu.memory_space<hbm>>) target_semaphore(%dma_start3A_326 : memref<!tpu.dma_semaphore, #tpu.memory_space<semaphore_mem>>)
    %add3A_334 = arith.constant 64 : i32
    %add3A_335 = arith.addi %mul3A_2, %add3A_334 : i32
    %dma_start3A_336 = arith.constant 2 : i32
    %dma_start3A_337 = arith.constant 3 : i32
    %dma_start3A_338 = arith.constant 2 : i32
    %dma_start3A_339 = arith.constant 0 : i32
    %dma_start3A_340 = arith.constant 0 : i32
    %dma_start3A_341 = tpu.memref_slice %arg4[%dma_start3A_336, %dma_start3A_339, %dma_start3A_340] : memref<3x32x1024xf32, #tpu.memory_space<vmem>> -> memref<1x32x1024xf32, #tpu.memory_space<vmem>>
    %dma_start3A_342 = tpu.memref_squeeze %dma_start3A_341 : memref<1x32x1024xf32, #tpu.memory_space<vmem>> -> memref<32x1024xf32, #tpu.memory_space<vmem>>
    %dma_start3A_343 = arith.constant 0 : i32
    %dma_start3A_344 = tpu.memref_slice %arg3[%dma_start3A_337, %add3A_335, %dma_start3A_343] : memref<4x8192x1024xf32, #tpu.memory_space<hbm>> -> memref<1x32x1024xf32, #tpu.memory_space<hbm>>
    %dma_start3A_345 = tpu.memref_squeeze %dma_start3A_344 : memref<1x32x1024xf32, #tpu.memory_space<hbm>> -> memref<32x1024xf32, #tpu.memory_space<hbm>>
    %dma_start3A_346 = tpu.memref_slice %arg6[%dma_start3A_338] : memref<3x!tpu.dma_semaphore, #tpu.memory_space<semaphore_mem>> -> memref<1x!tpu.dma_semaphore, #tpu.memory_space<semaphore_mem>>
    %dma_start3A_347 = tpu.memref_squeeze %dma_start3A_346 : memref<1x!tpu.dma_semaphore, #tpu.memory_space<semaphore_mem>> -> memref<!tpu.dma_semaphore, #tpu.memory_space<semaphore_mem>>
    %dma_start3A_348 = arith.constant 0 : i32
    %dma_start3A_349 = tpu.memref_slice %arg3[%dma_start3A_337, %add3A_335, %dma_start3A_348] : memref<4x8192x1024xf32, #tpu.memory_space<hbm>> -> memref<1x32x1024xf32, #tpu.memory_space<hbm>>
    %dma_start3A_350 = tpu.memref_squeeze %dma_start3A_349 : memref<1x32x1024xf32, #tpu.memory_space<hbm>> -> memref<32x1024xf32, #tpu.memory_space<hbm>>
    %dma_start3A_351 = arith.constant 0 : i32
    %dma_start3A_352 = arith.constant 0 : i32
    %dma_start3A_353 = tpu.memref_slice %arg4[%dma_start3A_336, %dma_start3A_351, %dma_start3A_352] : memref<3x32x1024xf32, #tpu.memory_space<vmem>> -> memref<1x32x1024xf32, #tpu.memory_space<vmem>>
    %dma_start3A_354 = tpu.memref_squeeze %dma_start3A_353 : memref<1x32x1024xf32, #tpu.memory_space<vmem>> -> memref<32x1024xf32, #tpu.memory_space<vmem>>
    tpu.enqueue_dma source(%dma_start3A_354 : memref<32x1024xf32, #tpu.memory_space<vmem>>) target(%dma_start3A_350 : memref<32x1024xf32, #tpu.memory_space<hbm>>) target_semaphore(%dma_start3A_347 : memref<!tpu.dma_semaphore, #tpu.memory_space<semaphore_mem>>)
    %dma_wait3A_355 = arith.constant 0 : i32
    %dma_wait3A_356 = arith.constant 0 : i32
    %dma_wait3A_357 = arith.constant 0 : i32
    %dma_wait3A_358 = arith.constant 0 : i32
    %dma_wait3A_359 = arith.constant 0 : i32
    %dma_wait3A_360 = tpu.memref_slice %arg4[%dma_wait3A_355, %dma_wait3A_358, %dma_wait3A_359] : memref<3x32x1024xf32, #tpu.memory_space<vmem>> -> memref<1x32x1024xf32, #tpu.memory_space<vmem>>
    %dma_wait3A_361 = tpu.memref_squeeze %dma_wait3A_360 : memref<1x32x1024xf32, #tpu.memory_space<vmem>> -> memref<32x1024xf32, #tpu.memory_space<vmem>>
    %dma_wait3A_362 = arith.constant 0 : i32
    %dma_wait3A_363 = tpu.memref_slice %arg3[%dma_wait3A_356, %add3A_72, %dma_wait3A_362] : memref<4x8192x1024xf32, #tpu.memory_space<hbm>> -> memref<1x32x1024xf32, #tpu.memory_space<hbm>>
    %dma_wait3A_364 = tpu.memref_squeeze %dma_wait3A_363 : memref<1x32x1024xf32, #tpu.memory_space<hbm>> -> memref<32x1024xf32, #tpu.memory_space<hbm>>
    %dma_wait3A_365 = tpu.memref_slice %arg6[%dma_wait3A_357] : memref<3x!tpu.dma_semaphore, #tpu.memory_space<semaphore_mem>> -> memref<1x!tpu.dma_semaphore, #tpu.memory_space<semaphore_mem>>
    %dma_wait3A_366 = tpu.memref_squeeze %dma_wait3A_365 : memref<1x!tpu.dma_semaphore, #tpu.memory_space<semaphore_mem>> -> memref<!tpu.dma_semaphore, #tpu.memory_space<semaphore_mem>>
    %dma_wait3A_367 = arith.constant 0 : i32
    %dma_wait3A_368 = tpu.memref_slice %arg3[%dma_wait3A_356, %add3A_72, %dma_wait3A_367] : memref<4x8192x1024xf32, #tpu.memory_space<hbm>> -> memref<1x32x1024xf32, #tpu.memory_space<hbm>>
    %dma_wait3A_369 = tpu.memref_squeeze %dma_wait3A_368 : memref<1x32x1024xf32, #tpu.memory_space<hbm>> -> memref<32x1024xf32, #tpu.memory_space<hbm>>
    %dma_wait3A_370 = arith.constant 0 : i32
    %dma_wait3A_371 = arith.constant 0 : i32
    %dma_wait3A_372 = tpu.memref_slice %arg4[%dma_wait3A_355, %dma_wait3A_370, %dma_wait3A_371] : memref<3x32x1024xf32, #tpu.memory_space<vmem>> -> memref<1x32x1024xf32, #tpu.memory_space<vmem>>
    %dma_wait3A_373 = tpu.memref_squeeze %dma_wait3A_372 : memref<1x32x1024xf32, #tpu.memory_space<vmem>> -> memref<32x1024xf32, #tpu.memory_space<vmem>>
    tpu.wait_dma2 semaphore(%dma_wait3A_366 : memref<!tpu.dma_semaphore, #tpu.memory_space<semaphore_mem>>) src(%dma_wait3A_373 : memref<32x1024xf32, #tpu.memory_space<vmem>>) dst(%dma_wait3A_369 : memref<32x1024xf32, #tpu.memory_space<hbm>>)
    %dma_wait3A_374 = arith.constant 0 : i32
    %dma_wait3A_375 = arith.constant 1 : i32
    %dma_wait3A_376 = arith.constant 0 : i32
    %dma_wait3A_377 = arith.constant 0 : i32
    %dma_wait3A_378 = arith.constant 0 : i32
    %dma_wait3A_379 = tpu.memref_slice %arg4[%dma_wait3A_374, %dma_wait3A_377, %dma_wait3A_378] : memref<3x32x1024xf32, #tpu.memory_space<vmem>> -> memref<1x32x1024xf32, #tpu.memory_space<vmem>>
    %dma_wait3A_380 = tpu.memref_squeeze %dma_wait3A_379 : memref<1x32x1024xf32, #tpu.memory_space<vmem>> -> memref<32x1024xf32, #tpu.memory_space<vmem>>
    %dma_wait3A_381 = arith.constant 0 : i32
    %dma_wait3A_382 = tpu.memref_slice %arg3[%dma_wait3A_375, %add3A_93, %dma_wait3A_381] : memref<4x8192x1024xf32, #tpu.memory_space<hbm>> -> memref<1x32x1024xf32, #tpu.memory_space<hbm>>
    %dma_wait3A_383 = tpu.memref_squeeze %dma_wait3A_382 : memref<1x32x1024xf32, #tpu.memory_space<hbm>> -> memref<32x1024xf32, #tpu.memory_space<hbm>>
    %dma_wait3A_384 = tpu.memref_slice %arg6[%dma_wait3A_376] : memref<3x!tpu.dma_semaphore, #tpu.memory_space<semaphore_mem>> -> memref<1x!tpu.dma_semaphore, #tpu.memory_space<semaphore_mem>>
    %dma_wait3A_385 = tpu.memref_squeeze %dma_wait3A_384 : memref<1x!tpu.dma_semaphore, #tpu.memory_space<semaphore_mem>> -> memref<!tpu.dma_semaphore, #tpu.memory_space<semaphore_mem>>
    %dma_wait3A_386 = arith.constant 0 : i32
    %dma_wait3A_387 = tpu.memref_slice %arg3[%dma_wait3A_375, %add3A_93, %dma_wait3A_386] : memref<4x8192x1024xf32, #tpu.memory_space<hbm>> -> memref<1x32x1024xf32, #tpu.memory_space<hbm>>
    %dma_wait3A_388 = tpu.memref_squeeze %dma_wait3A_387 : memref<1x32x1024xf32, #tpu.memory_space<hbm>> -> memref<32x1024xf32, #tpu.memory_space<hbm>>
    %dma_wait3A_389 = arith.constant 0 : i32
    %dma_wait3A_390 = arith.constant 0 : i32
    %dma_wait3A_391 = tpu.memref_slice %arg4[%dma_wait3A_374, %dma_wait3A_389, %dma_wait3A_390] : memref<3x32x1024xf32, #tpu.memory_space<vmem>> -> memref<1x32x1024xf32, #tpu.memory_space<vmem>>
    %dma_wait3A_392 = tpu.memref_squeeze %dma_wait3A_391 : memref<1x32x1024xf32, #tpu.memory_space<vmem>> -> memref<32x1024xf32, #tpu.memory_space<vmem>>
    tpu.wait_dma2 semaphore(%dma_wait3A_385 : memref<!tpu.dma_semaphore, #tpu.memory_space<semaphore_mem>>) src(%dma_wait3A_392 : memref<32x1024xf32, #tpu.memory_space<vmem>>) dst(%dma_wait3A_388 : memref<32x1024xf32, #tpu.memory_space<hbm>>)
    %dma_wait3A_393 = arith.constant 0 : i32
    %dma_wait3A_394 = arith.constant 2 : i32
    %dma_wait3A_395 = arith.constant 0 : i32
    %dma_wait3A_396 = arith.constant 0 : i32
    %dma_wait3A_397 = arith.constant 0 : i32
    %dma_wait3A_398 = tpu.memref_slice %arg4[%dma_wait3A_393, %dma_wait3A_396, %dma_wait3A_397] : memref<3x32x1024xf32, #tpu.memory_space<vmem>> -> memref<1x32x1024xf32, #tpu.memory_space<vmem>>
    %dma_wait3A_399 = tpu.memref_squeeze %dma_wait3A_398 : memref<1x32x1024xf32, #tpu.memory_space<vmem>> -> memref<32x1024xf32, #tpu.memory_space<vmem>>
    %dma_wait3A_400 = arith.constant 0 : i32
    %dma_wait3A_401 = tpu.memref_slice %arg3[%dma_wait3A_394, %add3A_114, %dma_wait3A_400] : memref<4x8192x1024xf32, #tpu.memory_space<hbm>> -> memref<1x32x1024xf32, #tpu.memory_space<hbm>>
    %dma_wait3A_402 = tpu.memref_squeeze %dma_wait3A_401 : memref<1x32x1024xf32, #tpu.memory_space<hbm>> -> memref<32x1024xf32, #tpu.memory_space<hbm>>
    %dma_wait3A_403 = tpu.memref_slice %arg6[%dma_wait3A_395] : memref<3x!tpu.dma_semaphore, #tpu.memory_space<semaphore_mem>> -> memref<1x!tpu.dma_semaphore, #tpu.memory_space<semaphore_mem>>
    %dma_wait3A_404 = tpu.memref_squeeze %dma_wait3A_403 : memref<1x!tpu.dma_semaphore, #tpu.memory_space<semaphore_mem>> -> memref<!tpu.dma_semaphore, #tpu.memory_space<semaphore_mem>>
    %dma_wait3A_405 = arith.constant 0 : i32
    %dma_wait3A_406 = tpu.memref_slice %arg3[%dma_wait3A_394, %add3A_114, %dma_wait3A_405] : memref<4x8192x1024xf32, #tpu.memory_space<hbm>> -> memref<1x32x1024xf32, #tpu.memory_space<hbm>>
    %dma_wait3A_407 = tpu.memref_squeeze %dma_wait3A_406 : memref<1x32x1024xf32, #tpu.memory_space<hbm>> -> memref<32x1024xf32, #tpu.memory_space<hbm>>
    %dma_wait3A_408 = arith.constant 0 : i32
    %dma_wait3A_409 = arith.constant 0 : i32
    %dma_wait3A_410 = tpu.memref_slice %arg4[%dma_wait3A_393, %dma_wait3A_408, %dma_wait3A_409] : memref<3x32x1024xf32, #tpu.memory_space<vmem>> -> memref<1x32x1024xf32, #tpu.memory_space<vmem>>
    %dma_wait3A_411 = tpu.memref_squeeze %dma_wait3A_410 : memref<1x32x1024xf32, #tpu.memory_space<vmem>> -> memref<32x1024xf32, #tpu.memory_space<vmem>>
    tpu.wait_dma2 semaphore(%dma_wait3A_404 : memref<!tpu.dma_semaphore, #tpu.memory_space<semaphore_mem>>) src(%dma_wait3A_411 : memref<32x1024xf32, #tpu.memory_space<vmem>>) dst(%dma_wait3A_407 : memref<32x1024xf32, #tpu.memory_space<hbm>>)
    %dma_wait3A_412 = arith.constant 0 : i32
    %dma_wait3A_413 = arith.constant 3 : i32
    %dma_wait3A_414 = arith.constant 0 : i32
    %dma_wait3A_415 = arith.constant 0 : i32
    %dma_wait3A_416 = arith.constant 0 : i32
    %dma_wait3A_417 = tpu.memref_slice %arg4[%dma_wait3A_412, %dma_wait3A_415, %dma_wait3A_416] : memref<3x32x1024xf32, #tpu.memory_space<vmem>> -> memref<1x32x1024xf32, #tpu.memory_space<vmem>>
    %dma_wait3A_418 = tpu.memref_squeeze %dma_wait3A_417 : memref<1x32x1024xf32, #tpu.memory_space<vmem>> -> memref<32x1024xf32, #tpu.memory_space<vmem>>
    %dma_wait3A_419 = arith.constant 0 : i32
    %dma_wait3A_420 = tpu.memref_slice %arg3[%dma_wait3A_413, %add3A_135, %dma_wait3A_419] : memref<4x8192x1024xf32, #tpu.memory_space<hbm>> -> memref<1x32x1024xf32, #tpu.memory_space<hbm>>
    %dma_wait3A_421 = tpu.memref_squeeze %dma_wait3A_420 : memref<1x32x1024xf32, #tpu.memory_space<hbm>> -> memref<32x1024xf32, #tpu.memory_space<hbm>>
    %dma_wait3A_422 = tpu.memref_slice %arg6[%dma_wait3A_414] : memref<3x!tpu.dma_semaphore, #tpu.memory_space<semaphore_mem>> -> memref<1x!tpu.dma_semaphore, #tpu.memory_space<semaphore_mem>>
    %dma_wait3A_423 = tpu.memref_squeeze %dma_wait3A_422 : memref<1x!tpu.dma_semaphore, #tpu.memory_space<semaphore_mem>> -> memref<!tpu.dma_semaphore, #tpu.memory_space<semaphore_mem>>
    %dma_wait3A_424 = arith.constant 0 : i32
    %dma_wait3A_425 = tpu.memref_slice %arg3[%dma_wait3A_413, %add3A_135, %dma_wait3A_424] : memref<4x8192x1024xf32, #tpu.memory_space<hbm>> -> memref<1x32x1024xf32, #tpu.memory_space<hbm>>
    %dma_wait3A_426 = tpu.memref_squeeze %dma_wait3A_425 : memref<1x32x1024xf32, #tpu.memory_space<hbm>> -> memref<32x1024xf32, #tpu.memory_space<hbm>>
    %dma_wait3A_427 = arith.constant 0 : i32
    %dma_wait3A_428 = arith.constant 0 : i32
    %dma_wait3A_429 = tpu.memref_slice %arg4[%dma_wait3A_412, %dma_wait3A_427, %dma_wait3A_428] : memref<3x32x1024xf32, #tpu.memory_space<vmem>> -> memref<1x32x1024xf32, #tpu.memory_space<vmem>>
    %dma_wait3A_430 = tpu.memref_squeeze %dma_wait3A_429 : memref<1x32x1024xf32, #tpu.memory_space<vmem>> -> memref<32x1024xf32, #tpu.memory_space<vmem>>
    tpu.wait_dma2 semaphore(%dma_wait3A_423 : memref<!tpu.dma_semaphore, #tpu.memory_space<semaphore_mem>>) src(%dma_wait3A_430 : memref<32x1024xf32, #tpu.memory_space<vmem>>) dst(%dma_wait3A_426 : memref<32x1024xf32, #tpu.memory_space<hbm>>)
    %add3A_431 = arith.constant 96 : i32
    %add3A_432 = arith.addi %mul3A_2, %add3A_431 : i32
    %dma_start3A_433 = arith.constant 0 : i32
    %dma_start3A_434 = arith.constant 0 : i32
    %dma_start3A_435 = arith.constant 0 : i32
    %dma_start3A_436 = arith.constant 0 : i32
    %dma_start3A_437 = tpu.memref_slice %arg4[%dma_start3A_433, %dma_start3A_435, %dma_start3A_436] : memref<3x32x1024xf32, #tpu.memory_space<vmem>> -> memref<1x32x1024xf32, #tpu.memory_space<vmem>>
    %dma_start3A_438 = tpu.memref_squeeze %dma_start3A_437 : memref<1x32x1024xf32, #tpu.memory_space<vmem>> -> memref<32x1024xf32, #tpu.memory_space<vmem>>
    %dma_start3A_439 = arith.constant 0 : i32
    %dma_start3A_440 = tpu.memref_slice %arg2[%add3A_432, %dma_start3A_439] : memref<8192x1024xf32, #tpu.memory_space<hbm>> -> memref<32x1024xf32, #tpu.memory_space<hbm>>
    %dma_start3A_441 = tpu.memref_slice %arg5[%dma_start3A_434] : memref<3x!tpu.dma_semaphore, #tpu.memory_space<semaphore_mem>> -> memref<1x!tpu.dma_semaphore, #tpu.memory_space<semaphore_mem>>
    %dma_start3A_442 = tpu.memref_squeeze %dma_start3A_441 : memref<1x!tpu.dma_semaphore, #tpu.memory_space<semaphore_mem>> -> memref<!tpu.dma_semaphore, #tpu.memory_space<semaphore_mem>>
    %dma_start3A_443 = arith.constant 0 : i32
    %dma_start3A_444 = arith.constant 0 : i32
    %dma_start3A_445 = tpu.memref_slice %arg4[%dma_start3A_433, %dma_start3A_443, %dma_start3A_444] : memref<3x32x1024xf32, #tpu.memory_space<vmem>> -> memref<1x32x1024xf32, #tpu.memory_space<vmem>>
    %dma_start3A_446 = tpu.memref_squeeze %dma_start3A_445 : memref<1x32x1024xf32, #tpu.memory_space<vmem>> -> memref<32x1024xf32, #tpu.memory_space<vmem>>
    %dma_start3A_447 = arith.constant 0 : i32
    %dma_start3A_448 = tpu.memref_slice %arg2[%add3A_432, %dma_start3A_447] : memref<8192x1024xf32, #tpu.memory_space<hbm>> -> memref<32x1024xf32, #tpu.memory_space<hbm>>
    tpu.enqueue_dma source(%dma_start3A_448 : memref<32x1024xf32, #tpu.memory_space<hbm>>) target(%dma_start3A_446 : memref<32x1024xf32, #tpu.memory_space<vmem>>) target_semaphore(%dma_start3A_442 : memref<!tpu.dma_semaphore, #tpu.memory_space<semaphore_mem>>)
    %dma_wait3A_449 = arith.constant 0 : i32
    %dma_wait3A_450 = arith.constant 0 : i32
    %dma_wait3A_451 = arith.constant 0 : i32
    %dma_wait3A_452 = arith.constant 0 : i32
    %dma_wait3A_453 = tpu.memref_slice %arg4[%dma_wait3A_449, %dma_wait3A_451, %dma_wait3A_452] : memref<3x32x1024xf32, #tpu.memory_space<vmem>> -> memref<1x32x1024xf32, #tpu.memory_space<vmem>>
    %dma_wait3A_454 = tpu.memref_squeeze %dma_wait3A_453 : memref<1x32x1024xf32, #tpu.memory_space<vmem>> -> memref<32x1024xf32, #tpu.memory_space<vmem>>
    %dma_wait3A_455 = arith.constant 0 : i32
    %dma_wait3A_456 = tpu.memref_slice %arg2[%add3A_432, %dma_wait3A_455] : memref<8192x1024xf32, #tpu.memory_space<hbm>> -> memref<32x1024xf32, #tpu.memory_space<hbm>>
    %dma_wait3A_457 = tpu.memref_slice %arg5[%dma_wait3A_450] : memref<3x!tpu.dma_semaphore, #tpu.memory_space<semaphore_mem>> -> memref<1x!tpu.dma_semaphore, #tpu.memory_space<semaphore_mem>>
    %dma_wait3A_458 = tpu.memref_squeeze %dma_wait3A_457 : memref<1x!tpu.dma_semaphore, #tpu.memory_space<semaphore_mem>> -> memref<!tpu.dma_semaphore, #tpu.memory_space<semaphore_mem>>
    %dma_wait3A_459 = arith.constant 0 : i32
    %dma_wait3A_460 = arith.constant 0 : i32
    %dma_wait3A_461 = tpu.memref_slice %arg4[%dma_wait3A_449, %dma_wait3A_459, %dma_wait3A_460] : memref<3x32x1024xf32, #tpu.memory_space<vmem>> -> memref<1x32x1024xf32, #tpu.memory_space<vmem>>
    %dma_wait3A_462 = tpu.memref_squeeze %dma_wait3A_461 : memref<1x32x1024xf32, #tpu.memory_space<vmem>> -> memref<32x1024xf32, #tpu.memory_space<vmem>>
    %dma_wait3A_463 = arith.constant 0 : i32
    %dma_wait3A_464 = tpu.memref_slice %arg2[%add3A_432, %dma_wait3A_463] : memref<8192x1024xf32, #tpu.memory_space<hbm>> -> memref<32x1024xf32, #tpu.memory_space<hbm>>
    tpu.wait_dma2 semaphore(%dma_wait3A_458 : memref<!tpu.dma_semaphore, #tpu.memory_space<semaphore_mem>>) src(%dma_wait3A_464 : memref<32x1024xf32, #tpu.memory_space<hbm>>) dst(%dma_wait3A_462 : memref<32x1024xf32, #tpu.memory_space<vmem>>)
    %add3A_465 = arith.constant 96 : i32
    %add3A_466 = arith.addi %mul3A_2, %add3A_465 : i32
    %dma_start3A_467 = arith.constant 0 : i32
    %dma_start3A_468 = arith.constant 0 : i32
    %dma_start3A_469 = arith.constant 0 : i32
    %dma_start3A_470 = arith.constant 0 : i32
    %dma_start3A_471 = arith.constant 0 : i32
    %dma_start3A_472 = tpu.memref_slice %arg4[%dma_start3A_467, %dma_start3A_470, %dma_start3A_471] : memref<3x32x1024xf32, #tpu.memory_space<vmem>> -> memref<1x32x1024xf32, #tpu.memory_space<vmem>>
    %dma_start3A_473 = tpu.memref_squeeze %dma_start3A_472 : memref<1x32x1024xf32, #tpu.memory_space<vmem>> -> memref<32x1024xf32, #tpu.memory_space<vmem>>
    %dma_start3A_474 = arith.constant 0 : i32
    %dma_start3A_475 = tpu.memref_slice %arg3[%dma_start3A_468, %add3A_466, %dma_start3A_474] : memref<4x8192x1024xf32, #tpu.memory_space<hbm>> -> memref<1x32x1024xf32, #tpu.memory_space<hbm>>
    %dma_start3A_476 = tpu.memref_squeeze %dma_start3A_475 : memref<1x32x1024xf32, #tpu.memory_space<hbm>> -> memref<32x1024xf32, #tpu.memory_space<hbm>>
    %dma_start3A_477 = tpu.memref_slice %arg6[%dma_start3A_469] : memref<3x!tpu.dma_semaphore, #tpu.memory_space<semaphore_mem>> -> memref<1x!tpu.dma_semaphore, #tpu.memory_space<semaphore_mem>>
    %dma_start3A_478 = tpu.memref_squeeze %dma_start3A_477 : memref<1x!tpu.dma_semaphore, #tpu.memory_space<semaphore_mem>> -> memref<!tpu.dma_semaphore, #tpu.memory_space<semaphore_mem>>
    %dma_start3A_479 = arith.constant 0 : i32
    %dma_start3A_480 = tpu.memref_slice %arg3[%dma_start3A_468, %add3A_466, %dma_start3A_479] : memref<4x8192x1024xf32, #tpu.memory_space<hbm>> -> memref<1x32x1024xf32, #tpu.memory_space<hbm>>
    %dma_start3A_481 = tpu.memref_squeeze %dma_start3A_480 : memref<1x32x1024xf32, #tpu.memory_space<hbm>> -> memref<32x1024xf32, #tpu.memory_space<hbm>>
    %dma_start3A_482 = arith.constant 0 : i32
    %dma_start3A_483 = arith.constant 0 : i32
    %dma_start3A_484 = tpu.memref_slice %arg4[%dma_start3A_467, %dma_start3A_482, %dma_start3A_483] : memref<3x32x1024xf32, #tpu.memory_space<vmem>> -> memref<1x32x1024xf32, #tpu.memory_space<vmem>>
    %dma_start3A_485 = tpu.memref_squeeze %dma_start3A_484 : memref<1x32x1024xf32, #tpu.memory_space<vmem>> -> memref<32x1024xf32, #tpu.memory_space<vmem>>
    tpu.enqueue_dma source(%dma_start3A_485 : memref<32x1024xf32, #tpu.memory_space<vmem>>) target(%dma_start3A_481 : memref<32x1024xf32, #tpu.memory_space<hbm>>) target_semaphore(%dma_start3A_478 : memref<!tpu.dma_semaphore, #tpu.memory_space<semaphore_mem>>)
    %add3A_486 = arith.constant 96 : i32
    %add3A_487 = arith.addi %mul3A_2, %add3A_486 : i32
    %dma_start3A_488 = arith.constant 0 : i32
    %dma_start3A_489 = arith.constant 1 : i32
    %dma_start3A_490 = arith.constant 0 : i32
    %dma_start3A_491 = arith.constant 0 : i32
    %dma_start3A_492 = arith.constant 0 : i32
    %dma_start3A_493 = tpu.memref_slice %arg4[%dma_start3A_488, %dma_start3A_491, %dma_start3A_492] : memref<3x32x1024xf32, #tpu.memory_space<vmem>> -> memref<1x32x1024xf32, #tpu.memory_space<vmem>>
    %dma_start3A_494 = tpu.memref_squeeze %dma_start3A_493 : memref<1x32x1024xf32, #tpu.memory_space<vmem>> -> memref<32x1024xf32, #tpu.memory_space<vmem>>
    %dma_start3A_495 = arith.constant 0 : i32
    %dma_start3A_496 = tpu.memref_slice %arg3[%dma_start3A_489, %add3A_487, %dma_start3A_495] : memref<4x8192x1024xf32, #tpu.memory_space<hbm>> -> memref<1x32x1024xf32, #tpu.memory_space<hbm>>
    %dma_start3A_497 = tpu.memref_squeeze %dma_start3A_496 : memref<1x32x1024xf32, #tpu.memory_space<hbm>> -> memref<32x1024xf32, #tpu.memory_space<hbm>>
    %dma_start3A_498 = tpu.memref_slice %arg6[%dma_start3A_490] : memref<3x!tpu.dma_semaphore, #tpu.memory_space<semaphore_mem>> -> memref<1x!tpu.dma_semaphore, #tpu.memory_space<semaphore_mem>>
    %dma_start3A_499 = tpu.memref_squeeze %dma_start3A_498 : memref<1x!tpu.dma_semaphore, #tpu.memory_space<semaphore_mem>> -> memref<!tpu.dma_semaphore, #tpu.memory_space<semaphore_mem>>
    %dma_start3A_500 = arith.constant 0 : i32
    %dma_start3A_501 = tpu.memref_slice %arg3[%dma_start3A_489, %add3A_487, %dma_start3A_500] : memref<4x8192x1024xf32, #tpu.memory_space<hbm>> -> memref<1x32x1024xf32, #tpu.memory_space<hbm>>
    %dma_start3A_502 = tpu.memref_squeeze %dma_start3A_501 : memref<1x32x1024xf32, #tpu.memory_space<hbm>> -> memref<32x1024xf32, #tpu.memory_space<hbm>>
    %dma_start3A_503 = arith.constant 0 : i32
    %dma_start3A_504 = arith.constant 0 : i32
    %dma_start3A_505 = tpu.memref_slice %arg4[%dma_start3A_488, %dma_start3A_503, %dma_start3A_504] : memref<3x32x1024xf32, #tpu.memory_space<vmem>> -> memref<1x32x1024xf32, #tpu.memory_space<vmem>>
    %dma_start3A_506 = tpu.memref_squeeze %dma_start3A_505 : memref<1x32x1024xf32, #tpu.memory_space<vmem>> -> memref<32x1024xf32, #tpu.memory_space<vmem>>
    tpu.enqueue_dma source(%dma_start3A_506 : memref<32x1024xf32, #tpu.memory_space<vmem>>) target(%dma_start3A_502 : memref<32x1024xf32, #tpu.memory_space<hbm>>) target_semaphore(%dma_start3A_499 : memref<!tpu.dma_semaphore, #tpu.memory_space<semaphore_mem>>)
    %add3A_507 = arith.constant 96 : i32
    %add3A_508 = arith.addi %mul3A_2, %add3A_507 : i32
    %dma_start3A_509 = arith.constant 0 : i32
    %dma_start3A_510 = arith.constant 2 : i32
    %dma_start3A_511 = arith.constant 0 : i32
    %dma_start3A_512 = arith.constant 0 : i32
    %dma_start3A_513 = arith.constant 0 : i32
    %dma_start3A_514 = tpu.memref_slice %arg4[%dma_start3A_509, %dma_start3A_512, %dma_start3A_513] : memref<3x32x1024xf32, #tpu.memory_space<vmem>> -> memref<1x32x1024xf32, #tpu.memory_space<vmem>>
    %dma_start3A_515 = tpu.memref_squeeze %dma_start3A_514 : memref<1x32x1024xf32, #tpu.memory_space<vmem>> -> memref<32x1024xf32, #tpu.memory_space<vmem>>
    %dma_start3A_516 = arith.constant 0 : i32
    %dma_start3A_517 = tpu.memref_slice %arg3[%dma_start3A_510, %add3A_508, %dma_start3A_516] : memref<4x8192x1024xf32, #tpu.memory_space<hbm>> -> memref<1x32x1024xf32, #tpu.memory_space<hbm>>
    %dma_start3A_518 = tpu.memref_squeeze %dma_start3A_517 : memref<1x32x1024xf32, #tpu.memory_space<hbm>> -> memref<32x1024xf32, #tpu.memory_space<hbm>>
    %dma_start3A_519 = tpu.memref_slice %arg6[%dma_start3A_511] : memref<3x!tpu.dma_semaphore, #tpu.memory_space<semaphore_mem>> -> memref<1x!tpu.dma_semaphore, #tpu.memory_space<semaphore_mem>>
    %dma_start3A_520 = tpu.memref_squeeze %dma_start3A_519 : memref<1x!tpu.dma_semaphore, #tpu.memory_space<semaphore_mem>> -> memref<!tpu.dma_semaphore, #tpu.memory_space<semaphore_mem>>
    %dma_start3A_521 = arith.constant 0 : i32
    %dma_start3A_522 = tpu.memref_slice %arg3[%dma_start3A_510, %add3A_508, %dma_start3A_521] : memref<4x8192x1024xf32, #tpu.memory_space<hbm>> -> memref<1x32x1024xf32, #tpu.memory_space<hbm>>
    %dma_start3A_523 = tpu.memref_squeeze %dma_start3A_522 : memref<1x32x1024xf32, #tpu.memory_space<hbm>> -> memref<32x1024xf32, #tpu.memory_space<hbm>>
    %dma_start3A_524 = arith.constant 0 : i32
    %dma_start3A_525 = arith.constant 0 : i32
    %dma_start3A_526 = tpu.memref_slice %arg4[%dma_start3A_509, %dma_start3A_524, %dma_start3A_525] : memref<3x32x1024xf32, #tpu.memory_space<vmem>> -> memref<1x32x1024xf32, #tpu.memory_space<vmem>>
    %dma_start3A_527 = tpu.memref_squeeze %dma_start3A_526 : memref<1x32x1024xf32, #tpu.memory_space<vmem>> -> memref<32x1024xf32, #tpu.memory_space<vmem>>
    tpu.enqueue_dma source(%dma_start3A_527 : memref<32x1024xf32, #tpu.memory_space<vmem>>) target(%dma_start3A_523 : memref<32x1024xf32, #tpu.memory_space<hbm>>) target_semaphore(%dma_start3A_520 : memref<!tpu.dma_semaphore, #tpu.memory_space<semaphore_mem>>)
    %add3A_528 = arith.constant 96 : i32
    %add3A_529 = arith.addi %mul3A_2, %add3A_528 : i32
    %dma_start3A_530 = arith.constant 0 : i32
    %dma_start3A_531 = arith.constant 3 : i32
    %dma_start3A_532 = arith.constant 0 : i32
    %dma_start3A_533 = arith.constant 0 : i32
    %dma_start3A_534 = arith.constant 0 : i32
    %dma_start3A_535 = tpu.memref_slice %arg4[%dma_start3A_530, %dma_start3A_533, %dma_start3A_534] : memref<3x32x1024xf32, #tpu.memory_space<vmem>> -> memref<1x32x1024xf32, #tpu.memory_space<vmem>>
    %dma_start3A_536 = tpu.memref_squeeze %dma_start3A_535 : memref<1x32x1024xf32, #tpu.memory_space<vmem>> -> memref<32x1024xf32, #tpu.memory_space<vmem>>
    %dma_start3A_537 = arith.constant 0 : i32
    %dma_start3A_538 = tpu.memref_slice %arg3[%dma_start3A_531, %add3A_529, %dma_start3A_537] : memref<4x8192x1024xf32, #tpu.memory_space<hbm>> -> memref<1x32x1024xf32, #tpu.memory_space<hbm>>
    %dma_start3A_539 = tpu.memref_squeeze %dma_start3A_538 : memref<1x32x1024xf32, #tpu.memory_space<hbm>> -> memref<32x1024xf32, #tpu.memory_space<hbm>>
    %dma_start3A_540 = tpu.memref_slice %arg6[%dma_start3A_532] : memref<3x!tpu.dma_semaphore, #tpu.memory_space<semaphore_mem>> -> memref<1x!tpu.dma_semaphore, #tpu.memory_space<semaphore_mem>>
    %dma_start3A_541 = tpu.memref_squeeze %dma_start3A_540 : memref<1x!tpu.dma_semaphore, #tpu.memory_space<semaphore_mem>> -> memref<!tpu.dma_semaphore, #tpu.memory_space<semaphore_mem>>
    %dma_start3A_542 = arith.constant 0 : i32
    %dma_start3A_543 = tpu.memref_slice %arg3[%dma_start3A_531, %add3A_529, %dma_start3A_542] : memref<4x8192x1024xf32, #tpu.memory_space<hbm>> -> memref<1x32x1024xf32, #tpu.memory_space<hbm>>
    %dma_start3A_544 = tpu.memref_squeeze %dma_start3A_543 : memref<1x32x1024xf32, #tpu.memory_space<hbm>> -> memref<32x1024xf32, #tpu.memory_space<hbm>>
    %dma_start3A_545 = arith.constant 0 : i32
    %dma_start3A_546 = arith.constant 0 : i32
    %dma_start3A_547 = tpu.memref_slice %arg4[%dma_start3A_530, %dma_start3A_545, %dma_start3A_546] : memref<3x32x1024xf32, #tpu.memory_space<vmem>> -> memref<1x32x1024xf32, #tpu.memory_space<vmem>>
    %dma_start3A_548 = tpu.memref_squeeze %dma_start3A_547 : memref<1x32x1024xf32, #tpu.memory_space<vmem>> -> memref<32x1024xf32, #tpu.memory_space<vmem>>
    tpu.enqueue_dma source(%dma_start3A_548 : memref<32x1024xf32, #tpu.memory_space<vmem>>) target(%dma_start3A_544 : memref<32x1024xf32, #tpu.memory_space<hbm>>) target_semaphore(%dma_start3A_541 : memref<!tpu.dma_semaphore, #tpu.memory_space<semaphore_mem>>)
    %dma_wait3A_549 = arith.constant 1 : i32
    %dma_wait3A_550 = arith.constant 0 : i32
    %dma_wait3A_551 = arith.constant 1 : i32
    %dma_wait3A_552 = arith.constant 0 : i32
    %dma_wait3A_553 = arith.constant 0 : i32
    %dma_wait3A_554 = tpu.memref_slice %arg4[%dma_wait3A_549, %dma_wait3A_552, %dma_wait3A_553] : memref<3x32x1024xf32, #tpu.memory_space<vmem>> -> memref<1x32x1024xf32, #tpu.memory_space<vmem>>
    %dma_wait3A_555 = tpu.memref_squeeze %dma_wait3A_554 : memref<1x32x1024xf32, #tpu.memory_space<vmem>> -> memref<32x1024xf32, #tpu.memory_space<vmem>>
    %dma_wait3A_556 = arith.constant 0 : i32
    %dma_wait3A_557 = tpu.memref_slice %arg3[%dma_wait3A_550, %add3A_172, %dma_wait3A_556] : memref<4x8192x1024xf32, #tpu.memory_space<hbm>> -> memref<1x32x1024xf32, #tpu.memory_space<hbm>>
    %dma_wait3A_558 = tpu.memref_squeeze %dma_wait3A_557 : memref<1x32x1024xf32, #tpu.memory_space<hbm>> -> memref<32x1024xf32, #tpu.memory_space<hbm>>
    %dma_wait3A_559 = tpu.memref_slice %arg6[%dma_wait3A_551] : memref<3x!tpu.dma_semaphore, #tpu.memory_space<semaphore_mem>> -> memref<1x!tpu.dma_semaphore, #tpu.memory_space<semaphore_mem>>
    %dma_wait3A_560 = tpu.memref_squeeze %dma_wait3A_559 : memref<1x!tpu.dma_semaphore, #tpu.memory_space<semaphore_mem>> -> memref<!tpu.dma_semaphore, #tpu.memory_space<semaphore_mem>>
    %dma_wait3A_561 = arith.constant 0 : i32
    %dma_wait3A_562 = tpu.memref_slice %arg3[%dma_wait3A_550, %add3A_172, %dma_wait3A_561] : memref<4x8192x1024xf32, #tpu.memory_space<hbm>> -> memref<1x32x1024xf32, #tpu.memory_space<hbm>>
    %dma_wait3A_563 = tpu.memref_squeeze %dma_wait3A_562 : memref<1x32x1024xf32, #tpu.memory_space<hbm>> -> memref<32x1024xf32, #tpu.memory_space<hbm>>
    %dma_wait3A_564 = arith.constant 0 : i32
    %dma_wait3A_565 = arith.constant 0 : i32
    %dma_wait3A_566 = tpu.memref_slice %arg4[%dma_wait3A_549, %dma_wait3A_564, %dma_wait3A_565] : memref<3x32x1024xf32, #tpu.memory_space<vmem>> -> memref<1x32x1024xf32, #tpu.memory_space<vmem>>
    %dma_wait3A_567 = tpu.memref_squeeze %dma_wait3A_566 : memref<1x32x1024xf32, #tpu.memory_space<vmem>> -> memref<32x1024xf32, #tpu.memory_space<vmem>>
    tpu.wait_dma2 semaphore(%dma_wait3A_560 : memref<!tpu.dma_semaphore, #tpu.memory_space<semaphore_mem>>) src(%dma_wait3A_567 : memref<32x1024xf32, #tpu.memory_space<vmem>>) dst(%dma_wait3A_563 : memref<32x1024xf32, #tpu.memory_space<hbm>>)
    %dma_wait3A_568 = arith.constant 1 : i32
    %dma_wait3A_569 = arith.constant 1 : i32
    %dma_wait3A_570 = arith.constant 1 : i32
    %dma_wait3A_571 = arith.constant 0 : i32
    %dma_wait3A_572 = arith.constant 0 : i32
    %dma_wait3A_573 = tpu.memref_slice %arg4[%dma_wait3A_568, %dma_wait3A_571, %dma_wait3A_572] : memref<3x32x1024xf32, #tpu.memory_space<vmem>> -> memref<1x32x1024xf32, #tpu.memory_space<vmem>>
    %dma_wait3A_574 = tpu.memref_squeeze %dma_wait3A_573 : memref<1x32x1024xf32, #tpu.memory_space<vmem>> -> memref<32x1024xf32, #tpu.memory_space<vmem>>
    %dma_wait3A_575 = arith.constant 0 : i32
    %dma_wait3A_576 = tpu.memref_slice %arg3[%dma_wait3A_569, %add3A_193, %dma_wait3A_575] : memref<4x8192x1024xf32, #tpu.memory_space<hbm>> -> memref<1x32x1024xf32, #tpu.memory_space<hbm>>
    %dma_wait3A_577 = tpu.memref_squeeze %dma_wait3A_576 : memref<1x32x1024xf32, #tpu.memory_space<hbm>> -> memref<32x1024xf32, #tpu.memory_space<hbm>>
    %dma_wait3A_578 = tpu.memref_slice %arg6[%dma_wait3A_570] : memref<3x!tpu.dma_semaphore, #tpu.memory_space<semaphore_mem>> -> memref<1x!tpu.dma_semaphore, #tpu.memory_space<semaphore_mem>>
    %dma_wait3A_579 = tpu.memref_squeeze %dma_wait3A_578 : memref<1x!tpu.dma_semaphore, #tpu.memory_space<semaphore_mem>> -> memref<!tpu.dma_semaphore, #tpu.memory_space<semaphore_mem>>
    %dma_wait3A_580 = arith.constant 0 : i32
    %dma_wait3A_581 = tpu.memref_slice %arg3[%dma_wait3A_569, %add3A_193, %dma_wait3A_580] : memref<4x8192x1024xf32, #tpu.memory_space<hbm>> -> memref<1x32x1024xf32, #tpu.memory_space<hbm>>
    %dma_wait3A_582 = tpu.memref_squeeze %dma_wait3A_581 : memref<1x32x1024xf32, #tpu.memory_space<hbm>> -> memref<32x1024xf32, #tpu.memory_space<hbm>>
    %dma_wait3A_583 = arith.constant 0 : i32
    %dma_wait3A_584 = arith.constant 0 : i32
    %dma_wait3A_585 = tpu.memref_slice %arg4[%dma_wait3A_568, %dma_wait3A_583, %dma_wait3A_584] : memref<3x32x1024xf32, #tpu.memory_space<vmem>> -> memref<1x32x1024xf32, #tpu.memory_space<vmem>>
    %dma_wait3A_586 = tpu.memref_squeeze %dma_wait3A_585 : memref<1x32x1024xf32, #tpu.memory_space<vmem>> -> memref<32x1024xf32, #tpu.memory_space<vmem>>
    tpu.wait_dma2 semaphore(%dma_wait3A_579 : memref<!tpu.dma_semaphore, #tpu.memory_space<semaphore_mem>>) src(%dma_wait3A_586 : memref<32x1024xf32, #tpu.memory_space<vmem>>) dst(%dma_wait3A_582 : memref<32x1024xf32, #tpu.memory_space<hbm>>)
    %dma_wait3A_587 = arith.constant 1 : i32
    %dma_wait3A_588 = arith.constant 2 : i32
    %dma_wait3A_589 = arith.constant 1 : i32
    %dma_wait3A_590 = arith.constant 0 : i32
    %dma_wait3A_591 = arith.constant 0 : i32
    %dma_wait3A_592 = tpu.memref_slice %arg4[%dma_wait3A_587, %dma_wait3A_590, %dma_wait3A_591] : memref<3x32x1024xf32, #tpu.memory_space<vmem>> -> memref<1x32x1024xf32, #tpu.memory_space<vmem>>
    %dma_wait3A_593 = tpu.memref_squeeze %dma_wait3A_592 : memref<1x32x1024xf32, #tpu.memory_space<vmem>> -> memref<32x1024xf32, #tpu.memory_space<vmem>>
    %dma_wait3A_594 = arith.constant 0 : i32
    %dma_wait3A_595 = tpu.memref_slice %arg3[%dma_wait3A_588, %add3A_214, %dma_wait3A_594] : memref<4x8192x1024xf32, #tpu.memory_space<hbm>> -> memref<1x32x1024xf32, #tpu.memory_space<hbm>>
    %dma_wait3A_596 = tpu.memref_squeeze %dma_wait3A_595 : memref<1x32x1024xf32, #tpu.memory_space<hbm>> -> memref<32x1024xf32, #tpu.memory_space<hbm>>
    %dma_wait3A_597 = tpu.memref_slice %arg6[%dma_wait3A_589] : memref<3x!tpu.dma_semaphore, #tpu.memory_space<semaphore_mem>> -> memref<1x!tpu.dma_semaphore, #tpu.memory_space<semaphore_mem>>
    %dma_wait3A_598 = tpu.memref_squeeze %dma_wait3A_597 : memref<1x!tpu.dma_semaphore, #tpu.memory_space<semaphore_mem>> -> memref<!tpu.dma_semaphore, #tpu.memory_space<semaphore_mem>>
    %dma_wait3A_599 = arith.constant 0 : i32
    %dma_wait3A_600 = tpu.memref_slice %arg3[%dma_wait3A_588, %add3A_214, %dma_wait3A_599] : memref<4x8192x1024xf32, #tpu.memory_space<hbm>> -> memref<1x32x1024xf32, #tpu.memory_space<hbm>>
    %dma_wait3A_601 = tpu.memref_squeeze %dma_wait3A_600 : memref<1x32x1024xf32, #tpu.memory_space<hbm>> -> memref<32x1024xf32, #tpu.memory_space<hbm>>
    %dma_wait3A_602 = arith.constant 0 : i32
    %dma_wait3A_603 = arith.constant 0 : i32
    %dma_wait3A_604 = tpu.memref_slice %arg4[%dma_wait3A_587, %dma_wait3A_602, %dma_wait3A_603] : memref<3x32x1024xf32, #tpu.memory_space<vmem>> -> memref<1x32x1024xf32, #tpu.memory_space<vmem>>
    %dma_wait3A_605 = tpu.memref_squeeze %dma_wait3A_604 : memref<1x32x1024xf32, #tpu.memory_space<vmem>> -> memref<32x1024xf32, #tpu.memory_space<vmem>>
    tpu.wait_dma2 semaphore(%dma_wait3A_598 : memref<!tpu.dma_semaphore, #tpu.memory_space<semaphore_mem>>) src(%dma_wait3A_605 : memref<32x1024xf32, #tpu.memory_space<vmem>>) dst(%dma_wait3A_601 : memref<32x1024xf32, #tpu.memory_space<hbm>>)
    %dma_wait3A_606 = arith.constant 1 : i32
    %dma_wait3A_607 = arith.constant 3 : i32
    %dma_wait3A_608 = arith.constant 1 : i32
    %dma_wait3A_609 = arith.constant 0 : i32
    %dma_wait3A_610 = arith.constant 0 : i32
    %dma_wait3A_611 = tpu.memref_slice %arg4[%dma_wait3A_606, %dma_wait3A_609, %dma_wait3A_610] : memref<3x32x1024xf32, #tpu.memory_space<vmem>> -> memref<1x32x1024xf32, #tpu.memory_space<vmem>>
    %dma_wait3A_612 = tpu.memref_squeeze %dma_wait3A_611 : memref<1x32x1024xf32, #tpu.memory_space<vmem>> -> memref<32x1024xf32, #tpu.memory_space<vmem>>
    %dma_wait3A_613 = arith.constant 0 : i32
    %dma_wait3A_614 = tpu.memref_slice %arg3[%dma_wait3A_607, %add3A_235, %dma_wait3A_613] : memref<4x8192x1024xf32, #tpu.memory_space<hbm>> -> memref<1x32x1024xf32, #tpu.memory_space<hbm>>
    %dma_wait3A_615 = tpu.memref_squeeze %dma_wait3A_614 : memref<1x32x1024xf32, #tpu.memory_space<hbm>> -> memref<32x1024xf32, #tpu.memory_space<hbm>>
    %dma_wait3A_616 = tpu.memref_slice %arg6[%dma_wait3A_608] : memref<3x!tpu.dma_semaphore, #tpu.memory_space<semaphore_mem>> -> memref<1x!tpu.dma_semaphore, #tpu.memory_space<semaphore_mem>>
    %dma_wait3A_617 = tpu.memref_squeeze %dma_wait3A_616 : memref<1x!tpu.dma_semaphore, #tpu.memory_space<semaphore_mem>> -> memref<!tpu.dma_semaphore, #tpu.memory_space<semaphore_mem>>
    %dma_wait3A_618 = arith.constant 0 : i32
    %dma_wait3A_619 = tpu.memref_slice %arg3[%dma_wait3A_607, %add3A_235, %dma_wait3A_618] : memref<4x8192x1024xf32, #tpu.memory_space<hbm>> -> memref<1x32x1024xf32, #tpu.memory_space<hbm>>
    %dma_wait3A_620 = tpu.memref_squeeze %dma_wait3A_619 : memref<1x32x1024xf32, #tpu.memory_space<hbm>> -> memref<32x1024xf32, #tpu.memory_space<hbm>>
    %dma_wait3A_621 = arith.constant 0 : i32
    %dma_wait3A_622 = arith.constant 0 : i32
    %dma_wait3A_623 = tpu.memref_slice %arg4[%dma_wait3A_606, %dma_wait3A_621, %dma_wait3A_622] : memref<3x32x1024xf32, #tpu.memory_space<vmem>> -> memref<1x32x1024xf32, #tpu.memory_space<vmem>>
    %dma_wait3A_624 = tpu.memref_squeeze %dma_wait3A_623 : memref<1x32x1024xf32, #tpu.memory_space<vmem>> -> memref<32x1024xf32, #tpu.memory_space<vmem>>
    tpu.wait_dma2 semaphore(%dma_wait3A_617 : memref<!tpu.dma_semaphore, #tpu.memory_space<semaphore_mem>>) src(%dma_wait3A_624 : memref<32x1024xf32, #tpu.memory_space<vmem>>) dst(%dma_wait3A_620 : memref<32x1024xf32, #tpu.memory_space<hbm>>)
    %add3A_625 = arith.constant 128 : i32
    %add3A_626 = arith.addi %mul3A_2, %add3A_625 : i32
    %dma_start3A_627 = arith.constant 1 : i32
    %dma_start3A_628 = arith.constant 1 : i32
    %dma_start3A_629 = arith.constant 0 : i32
    %dma_start3A_630 = arith.constant 0 : i32
    %dma_start3A_631 = tpu.memref_slice %arg4[%dma_start3A_627, %dma_start3A_629, %dma_start3A_630] : memref<3x32x1024xf32, #tpu.memory_space<vmem>> -> memref<1x32x1024xf32, #tpu.memory_space<vmem>>
    %dma_start3A_632 = tpu.memref_squeeze %dma_start3A_631 : memref<1x32x1024xf32, #tpu.memory_space<vmem>> -> memref<32x1024xf32, #tpu.memory_space<vmem>>
    %dma_start3A_633 = arith.constant 0 : i32
    %dma_start3A_634 = tpu.memref_slice %arg2[%add3A_626, %dma_start3A_633] : memref<8192x1024xf32, #tpu.memory_space<hbm>> -> memref<32x1024xf32, #tpu.memory_space<hbm>>
    %dma_start3A_635 = tpu.memref_slice %arg5[%dma_start3A_628] : memref<3x!tpu.dma_semaphore, #tpu.memory_space<semaphore_mem>> -> memref<1x!tpu.dma_semaphore, #tpu.memory_space<semaphore_mem>>
    %dma_start3A_636 = tpu.memref_squeeze %dma_start3A_635 : memref<1x!tpu.dma_semaphore, #tpu.memory_space<semaphore_mem>> -> memref<!tpu.dma_semaphore, #tpu.memory_space<semaphore_mem>>
    %dma_start3A_637 = arith.constant 0 : i32
    %dma_start3A_638 = arith.constant 0 : i32
    %dma_start3A_639 = tpu.memref_slice %arg4[%dma_start3A_627, %dma_start3A_637, %dma_start3A_638] : memref<3x32x1024xf32, #tpu.memory_space<vmem>> -> memref<1x32x1024xf32, #tpu.memory_space<vmem>>
    %dma_start3A_640 = tpu.memref_squeeze %dma_start3A_639 : memref<1x32x1024xf32, #tpu.memory_space<vmem>> -> memref<32x1024xf32, #tpu.memory_space<vmem>>
    %dma_start3A_641 = arith.constant 0 : i32
    %dma_start3A_642 = tpu.memref_slice %arg2[%add3A_626, %dma_start3A_641] : memref<8192x1024xf32, #tpu.memory_space<hbm>> -> memref<32x1024xf32, #tpu.memory_space<hbm>>
    tpu.enqueue_dma source(%dma_start3A_642 : memref<32x1024xf32, #tpu.memory_space<hbm>>) target(%dma_start3A_640 : memref<32x1024xf32, #tpu.memory_space<vmem>>) target_semaphore(%dma_start3A_636 : memref<!tpu.dma_semaphore, #tpu.memory_space<semaphore_mem>>)
    %dma_wait3A_643 = arith.constant 1 : i32
    %dma_wait3A_644 = arith.constant 1 : i32
    %dma_wait3A_645 = arith.constant 0 : i32
    %dma_wait3A_646 = arith.constant 0 : i32
    %dma_wait3A_647 = tpu.memref_slice %arg4[%dma_wait3A_643, %dma_wait3A_645, %dma_wait3A_646] : memref<3x32x1024xf32, #tpu.memory_space<vmem>> -> memref<1x32x1024xf32, #tpu.memory_space<vmem>>
    %dma_wait3A_648 = tpu.memref_squeeze %dma_wait3A_647 : memref<1x32x1024xf32, #tpu.memory_space<vmem>> -> memref<32x1024xf32, #tpu.memory_space<vmem>>
    %dma_wait3A_649 = arith.constant 0 : i32
    %dma_wait3A_650 = tpu.memref_slice %arg2[%add3A_626, %dma_wait3A_649] : memref<8192x1024xf32, #tpu.memory_space<hbm>> -> memref<32x1024xf32, #tpu.memory_space<hbm>>
    %dma_wait3A_651 = tpu.memref_slice %arg5[%dma_wait3A_644] : memref<3x!tpu.dma_semaphore, #tpu.memory_space<semaphore_mem>> -> memref<1x!tpu.dma_semaphore, #tpu.memory_space<semaphore_mem>>
    %dma_wait3A_652 = tpu.memref_squeeze %dma_wait3A_651 : memref<1x!tpu.dma_semaphore, #tpu.memory_space<semaphore_mem>> -> memref<!tpu.dma_semaphore, #tpu.memory_space<semaphore_mem>>
    %dma_wait3A_653 = arith.constant 0 : i32
    %dma_wait3A_654 = arith.constant 0 : i32
    %dma_wait3A_655 = tpu.memref_slice %arg4[%dma_wait3A_643, %dma_wait3A_653, %dma_wait3A_654] : memref<3x32x1024xf32, #tpu.memory_space<vmem>> -> memref<1x32x1024xf32, #tpu.memory_space<vmem>>
    %dma_wait3A_656 = tpu.memref_squeeze %dma_wait3A_655 : memref<1x32x1024xf32, #tpu.memory_space<vmem>> -> memref<32x1024xf32, #tpu.memory_space<vmem>>
    %dma_wait3A_657 = arith.constant 0 : i32
    %dma_wait3A_658 = tpu.memref_slice %arg2[%add3A_626, %dma_wait3A_657] : memref<8192x1024xf32, #tpu.memory_space<hbm>> -> memref<32x1024xf32, #tpu.memory_space<hbm>>
    tpu.wait_dma2 semaphore(%dma_wait3A_652 : memref<!tpu.dma_semaphore, #tpu.memory_space<semaphore_mem>>) src(%dma_wait3A_658 : memref<32x1024xf32, #tpu.memory_space<hbm>>) dst(%dma_wait3A_656 : memref<32x1024xf32, #tpu.memory_space<vmem>>)
    %add3A_659 = arith.constant 128 : i32
    %add3A_660 = arith.addi %mul3A_2, %add3A_659 : i32
    %dma_start3A_661 = arith.constant 1 : i32
    %dma_start3A_662 = arith.constant 0 : i32
    %dma_start3A_663 = arith.constant 1 : i32
    %dma_start3A_664 = arith.constant 0 : i32
    %dma_start3A_665 = arith.constant 0 : i32
    %dma_start3A_666 = tpu.memref_slice %arg4[%dma_start3A_661, %dma_start3A_664, %dma_start3A_665] : memref<3x32x1024xf32, #tpu.memory_space<vmem>> -> memref<1x32x1024xf32, #tpu.memory_space<vmem>>
    %dma_start3A_667 = tpu.memref_squeeze %dma_start3A_666 : memref<1x32x1024xf32, #tpu.memory_space<vmem>> -> memref<32x1024xf32, #tpu.memory_space<vmem>>
    %dma_start3A_668 = arith.constant 0 : i32
    %dma_start3A_669 = tpu.memref_slice %arg3[%dma_start3A_662, %add3A_660, %dma_start3A_668] : memref<4x8192x1024xf32, #tpu.memory_space<hbm>> -> memref<1x32x1024xf32, #tpu.memory_space<hbm>>
    %dma_start3A_670 = tpu.memref_squeeze %dma_start3A_669 : memref<1x32x1024xf32, #tpu.memory_space<hbm>> -> memref<32x1024xf32, #tpu.memory_space<hbm>>
    %dma_start3A_671 = tpu.memref_slice %arg6[%dma_start3A_663] : memref<3x!tpu.dma_semaphore, #tpu.memory_space<semaphore_mem>> -> memref<1x!tpu.dma_semaphore, #tpu.memory_space<semaphore_mem>>
    %dma_start3A_672 = tpu.memref_squeeze %dma_start3A_671 : memref<1x!tpu.dma_semaphore, #tpu.memory_space<semaphore_mem>> -> memref<!tpu.dma_semaphore, #tpu.memory_space<semaphore_mem>>
    %dma_start3A_673 = arith.constant 0 : i32
    %dma_start3A_674 = tpu.memref_slice %arg3[%dma_start3A_662, %add3A_660, %dma_start3A_673] : memref<4x8192x1024xf32, #tpu.memory_space<hbm>> -> memref<1x32x1024xf32, #tpu.memory_space<hbm>>
    %dma_start3A_675 = tpu.memref_squeeze %dma_start3A_674 : memref<1x32x1024xf32, #tpu.memory_space<hbm>> -> memref<32x1024xf32, #tpu.memory_space<hbm>>
    %dma_start3A_676 = arith.constant 0 : i32
    %dma_start3A_677 = arith.constant 0 : i32
    %dma_start3A_678 = tpu.memref_slice %arg4[%dma_start3A_661, %dma_start3A_676, %dma_start3A_677] : memref<3x32x1024xf32, #tpu.memory_space<vmem>> -> memref<1x32x1024xf32, #tpu.memory_space<vmem>>
    %dma_start3A_679 = tpu.memref_squeeze %dma_start3A_678 : memref<1x32x1024xf32, #tpu.memory_space<vmem>> -> memref<32x1024xf32, #tpu.memory_space<vmem>>
    tpu.enqueue_dma source(%dma_start3A_679 : memref<32x1024xf32, #tpu.memory_space<vmem>>) target(%dma_start3A_675 : memref<32x1024xf32, #tpu.memory_space<hbm>>) target_semaphore(%dma_start3A_672 : memref<!tpu.dma_semaphore, #tpu.memory_space<semaphore_mem>>)
    %add3A_680 = arith.constant 128 : i32
    %add3A_681 = arith.addi %mul3A_2, %add3A_680 : i32
    %dma_start3A_682 = arith.constant 1 : i32
    %dma_start3A_683 = arith.constant 1 : i32
    %dma_start3A_684 = arith.constant 1 : i32
    %dma_start3A_685 = arith.constant 0 : i32
    %dma_start3A_686 = arith.constant 0 : i32
    %dma_start3A_687 = tpu.memref_slice %arg4[%dma_start3A_682, %dma_start3A_685, %dma_start3A_686] : memref<3x32x1024xf32, #tpu.memory_space<vmem>> -> memref<1x32x1024xf32, #tpu.memory_space<vmem>>
    %dma_start3A_688 = tpu.memref_squeeze %dma_start3A_687 : memref<1x32x1024xf32, #tpu.memory_space<vmem>> -> memref<32x1024xf32, #tpu.memory_space<vmem>>
    %dma_start3A_689 = arith.constant 0 : i32
    %dma_start3A_690 = tpu.memref_slice %arg3[%dma_start3A_683, %add3A_681, %dma_start3A_689] : memref<4x8192x1024xf32, #tpu.memory_space<hbm>> -> memref<1x32x1024xf32, #tpu.memory_space<hbm>>
    %dma_start3A_691 = tpu.memref_squeeze %dma_start3A_690 : memref<1x32x1024xf32, #tpu.memory_space<hbm>> -> memref<32x1024xf32, #tpu.memory_space<hbm>>
    %dma_start3A_692 = tpu.memref_slice %arg6[%dma_start3A_684] : memref<3x!tpu.dma_semaphore, #tpu.memory_space<semaphore_mem>> -> memref<1x!tpu.dma_semaphore, #tpu.memory_space<semaphore_mem>>
    %dma_start3A_693 = tpu.memref_squeeze %dma_start3A_692 : memref<1x!tpu.dma_semaphore, #tpu.memory_space<semaphore_mem>> -> memref<!tpu.dma_semaphore, #tpu.memory_space<semaphore_mem>>
    %dma_start3A_694 = arith.constant 0 : i32
    %dma_start3A_695 = tpu.memref_slice %arg3[%dma_start3A_683, %add3A_681, %dma_start3A_694] : memref<4x8192x1024xf32, #tpu.memory_space<hbm>> -> memref<1x32x1024xf32, #tpu.memory_space<hbm>>
    %dma_start3A_696 = tpu.memref_squeeze %dma_start3A_695 : memref<1x32x1024xf32, #tpu.memory_space<hbm>> -> memref<32x1024xf32, #tpu.memory_space<hbm>>
    %dma_start3A_697 = arith.constant 0 : i32
    %dma_start3A_698 = arith.constant 0 : i32
    %dma_start3A_699 = tpu.memref_slice %arg4[%dma_start3A_682, %dma_start3A_697, %dma_start3A_698] : memref<3x32x1024xf32, #tpu.memory_space<vmem>> -> memref<1x32x1024xf32, #tpu.memory_space<vmem>>
    %dma_start3A_700 = tpu.memref_squeeze %dma_start3A_699 : memref<1x32x1024xf32, #tpu.memory_space<vmem>> -> memref<32x1024xf32, #tpu.memory_space<vmem>>
    tpu.enqueue_dma source(%dma_start3A_700 : memref<32x1024xf32, #tpu.memory_space<vmem>>) target(%dma_start3A_696 : memref<32x1024xf32, #tpu.memory_space<hbm>>) target_semaphore(%dma_start3A_693 : memref<!tpu.dma_semaphore, #tpu.memory_space<semaphore_mem>>)
    %add3A_701 = arith.constant 128 : i32
    %add3A_702 = arith.addi %mul3A_2, %add3A_701 : i32
    %dma_start3A_703 = arith.constant 1 : i32
    %dma_start3A_704 = arith.constant 2 : i32
    %dma_start3A_705 = arith.constant 1 : i32
    %dma_start3A_706 = arith.constant 0 : i32
    %dma_start3A_707 = arith.constant 0 : i32
    %dma_start3A_708 = tpu.memref_slice %arg4[%dma_start3A_703, %dma_start3A_706, %dma_start3A_707] : memref<3x32x1024xf32, #tpu.memory_space<vmem>> -> memref<1x32x1024xf32, #tpu.memory_space<vmem>>
    %dma_start3A_709 = tpu.memref_squeeze %dma_start3A_708 : memref<1x32x1024xf32, #tpu.memory_space<vmem>> -> memref<32x1024xf32, #tpu.memory_space<vmem>>
    %dma_start3A_710 = arith.constant 0 : i32
    %dma_start3A_711 = tpu.memref_slice %arg3[%dma_start3A_704, %add3A_702, %dma_start3A_710] : memref<4x8192x1024xf32, #tpu.memory_space<hbm>> -> memref<1x32x1024xf32, #tpu.memory_space<hbm>>
    %dma_start3A_712 = tpu.memref_squeeze %dma_start3A_711 : memref<1x32x1024xf32, #tpu.memory_space<hbm>> -> memref<32x1024xf32, #tpu.memory_space<hbm>>
    %dma_start3A_713 = tpu.memref_slice %arg6[%dma_start3A_705] : memref<3x!tpu.dma_semaphore, #tpu.memory_space<semaphore_mem>> -> memref<1x!tpu.dma_semaphore, #tpu.memory_space<semaphore_mem>>
    %dma_start3A_714 = tpu.memref_squeeze %dma_start3A_713 : memref<1x!tpu.dma_semaphore, #tpu.memory_space<semaphore_mem>> -> memref<!tpu.dma_semaphore, #tpu.memory_space<semaphore_mem>>
    %dma_start3A_715 = arith.constant 0 : i32
    %dma_start3A_716 = tpu.memref_slice %arg3[%dma_start3A_704, %add3A_702, %dma_start3A_715] : memref<4x8192x1024xf32, #tpu.memory_space<hbm>> -> memref<1x32x1024xf32, #tpu.memory_space<hbm>>
    %dma_start3A_717 = tpu.memref_squeeze %dma_start3A_716 : memref<1x32x1024xf32, #tpu.memory_space<hbm>> -> memref<32x1024xf32, #tpu.memory_space<hbm>>
    %dma_start3A_718 = arith.constant 0 : i32
    %dma_start3A_719 = arith.constant 0 : i32
    %dma_start3A_720 = tpu.memref_slice %arg4[%dma_start3A_703, %dma_start3A_718, %dma_start3A_719] : memref<3x32x1024xf32, #tpu.memory_space<vmem>> -> memref<1x32x1024xf32, #tpu.memory_space<vmem>>
    %dma_start3A_721 = tpu.memref_squeeze %dma_start3A_720 : memref<1x32x1024xf32, #tpu.memory_space<vmem>> -> memref<32x1024xf32, #tpu.memory_space<vmem>>
    tpu.enqueue_dma source(%dma_start3A_721 : memref<32x1024xf32, #tpu.memory_space<vmem>>) target(%dma_start3A_717 : memref<32x1024xf32, #tpu.memory_space<hbm>>) target_semaphore(%dma_start3A_714 : memref<!tpu.dma_semaphore, #tpu.memory_space<semaphore_mem>>)
    %add3A_722 = arith.constant 128 : i32
    %add3A_723 = arith.addi %mul3A_2, %add3A_722 : i32
    %dma_start3A_724 = arith.constant 1 : i32
    %dma_start3A_725 = arith.constant 3 : i32
    %dma_start3A_726 = arith.constant 1 : i32
    %dma_start3A_727 = arith.constant 0 : i32
    %dma_start3A_728 = arith.constant 0 : i32
    %dma_start3A_729 = tpu.memref_slice %arg4[%dma_start3A_724, %dma_start3A_727, %dma_start3A_728] : memref<3x32x1024xf32, #tpu.memory_space<vmem>> -> memref<1x32x1024xf32, #tpu.memory_space<vmem>>
    %dma_start3A_730 = tpu.memref_squeeze %dma_start3A_729 : memref<1x32x1024xf32, #tpu.memory_space<vmem>> -> memref<32x1024xf32, #tpu.memory_space<vmem>>
    %dma_start3A_731 = arith.constant 0 : i32
    %dma_start3A_732 = tpu.memref_slice %arg3[%dma_start3A_725, %add3A_723, %dma_start3A_731] : memref<4x8192x1024xf32, #tpu.memory_space<hbm>> -> memref<1x32x1024xf32, #tpu.memory_space<hbm>>
    %dma_start3A_733 = tpu.memref_squeeze %dma_start3A_732 : memref<1x32x1024xf32, #tpu.memory_space<hbm>> -> memref<32x1024xf32, #tpu.memory_space<hbm>>
    %dma_start3A_734 = tpu.memref_slice %arg6[%dma_start3A_726] : memref<3x!tpu.dma_semaphore, #tpu.memory_space<semaphore_mem>> -> memref<1x!tpu.dma_semaphore, #tpu.memory_space<semaphore_mem>>
    %dma_start3A_735 = tpu.memref_squeeze %dma_start3A_734 : memref<1x!tpu.dma_semaphore, #tpu.memory_space<semaphore_mem>> -> memref<!tpu.dma_semaphore, #tpu.memory_space<semaphore_mem>>
    %dma_start3A_736 = arith.constant 0 : i32
    %dma_start3A_737 = tpu.memref_slice %arg3[%dma_start3A_725, %add3A_723, %dma_start3A_736] : memref<4x8192x1024xf32, #tpu.memory_space<hbm>> -> memref<1x32x1024xf32, #tpu.memory_space<hbm>>
    %dma_start3A_738 = tpu.memref_squeeze %dma_start3A_737 : memref<1x32x1024xf32, #tpu.memory_space<hbm>> -> memref<32x1024xf32, #tpu.memory_space<hbm>>
    %dma_start3A_739 = arith.constant 0 : i32
    %dma_start3A_740 = arith.constant 0 : i32
    %dma_start3A_741 = tpu.memref_slice %arg4[%dma_start3A_724, %dma_start3A_739, %dma_start3A_740] : memref<3x32x1024xf32, #tpu.memory_space<vmem>> -> memref<1x32x1024xf32, #tpu.memory_space<vmem>>
    %dma_start3A_742 = tpu.memref_squeeze %dma_start3A_741 : memref<1x32x1024xf32, #tpu.memory_space<vmem>> -> memref<32x1024xf32, #tpu.memory_space<vmem>>
    tpu.enqueue_dma source(%dma_start3A_742 : memref<32x1024xf32, #tpu.memory_space<vmem>>) target(%dma_start3A_738 : memref<32x1024xf32, #tpu.memory_space<hbm>>) target_semaphore(%dma_start3A_735 : memref<!tpu.dma_semaphore, #tpu.memory_space<semaphore_mem>>)
    %dma_wait3A_743 = arith.constant 2 : i32
    %dma_wait3A_744 = arith.constant 0 : i32
    %dma_wait3A_745 = arith.constant 2 : i32
    %dma_wait3A_746 = arith.constant 0 : i32
    %dma_wait3A_747 = arith.constant 0 : i32
    %dma_wait3A_748 = tpu.memref_slice %arg4[%dma_wait3A_743, %dma_wait3A_746, %dma_wait3A_747] : memref<3x32x1024xf32, #tpu.memory_space<vmem>> -> memref<1x32x1024xf32, #tpu.memory_space<vmem>>
    %dma_wait3A_749 = tpu.memref_squeeze %dma_wait3A_748 : memref<1x32x1024xf32, #tpu.memory_space<vmem>> -> memref<32x1024xf32, #tpu.memory_space<vmem>>
    %dma_wait3A_750 = arith.constant 0 : i32
    %dma_wait3A_751 = tpu.memref_slice %arg3[%dma_wait3A_744, %add3A_272, %dma_wait3A_750] : memref<4x8192x1024xf32, #tpu.memory_space<hbm>> -> memref<1x32x1024xf32, #tpu.memory_space<hbm>>
    %dma_wait3A_752 = tpu.memref_squeeze %dma_wait3A_751 : memref<1x32x1024xf32, #tpu.memory_space<hbm>> -> memref<32x1024xf32, #tpu.memory_space<hbm>>
    %dma_wait3A_753 = tpu.memref_slice %arg6[%dma_wait3A_745] : memref<3x!tpu.dma_semaphore, #tpu.memory_space<semaphore_mem>> -> memref<1x!tpu.dma_semaphore, #tpu.memory_space<semaphore_mem>>
    %dma_wait3A_754 = tpu.memref_squeeze %dma_wait3A_753 : memref<1x!tpu.dma_semaphore, #tpu.memory_space<semaphore_mem>> -> memref<!tpu.dma_semaphore, #tpu.memory_space<semaphore_mem>>
    %dma_wait3A_755 = arith.constant 0 : i32
    %dma_wait3A_756 = tpu.memref_slice %arg3[%dma_wait3A_744, %add3A_272, %dma_wait3A_755] : memref<4x8192x1024xf32, #tpu.memory_space<hbm>> -> memref<1x32x1024xf32, #tpu.memory_space<hbm>>
    %dma_wait3A_757 = tpu.memref_squeeze %dma_wait3A_756 : memref<1x32x1024xf32, #tpu.memory_space<hbm>> -> memref<32x1024xf32, #tpu.memory_space<hbm>>
    %dma_wait3A_758 = arith.constant 0 : i32
    %dma_wait3A_759 = arith.constant 0 : i32
    %dma_wait3A_760 = tpu.memref_slice %arg4[%dma_wait3A_743, %dma_wait3A_758, %dma_wait3A_759] : memref<3x32x1024xf32, #tpu.memory_space<vmem>> -> memref<1x32x1024xf32, #tpu.memory_space<vmem>>
    %dma_wait3A_761 = tpu.memref_squeeze %dma_wait3A_760 : memref<1x32x1024xf32, #tpu.memory_space<vmem>> -> memref<32x1024xf32, #tpu.memory_space<vmem>>
    tpu.wait_dma2 semaphore(%dma_wait3A_754 : memref<!tpu.dma_semaphore, #tpu.memory_space<semaphore_mem>>) src(%dma_wait3A_761 : memref<32x1024xf32, #tpu.memory_space<vmem>>) dst(%dma_wait3A_757 : memref<32x1024xf32, #tpu.memory_space<hbm>>)
    %dma_wait3A_762 = arith.constant 2 : i32
    %dma_wait3A_763 = arith.constant 1 : i32
    %dma_wait3A_764 = arith.constant 2 : i32
    %dma_wait3A_765 = arith.constant 0 : i32
    %dma_wait3A_766 = arith.constant 0 : i32
    %dma_wait3A_767 = tpu.memref_slice %arg4[%dma_wait3A_762, %dma_wait3A_765, %dma_wait3A_766] : memref<3x32x1024xf32, #tpu.memory_space<vmem>> -> memref<1x32x1024xf32, #tpu.memory_space<vmem>>
    %dma_wait3A_768 = tpu.memref_squeeze %dma_wait3A_767 : memref<1x32x1024xf32, #tpu.memory_space<vmem>> -> memref<32x1024xf32, #tpu.memory_space<vmem>>
    %dma_wait3A_769 = arith.constant 0 : i32
    %dma_wait3A_770 = tpu.memref_slice %arg3[%dma_wait3A_763, %add3A_293, %dma_wait3A_769] : memref<4x8192x1024xf32, #tpu.memory_space<hbm>> -> memref<1x32x1024xf32, #tpu.memory_space<hbm>>
    %dma_wait3A_771 = tpu.memref_squeeze %dma_wait3A_770 : memref<1x32x1024xf32, #tpu.memory_space<hbm>> -> memref<32x1024xf32, #tpu.memory_space<hbm>>
    %dma_wait3A_772 = tpu.memref_slice %arg6[%dma_wait3A_764] : memref<3x!tpu.dma_semaphore, #tpu.memory_space<semaphore_mem>> -> memref<1x!tpu.dma_semaphore, #tpu.memory_space<semaphore_mem>>
    %dma_wait3A_773 = tpu.memref_squeeze %dma_wait3A_772 : memref<1x!tpu.dma_semaphore, #tpu.memory_space<semaphore_mem>> -> memref<!tpu.dma_semaphore, #tpu.memory_space<semaphore_mem>>
    %dma_wait3A_774 = arith.constant 0 : i32
    %dma_wait3A_775 = tpu.memref_slice %arg3[%dma_wait3A_763, %add3A_293, %dma_wait3A_774] : memref<4x8192x1024xf32, #tpu.memory_space<hbm>> -> memref<1x32x1024xf32, #tpu.memory_space<hbm>>
    %dma_wait3A_776 = tpu.memref_squeeze %dma_wait3A_775 : memref<1x32x1024xf32, #tpu.memory_space<hbm>> -> memref<32x1024xf32, #tpu.memory_space<hbm>>
    %dma_wait3A_777 = arith.constant 0 : i32
    %dma_wait3A_778 = arith.constant 0 : i32
    %dma_wait3A_779 = tpu.memref_slice %arg4[%dma_wait3A_762, %dma_wait3A_777, %dma_wait3A_778] : memref<3x32x1024xf32, #tpu.memory_space<vmem>> -> memref<1x32x1024xf32, #tpu.memory_space<vmem>>
    %dma_wait3A_780 = tpu.memref_squeeze %dma_wait3A_779 : memref<1x32x1024xf32, #tpu.memory_space<vmem>> -> memref<32x1024xf32, #tpu.memory_space<vmem>>
    tpu.wait_dma2 semaphore(%dma_wait3A_773 : memref<!tpu.dma_semaphore, #tpu.memory_space<semaphore_mem>>) src(%dma_wait3A_780 : memref<32x1024xf32, #tpu.memory_space<vmem>>) dst(%dma_wait3A_776 : memref<32x1024xf32, #tpu.memory_space<hbm>>)
    %dma_wait3A_781 = arith.constant 2 : i32
    %dma_wait3A_782 = arith.constant 2 : i32
    %dma_wait3A_783 = arith.constant 2 : i32
    %dma_wait3A_784 = arith.constant 0 : i32
    %dma_wait3A_785 = arith.constant 0 : i32
    %dma_wait3A_786 = tpu.memref_slice %arg4[%dma_wait3A_781, %dma_wait3A_784, %dma_wait3A_785] : memref<3x32x1024xf32, #tpu.memory_space<vmem>> -> memref<1x32x1024xf32, #tpu.memory_space<vmem>>
    %dma_wait3A_787 = tpu.memref_squeeze %dma_wait3A_786 : memref<1x32x1024xf32, #tpu.memory_space<vmem>> -> memref<32x1024xf32, #tpu.memory_space<vmem>>
    %dma_wait3A_788 = arith.constant 0 : i32
    %dma_wait3A_789 = tpu.memref_slice %arg3[%dma_wait3A_782, %add3A_314, %dma_wait3A_788] : memref<4x8192x1024xf32, #tpu.memory_space<hbm>> -> memref<1x32x1024xf32, #tpu.memory_space<hbm>>
    %dma_wait3A_790 = tpu.memref_squeeze %dma_wait3A_789 : memref<1x32x1024xf32, #tpu.memory_space<hbm>> -> memref<32x1024xf32, #tpu.memory_space<hbm>>
    %dma_wait3A_791 = tpu.memref_slice %arg6[%dma_wait3A_783] : memref<3x!tpu.dma_semaphore, #tpu.memory_space<semaphore_mem>> -> memref<1x!tpu.dma_semaphore, #tpu.memory_space<semaphore_mem>>
    %dma_wait3A_792 = tpu.memref_squeeze %dma_wait3A_791 : memref<1x!tpu.dma_semaphore, #tpu.memory_space<semaphore_mem>> -> memref<!tpu.dma_semaphore, #tpu.memory_space<semaphore_mem>>
    %dma_wait3A_793 = arith.constant 0 : i32
    %dma_wait3A_794 = tpu.memref_slice %arg3[%dma_wait3A_782, %add3A_314, %dma_wait3A_793] : memref<4x8192x1024xf32, #tpu.memory_space<hbm>> -> memref<1x32x1024xf32, #tpu.memory_space<hbm>>
    %dma_wait3A_795 = tpu.memref_squeeze %dma_wait3A_794 : memref<1x32x1024xf32, #tpu.memory_space<hbm>> -> memref<32x1024xf32, #tpu.memory_space<hbm>>
    %dma_wait3A_796 = arith.constant 0 : i32
    %dma_wait3A_797 = arith.constant 0 : i32
    %dma_wait3A_798 = tpu.memref_slice %arg4[%dma_wait3A_781, %dma_wait3A_796, %dma_wait3A_797] : memref<3x32x1024xf32, #tpu.memory_space<vmem>> -> memref<1x32x1024xf32, #tpu.memory_space<vmem>>
    %dma_wait3A_799 = tpu.memref_squeeze %dma_wait3A_798 : memref<1x32x1024xf32, #tpu.memory_space<vmem>> -> memref<32x1024xf32, #tpu.memory_space<vmem>>
    tpu.wait_dma2 semaphore(%dma_wait3A_792 : memref<!tpu.dma_semaphore, #tpu.memory_space<semaphore_mem>>) src(%dma_wait3A_799 : memref<32x1024xf32, #tpu.memory_space<vmem>>) dst(%dma_wait3A_795 : memref<32x1024xf32, #tpu.memory_space<hbm>>)
    %dma_wait3A_800 = arith.constant 2 : i32
    %dma_wait3A_801 = arith.constant 3 : i32
    %dma_wait3A_802 = arith.constant 2 : i32
    %dma_wait3A_803 = arith.constant 0 : i32
    %dma_wait3A_804 = arith.constant 0 : i32
    %dma_wait3A_805 = tpu.memref_slice %arg4[%dma_wait3A_800, %dma_wait3A_803, %dma_wait3A_804] : memref<3x32x1024xf32, #tpu.memory_space<vmem>> -> memref<1x32x1024xf32, #tpu.memory_space<vmem>>
    %dma_wait3A_806 = tpu.memref_squeeze %dma_wait3A_805 : memref<1x32x1024xf32, #tpu.memory_space<vmem>> -> memref<32x1024xf32, #tpu.memory_space<vmem>>
    %dma_wait3A_807 = arith.constant 0 : i32
    %dma_wait3A_808 = tpu.memref_slice %arg3[%dma_wait3A_801, %add3A_335, %dma_wait3A_807] : memref<4x8192x1024xf32, #tpu.memory_space<hbm>> -> memref<1x32x1024xf32, #tpu.memory_space<hbm>>
    %dma_wait3A_809 = tpu.memref_squeeze %dma_wait3A_808 : memref<1x32x1024xf32, #tpu.memory_space<hbm>> -> memref<32x1024xf32, #tpu.memory_space<hbm>>
    %dma_wait3A_810 = tpu.memref_slice %arg6[%dma_wait3A_802] : memref<3x!tpu.dma_semaphore, #tpu.memory_space<semaphore_mem>> -> memref<1x!tpu.dma_semaphore, #tpu.memory_space<semaphore_mem>>
    %dma_wait3A_811 = tpu.memref_squeeze %dma_wait3A_810 : memref<1x!tpu.dma_semaphore, #tpu.memory_space<semaphore_mem>> -> memref<!tpu.dma_semaphore, #tpu.memory_space<semaphore_mem>>
    %dma_wait3A_812 = arith.constant 0 : i32
    %dma_wait3A_813 = tpu.memref_slice %arg3[%dma_wait3A_801, %add3A_335, %dma_wait3A_812] : memref<4x8192x1024xf32, #tpu.memory_space<hbm>> -> memref<1x32x1024xf32, #tpu.memory_space<hbm>>
    %dma_wait3A_814 = tpu.memref_squeeze %dma_wait3A_813 : memref<1x32x1024xf32, #tpu.memory_space<hbm>> -> memref<32x1024xf32, #tpu.memory_space<hbm>>
    %dma_wait3A_815 = arith.constant 0 : i32
    %dma_wait3A_816 = arith.constant 0 : i32
    %dma_wait3A_817 = tpu.memref_slice %arg4[%dma_wait3A_800, %dma_wait3A_815, %dma_wait3A_816] : memref<3x32x1024xf32, #tpu.memory_space<vmem>> -> memref<1x32x1024xf32, #tpu.memory_space<vmem>>
    %dma_wait3A_818 = tpu.memref_squeeze %dma_wait3A_817 : memref<1x32x1024xf32, #tpu.memory_space<vmem>> -> memref<32x1024xf32, #tpu.memory_space<vmem>>
    tpu.wait_dma2 semaphore(%dma_wait3A_811 : memref<!tpu.dma_semaphore, #tpu.memory_space<semaphore_mem>>) src(%dma_wait3A_818 : memref<32x1024xf32, #tpu.memory_space<vmem>>) dst(%dma_wait3A_814 : memref<32x1024xf32, #tpu.memory_space<hbm>>)
    %add3A_819 = arith.constant 160 : i32
    %add3A_820 = arith.addi %mul3A_2, %add3A_819 : i32
    %dma_start3A_821 = arith.constant 2 : i32
    %dma_start3A_822 = arith.constant 2 : i32
    %dma_start3A_823 = arith.constant 0 : i32
    %dma_start3A_824 = arith.constant 0 : i32
    %dma_start3A_825 = tpu.memref_slice %arg4[%dma_start3A_821, %dma_start3A_823, %dma_start3A_824] : memref<3x32x1024xf32, #tpu.memory_space<vmem>> -> memref<1x32x1024xf32, #tpu.memory_space<vmem>>
    %dma_start3A_826 = tpu.memref_squeeze %dma_start3A_825 : memref<1x32x1024xf32, #tpu.memory_space<vmem>> -> memref<32x1024xf32, #tpu.memory_space<vmem>>
    %dma_start3A_827 = arith.constant 0 : i32
    %dma_start3A_828 = tpu.memref_slice %arg2[%add3A_820, %dma_start3A_827] : memref<8192x1024xf32, #tpu.memory_space<hbm>> -> memref<32x1024xf32, #tpu.memory_space<hbm>>
    %dma_start3A_829 = tpu.memref_slice %arg5[%dma_start3A_822] : memref<3x!tpu.dma_semaphore, #tpu.memory_space<semaphore_mem>> -> memref<1x!tpu.dma_semaphore, #tpu.memory_space<semaphore_mem>>
    %dma_start3A_830 = tpu.memref_squeeze %dma_start3A_829 : memref<1x!tpu.dma_semaphore, #tpu.memory_space<semaphore_mem>> -> memref<!tpu.dma_semaphore, #tpu.memory_space<semaphore_mem>>
    %dma_start3A_831 = arith.constant 0 : i32
    %dma_start3A_832 = arith.constant 0 : i32
    %dma_start3A_833 = tpu.memref_slice %arg4[%dma_start3A_821, %dma_start3A_831, %dma_start3A_832] : memref<3x32x1024xf32, #tpu.memory_space<vmem>> -> memref<1x32x1024xf32, #tpu.memory_space<vmem>>
    %dma_start3A_834 = tpu.memref_squeeze %dma_start3A_833 : memref<1x32x1024xf32, #tpu.memory_space<vmem>> -> memref<32x1024xf32, #tpu.memory_space<vmem>>
    %dma_start3A_835 = arith.constant 0 : i32
    %dma_start3A_836 = tpu.memref_slice %arg2[%add3A_820, %dma_start3A_835] : memref<8192x1024xf32, #tpu.memory_space<hbm>> -> memref<32x1024xf32, #tpu.memory_space<hbm>>
    tpu.enqueue_dma source(%dma_start3A_836 : memref<32x1024xf32, #tpu.memory_space<hbm>>) target(%dma_start3A_834 : memref<32x1024xf32, #tpu.memory_space<vmem>>) target_semaphore(%dma_start3A_830 : memref<!tpu.dma_semaphore, #tpu.memory_space<semaphore_mem>>)
    %dma_wait3A_837 = arith.constant 2 : i32
    %dma_wait3A_838 = arith.constant 2 : i32
    %dma_wait3A_839 = arith.constant 0 : i32
    %dma_wait3A_840 = arith.constant 0 : i32
    %dma_wait3A_841 = tpu.memref_slice %arg4[%dma_wait3A_837, %dma_wait3A_839, %dma_wait3A_840] : memref<3x32x1024xf32, #tpu.memory_space<vmem>> -> memref<1x32x1024xf32, #tpu.memory_space<vmem>>
    %dma_wait3A_842 = tpu.memref_squeeze %dma_wait3A_841 : memref<1x32x1024xf32, #tpu.memory_space<vmem>> -> memref<32x1024xf32, #tpu.memory_space<vmem>>
    %dma_wait3A_843 = arith.constant 0 : i32
    %dma_wait3A_844 = tpu.memref_slice %arg2[%add3A_820, %dma_wait3A_843] : memref<8192x1024xf32, #tpu.memory_space<hbm>> -> memref<32x1024xf32, #tpu.memory_space<hbm>>
    %dma_wait3A_845 = tpu.memref_slice %arg5[%dma_wait3A_838] : memref<3x!tpu.dma_semaphore, #tpu.memory_space<semaphore_mem>> -> memref<1x!tpu.dma_semaphore, #tpu.memory_space<semaphore_mem>>
    %dma_wait3A_846 = tpu.memref_squeeze %dma_wait3A_845 : memref<1x!tpu.dma_semaphore, #tpu.memory_space<semaphore_mem>> -> memref<!tpu.dma_semaphore, #tpu.memory_space<semaphore_mem>>
    %dma_wait3A_847 = arith.constant 0 : i32
    %dma_wait3A_848 = arith.constant 0 : i32
    %dma_wait3A_849 = tpu.memref_slice %arg4[%dma_wait3A_837, %dma_wait3A_847, %dma_wait3A_848] : memref<3x32x1024xf32, #tpu.memory_space<vmem>> -> memref<1x32x1024xf32, #tpu.memory_space<vmem>>
    %dma_wait3A_850 = tpu.memref_squeeze %dma_wait3A_849 : memref<1x32x1024xf32, #tpu.memory_space<vmem>> -> memref<32x1024xf32, #tpu.memory_space<vmem>>
    %dma_wait3A_851 = arith.constant 0 : i32
    %dma_wait3A_852 = tpu.memref_slice %arg2[%add3A_820, %dma_wait3A_851] : memref<8192x1024xf32, #tpu.memory_space<hbm>> -> memref<32x1024xf32, #tpu.memory_space<hbm>>
    tpu.wait_dma2 semaphore(%dma_wait3A_846 : memref<!tpu.dma_semaphore, #tpu.memory_space<semaphore_mem>>) src(%dma_wait3A_852 : memref<32x1024xf32, #tpu.memory_space<hbm>>) dst(%dma_wait3A_850 : memref<32x1024xf32, #tpu.memory_space<vmem>>)
    %add3A_853 = arith.constant 160 : i32
    %add3A_854 = arith.addi %mul3A_2, %add3A_853 : i32
    %dma_start3A_855 = arith.constant 2 : i32
    %dma_start3A_856 = arith.constant 0 : i32
    %dma_start3A_857 = arith.constant 2 : i32
    %dma_start3A_858 = arith.constant 0 : i32
    %dma_start3A_859 = arith.constant 0 : i32
    %dma_start3A_860 = tpu.memref_slice %arg4[%dma_start3A_855, %dma_start3A_858, %dma_start3A_859] : memref<3x32x1024xf32, #tpu.memory_space<vmem>> -> memref<1x32x1024xf32, #tpu.memory_space<vmem>>
    %dma_start3A_861 = tpu.memref_squeeze %dma_start3A_860 : memref<1x32x1024xf32, #tpu.memory_space<vmem>> -> memref<32x1024xf32, #tpu.memory_space<vmem>>
    %dma_start3A_862 = arith.constant 0 : i32
    %dma_start3A_863 = tpu.memref_slice %arg3[%dma_start3A_856, %add3A_854, %dma_start3A_862] : memref<4x8192x1024xf32, #tpu.memory_space<hbm>> -> memref<1x32x1024xf32, #tpu.memory_space<hbm>>
    %dma_start3A_864 = tpu.memref_squeeze %dma_start3A_863 : memref<1x32x1024xf32, #tpu.memory_space<hbm>> -> memref<32x1024xf32, #tpu.memory_space<hbm>>
    %dma_start3A_865 = tpu.memref_slice %arg6[%dma_start3A_857] : memref<3x!tpu.dma_semaphore, #tpu.memory_space<semaphore_mem>> -> memref<1x!tpu.dma_semaphore, #tpu.memory_space<semaphore_mem>>
    %dma_start3A_866 = tpu.memref_squeeze %dma_start3A_865 : memref<1x!tpu.dma_semaphore, #tpu.memory_space<semaphore_mem>> -> memref<!tpu.dma_semaphore, #tpu.memory_space<semaphore_mem>>
    %dma_start3A_867 = arith.constant 0 : i32
    %dma_start3A_868 = tpu.memref_slice %arg3[%dma_start3A_856, %add3A_854, %dma_start3A_867] : memref<4x8192x1024xf32, #tpu.memory_space<hbm>> -> memref<1x32x1024xf32, #tpu.memory_space<hbm>>
    %dma_start3A_869 = tpu.memref_squeeze %dma_start3A_868 : memref<1x32x1024xf32, #tpu.memory_space<hbm>> -> memref<32x1024xf32, #tpu.memory_space<hbm>>
    %dma_start3A_870 = arith.constant 0 : i32
    %dma_start3A_871 = arith.constant 0 : i32
    %dma_start3A_872 = tpu.memref_slice %arg4[%dma_start3A_855, %dma_start3A_870, %dma_start3A_871] : memref<3x32x1024xf32, #tpu.memory_space<vmem>> -> memref<1x32x1024xf32, #tpu.memory_space<vmem>>
    %dma_start3A_873 = tpu.memref_squeeze %dma_start3A_872 : memref<1x32x1024xf32, #tpu.memory_space<vmem>> -> memref<32x1024xf32, #tpu.memory_space<vmem>>
    tpu.enqueue_dma source(%dma_start3A_873 : memref<32x1024xf32, #tpu.memory_space<vmem>>) target(%dma_start3A_869 : memref<32x1024xf32, #tpu.memory_space<hbm>>) target_semaphore(%dma_start3A_866 : memref<!tpu.dma_semaphore, #tpu.memory_space<semaphore_mem>>)
    %add3A_874 = arith.constant 160 : i32
    %add3A_875 = arith.addi %mul3A_2, %add3A_874 : i32
    %dma_start3A_876 = arith.constant 2 : i32
    %dma_start3A_877 = arith.constant 1 : i32
    %dma_start3A_878 = arith.constant 2 : i32
    %dma_start3A_879 = arith.constant 0 : i32
    %dma_start3A_880 = arith.constant 0 : i32
    %dma_start3A_881 = tpu.memref_slice %arg4[%dma_start3A_876, %dma_start3A_879, %dma_start3A_880] : memref<3x32x1024xf32, #tpu.memory_space<vmem>> -> memref<1x32x1024xf32, #tpu.memory_space<vmem>>
    %dma_start3A_882 = tpu.memref_squeeze %dma_start3A_881 : memref<1x32x1024xf32, #tpu.memory_space<vmem>> -> memref<32x1024xf32, #tpu.memory_space<vmem>>
    %dma_start3A_883 = arith.constant 0 : i32
    %dma_start3A_884 = tpu.memref_slice %arg3[%dma_start3A_877, %add3A_875, %dma_start3A_883] : memref<4x8192x1024xf32, #tpu.memory_space<hbm>> -> memref<1x32x1024xf32, #tpu.memory_space<hbm>>
    %dma_start3A_885 = tpu.memref_squeeze %dma_start3A_884 : memref<1x32x1024xf32, #tpu.memory_space<hbm>> -> memref<32x1024xf32, #tpu.memory_space<hbm>>
    %dma_start3A_886 = tpu.memref_slice %arg6[%dma_start3A_878] : memref<3x!tpu.dma_semaphore, #tpu.memory_space<semaphore_mem>> -> memref<1x!tpu.dma_semaphore, #tpu.memory_space<semaphore_mem>>
    %dma_start3A_887 = tpu.memref_squeeze %dma_start3A_886 : memref<1x!tpu.dma_semaphore, #tpu.memory_space<semaphore_mem>> -> memref<!tpu.dma_semaphore, #tpu.memory_space<semaphore_mem>>
    %dma_start3A_888 = arith.constant 0 : i32
    %dma_start3A_889 = tpu.memref_slice %arg3[%dma_start3A_877, %add3A_875, %dma_start3A_888] : memref<4x8192x1024xf32, #tpu.memory_space<hbm>> -> memref<1x32x1024xf32, #tpu.memory_space<hbm>>
    %dma_start3A_890 = tpu.memref_squeeze %dma_start3A_889 : memref<1x32x1024xf32, #tpu.memory_space<hbm>> -> memref<32x1024xf32, #tpu.memory_space<hbm>>
    %dma_start3A_891 = arith.constant 0 : i32
    %dma_start3A_892 = arith.constant 0 : i32
    %dma_start3A_893 = tpu.memref_slice %arg4[%dma_start3A_876, %dma_start3A_891, %dma_start3A_892] : memref<3x32x1024xf32, #tpu.memory_space<vmem>> -> memref<1x32x1024xf32, #tpu.memory_space<vmem>>
    %dma_start3A_894 = tpu.memref_squeeze %dma_start3A_893 : memref<1x32x1024xf32, #tpu.memory_space<vmem>> -> memref<32x1024xf32, #tpu.memory_space<vmem>>
    tpu.enqueue_dma source(%dma_start3A_894 : memref<32x1024xf32, #tpu.memory_space<vmem>>) target(%dma_start3A_890 : memref<32x1024xf32, #tpu.memory_space<hbm>>) target_semaphore(%dma_start3A_887 : memref<!tpu.dma_semaphore, #tpu.memory_space<semaphore_mem>>)
    %add3A_895 = arith.constant 160 : i32
    %add3A_896 = arith.addi %mul3A_2, %add3A_895 : i32
    %dma_start3A_897 = arith.constant 2 : i32
    %dma_start3A_898 = arith.constant 2 : i32
    %dma_start3A_899 = arith.constant 2 : i32
    %dma_start3A_900 = arith.constant 0 : i32
    %dma_start3A_901 = arith.constant 0 : i32
    %dma_start3A_902 = tpu.memref_slice %arg4[%dma_start3A_897, %dma_start3A_900, %dma_start3A_901] : memref<3x32x1024xf32, #tpu.memory_space<vmem>> -> memref<1x32x1024xf32, #tpu.memory_space<vmem>>
    %dma_start3A_903 = tpu.memref_squeeze %dma_start3A_902 : memref<1x32x1024xf32, #tpu.memory_space<vmem>> -> memref<32x1024xf32, #tpu.memory_space<vmem>>
    %dma_start3A_904 = arith.constant 0 : i32
    %dma_start3A_905 = tpu.memref_slice %arg3[%dma_start3A_898, %add3A_896, %dma_start3A_904] : memref<4x8192x1024xf32, #tpu.memory_space<hbm>> -> memref<1x32x1024xf32, #tpu.memory_space<hbm>>
    %dma_start3A_906 = tpu.memref_squeeze %dma_start3A_905 : memref<1x32x1024xf32, #tpu.memory_space<hbm>> -> memref<32x1024xf32, #tpu.memory_space<hbm>>
    %dma_start3A_907 = tpu.memref_slice %arg6[%dma_start3A_899] : memref<3x!tpu.dma_semaphore, #tpu.memory_space<semaphore_mem>> -> memref<1x!tpu.dma_semaphore, #tpu.memory_space<semaphore_mem>>
    %dma_start3A_908 = tpu.memref_squeeze %dma_start3A_907 : memref<1x!tpu.dma_semaphore, #tpu.memory_space<semaphore_mem>> -> memref<!tpu.dma_semaphore, #tpu.memory_space<semaphore_mem>>
    %dma_start3A_909 = arith.constant 0 : i32
    %dma_start3A_910 = tpu.memref_slice %arg3[%dma_start3A_898, %add3A_896, %dma_start3A_909] : memref<4x8192x1024xf32, #tpu.memory_space<hbm>> -> memref<1x32x1024xf32, #tpu.memory_space<hbm>>
    %dma_start3A_911 = tpu.memref_squeeze %dma_start3A_910 : memref<1x32x1024xf32, #tpu.memory_space<hbm>> -> memref<32x1024xf32, #tpu.memory_space<hbm>>
    %dma_start3A_912 = arith.constant 0 : i32
    %dma_start3A_913 = arith.constant 0 : i32
    %dma_start3A_914 = tpu.memref_slice %arg4[%dma_start3A_897, %dma_start3A_912, %dma_start3A_913] : memref<3x32x1024xf32, #tpu.memory_space<vmem>> -> memref<1x32x1024xf32, #tpu.memory_space<vmem>>
    %dma_start3A_915 = tpu.memref_squeeze %dma_start3A_914 : memref<1x32x1024xf32, #tpu.memory_space<vmem>> -> memref<32x1024xf32, #tpu.memory_space<vmem>>
    tpu.enqueue_dma source(%dma_start3A_915 : memref<32x1024xf32, #tpu.memory_space<vmem>>) target(%dma_start3A_911 : memref<32x1024xf32, #tpu.memory_space<hbm>>) target_semaphore(%dma_start3A_908 : memref<!tpu.dma_semaphore, #tpu.memory_space<semaphore_mem>>)
    %add3A_916 = arith.constant 160 : i32
    %add3A_917 = arith.addi %mul3A_2, %add3A_916 : i32
    %dma_start3A_918 = arith.constant 2 : i32
    %dma_start3A_919 = arith.constant 3 : i32
    %dma_start3A_920 = arith.constant 2 : i32
    %dma_start3A_921 = arith.constant 0 : i32
    %dma_start3A_922 = arith.constant 0 : i32
    %dma_start3A_923 = tpu.memref_slice %arg4[%dma_start3A_918, %dma_start3A_921, %dma_start3A_922] : memref<3x32x1024xf32, #tpu.memory_space<vmem>> -> memref<1x32x1024xf32, #tpu.memory_space<vmem>>
    %dma_start3A_924 = tpu.memref_squeeze %dma_start3A_923 : memref<1x32x1024xf32, #tpu.memory_space<vmem>> -> memref<32x1024xf32, #tpu.memory_space<vmem>>
    %dma_start3A_925 = arith.constant 0 : i32
    %dma_start3A_926 = tpu.memref_slice %arg3[%dma_start3A_919, %add3A_917, %dma_start3A_925] : memref<4x8192x1024xf32, #tpu.memory_space<hbm>> -> memref<1x32x1024xf32, #tpu.memory_space<hbm>>
    %dma_start3A_927 = tpu.memref_squeeze %dma_start3A_926 : memref<1x32x1024xf32, #tpu.memory_space<hbm>> -> memref<32x1024xf32, #tpu.memory_space<hbm>>
    %dma_start3A_928 = tpu.memref_slice %arg6[%dma_start3A_920] : memref<3x!tpu.dma_semaphore, #tpu.memory_space<semaphore_mem>> -> memref<1x!tpu.dma_semaphore, #tpu.memory_space<semaphore_mem>>
    %dma_start3A_929 = tpu.memref_squeeze %dma_start3A_928 : memref<1x!tpu.dma_semaphore, #tpu.memory_space<semaphore_mem>> -> memref<!tpu.dma_semaphore, #tpu.memory_space<semaphore_mem>>
    %dma_start3A_930 = arith.constant 0 : i32
    %dma_start3A_931 = tpu.memref_slice %arg3[%dma_start3A_919, %add3A_917, %dma_start3A_930] : memref<4x8192x1024xf32, #tpu.memory_space<hbm>> -> memref<1x32x1024xf32, #tpu.memory_space<hbm>>
    %dma_start3A_932 = tpu.memref_squeeze %dma_start3A_931 : memref<1x32x1024xf32, #tpu.memory_space<hbm>> -> memref<32x1024xf32, #tpu.memory_space<hbm>>
    %dma_start3A_933 = arith.constant 0 : i32
    %dma_start3A_934 = arith.constant 0 : i32
    %dma_start3A_935 = tpu.memref_slice %arg4[%dma_start3A_918, %dma_start3A_933, %dma_start3A_934] : memref<3x32x1024xf32, #tpu.memory_space<vmem>> -> memref<1x32x1024xf32, #tpu.memory_space<vmem>>
    %dma_start3A_936 = tpu.memref_squeeze %dma_start3A_935 : memref<1x32x1024xf32, #tpu.memory_space<vmem>> -> memref<32x1024xf32, #tpu.memory_space<vmem>>
    tpu.enqueue_dma source(%dma_start3A_936 : memref<32x1024xf32, #tpu.memory_space<vmem>>) target(%dma_start3A_932 : memref<32x1024xf32, #tpu.memory_space<hbm>>) target_semaphore(%dma_start3A_929 : memref<!tpu.dma_semaphore, #tpu.memory_space<semaphore_mem>>)
    %dma_wait3A_937 = arith.constant 0 : i32
    %dma_wait3A_938 = arith.constant 0 : i32
    %dma_wait3A_939 = arith.constant 0 : i32
    %dma_wait3A_940 = arith.constant 0 : i32
    %dma_wait3A_941 = arith.constant 0 : i32
    %dma_wait3A_942 = tpu.memref_slice %arg4[%dma_wait3A_937, %dma_wait3A_940, %dma_wait3A_941] : memref<3x32x1024xf32, #tpu.memory_space<vmem>> -> memref<1x32x1024xf32, #tpu.memory_space<vmem>>
    %dma_wait3A_943 = tpu.memref_squeeze %dma_wait3A_942 : memref<1x32x1024xf32, #tpu.memory_space<vmem>> -> memref<32x1024xf32, #tpu.memory_space<vmem>>
    %dma_wait3A_944 = arith.constant 0 : i32
    %dma_wait3A_945 = tpu.memref_slice %arg3[%dma_wait3A_938, %add3A_466, %dma_wait3A_944] : memref<4x8192x1024xf32, #tpu.memory_space<hbm>> -> memref<1x32x1024xf32, #tpu.memory_space<hbm>>
    %dma_wait3A_946 = tpu.memref_squeeze %dma_wait3A_945 : memref<1x32x1024xf32, #tpu.memory_space<hbm>> -> memref<32x1024xf32, #tpu.memory_space<hbm>>
    %dma_wait3A_947 = tpu.memref_slice %arg6[%dma_wait3A_939] : memref<3x!tpu.dma_semaphore, #tpu.memory_space<semaphore_mem>> -> memref<1x!tpu.dma_semaphore, #tpu.memory_space<semaphore_mem>>
    %dma_wait3A_948 = tpu.memref_squeeze %dma_wait3A_947 : memref<1x!tpu.dma_semaphore, #tpu.memory_space<semaphore_mem>> -> memref<!tpu.dma_semaphore, #tpu.memory_space<semaphore_mem>>
    %dma_wait3A_949 = arith.constant 0 : i32
    %dma_wait3A_950 = tpu.memref_slice %arg3[%dma_wait3A_938, %add3A_466, %dma_wait3A_949] : memref<4x8192x1024xf32, #tpu.memory_space<hbm>> -> memref<1x32x1024xf32, #tpu.memory_space<hbm>>
    %dma_wait3A_951 = tpu.memref_squeeze %dma_wait3A_950 : memref<1x32x1024xf32, #tpu.memory_space<hbm>> -> memref<32x1024xf32, #tpu.memory_space<hbm>>
    %dma_wait3A_952 = arith.constant 0 : i32
    %dma_wait3A_953 = arith.constant 0 : i32
    %dma_wait3A_954 = tpu.memref_slice %arg4[%dma_wait3A_937, %dma_wait3A_952, %dma_wait3A_953] : memref<3x32x1024xf32, #tpu.memory_space<vmem>> -> memref<1x32x1024xf32, #tpu.memory_space<vmem>>
    %dma_wait3A_955 = tpu.memref_squeeze %dma_wait3A_954 : memref<1x32x1024xf32, #tpu.memory_space<vmem>> -> memref<32x1024xf32, #tpu.memory_space<vmem>>
    tpu.wait_dma2 semaphore(%dma_wait3A_948 : memref<!tpu.dma_semaphore, #tpu.memory_space<semaphore_mem>>) src(%dma_wait3A_955 : memref<32x1024xf32, #tpu.memory_space<vmem>>) dst(%dma_wait3A_951 : memref<32x1024xf32, #tpu.memory_space<hbm>>)
    %dma_wait3A_956 = arith.constant 0 : i32
    %dma_wait3A_957 = arith.constant 1 : i32
    %dma_wait3A_958 = arith.constant 0 : i32
    %dma_wait3A_959 = arith.constant 0 : i32
    %dma_wait3A_960 = arith.constant 0 : i32
    %dma_wait3A_961 = tpu.memref_slice %arg4[%dma_wait3A_956, %dma_wait3A_959, %dma_wait3A_960] : memref<3x32x1024xf32, #tpu.memory_space<vmem>> -> memref<1x32x1024xf32, #tpu.memory_space<vmem>>
    %dma_wait3A_962 = tpu.memref_squeeze %dma_wait3A_961 : memref<1x32x1024xf32, #tpu.memory_space<vmem>> -> memref<32x1024xf32, #tpu.memory_space<vmem>>
    %dma_wait3A_963 = arith.constant 0 : i32
    %dma_wait3A_964 = tpu.memref_slice %arg3[%dma_wait3A_957, %add3A_487, %dma_wait3A_963] : memref<4x8192x1024xf32, #tpu.memory_space<hbm>> -> memref<1x32x1024xf32, #tpu.memory_space<hbm>>
    %dma_wait3A_965 = tpu.memref_squeeze %dma_wait3A_964 : memref<1x32x1024xf32, #tpu.memory_space<hbm>> -> memref<32x1024xf32, #tpu.memory_space<hbm>>
    %dma_wait3A_966 = tpu.memref_slice %arg6[%dma_wait3A_958] : memref<3x!tpu.dma_semaphore, #tpu.memory_space<semaphore_mem>> -> memref<1x!tpu.dma_semaphore, #tpu.memory_space<semaphore_mem>>
    %dma_wait3A_967 = tpu.memref_squeeze %dma_wait3A_966 : memref<1x!tpu.dma_semaphore, #tpu.memory_space<semaphore_mem>> -> memref<!tpu.dma_semaphore, #tpu.memory_space<semaphore_mem>>
    %dma_wait3A_968 = arith.constant 0 : i32
    %dma_wait3A_969 = tpu.memref_slice %arg3[%dma_wait3A_957, %add3A_487, %dma_wait3A_968] : memref<4x8192x1024xf32, #tpu.memory_space<hbm>> -> memref<1x32x1024xf32, #tpu.memory_space<hbm>>
    %dma_wait3A_970 = tpu.memref_squeeze %dma_wait3A_969 : memref<1x32x1024xf32, #tpu.memory_space<hbm>> -> memref<32x1024xf32, #tpu.memory_space<hbm>>
    %dma_wait3A_971 = arith.constant 0 : i32
    %dma_wait3A_972 = arith.constant 0 : i32
    %dma_wait3A_973 = tpu.memref_slice %arg4[%dma_wait3A_956, %dma_wait3A_971, %dma_wait3A_972] : memref<3x32x1024xf32, #tpu.memory_space<vmem>> -> memref<1x32x1024xf32, #tpu.memory_space<vmem>>
    %dma_wait3A_974 = tpu.memref_squeeze %dma_wait3A_973 : memref<1x32x1024xf32, #tpu.memory_space<vmem>> -> memref<32x1024xf32, #tpu.memory_space<vmem>>
    tpu.wait_dma2 semaphore(%dma_wait3A_967 : memref<!tpu.dma_semaphore, #tpu.memory_space<semaphore_mem>>) src(%dma_wait3A_974 : memref<32x1024xf32, #tpu.memory_space<vmem>>) dst(%dma_wait3A_970 : memref<32x1024xf32, #tpu.memory_space<hbm>>)
    %dma_wait3A_975 = arith.constant 0 : i32
    %dma_wait3A_976 = arith.constant 2 : i32
    %dma_wait3A_977 = arith.constant 0 : i32
    %dma_wait3A_978 = arith.constant 0 : i32
    %dma_wait3A_979 = arith.constant 0 : i32
    %dma_wait3A_980 = tpu.memref_slice %arg4[%dma_wait3A_975, %dma_wait3A_978, %dma_wait3A_979] : memref<3x32x1024xf32, #tpu.memory_space<vmem>> -> memref<1x32x1024xf32, #tpu.memory_space<vmem>>
    %dma_wait3A_981 = tpu.memref_squeeze %dma_wait3A_980 : memref<1x32x1024xf32, #tpu.memory_space<vmem>> -> memref<32x1024xf32, #tpu.memory_space<vmem>>
    %dma_wait3A_982 = arith.constant 0 : i32
    %dma_wait3A_983 = tpu.memref_slice %arg3[%dma_wait3A_976, %add3A_508, %dma_wait3A_982] : memref<4x8192x1024xf32, #tpu.memory_space<hbm>> -> memref<1x32x1024xf32, #tpu.memory_space<hbm>>
    %dma_wait3A_984 = tpu.memref_squeeze %dma_wait3A_983 : memref<1x32x1024xf32, #tpu.memory_space<hbm>> -> memref<32x1024xf32, #tpu.memory_space<hbm>>
    %dma_wait3A_985 = tpu.memref_slice %arg6[%dma_wait3A_977] : memref<3x!tpu.dma_semaphore, #tpu.memory_space<semaphore_mem>> -> memref<1x!tpu.dma_semaphore, #tpu.memory_space<semaphore_mem>>
    %dma_wait3A_986 = tpu.memref_squeeze %dma_wait3A_985 : memref<1x!tpu.dma_semaphore, #tpu.memory_space<semaphore_mem>> -> memref<!tpu.dma_semaphore, #tpu.memory_space<semaphore_mem>>
    %dma_wait3A_987 = arith.constant 0 : i32
    %dma_wait3A_988 = tpu.memref_slice %arg3[%dma_wait3A_976, %add3A_508, %dma_wait3A_987] : memref<4x8192x1024xf32, #tpu.memory_space<hbm>> -> memref<1x32x1024xf32, #tpu.memory_space<hbm>>
    %dma_wait3A_989 = tpu.memref_squeeze %dma_wait3A_988 : memref<1x32x1024xf32, #tpu.memory_space<hbm>> -> memref<32x1024xf32, #tpu.memory_space<hbm>>
    %dma_wait3A_990 = arith.constant 0 : i32
    %dma_wait3A_991 = arith.constant 0 : i32
    %dma_wait3A_992 = tpu.memref_slice %arg4[%dma_wait3A_975, %dma_wait3A_990, %dma_wait3A_991] : memref<3x32x1024xf32, #tpu.memory_space<vmem>> -> memref<1x32x1024xf32, #tpu.memory_space<vmem>>
    %dma_wait3A_993 = tpu.memref_squeeze %dma_wait3A_992 : memref<1x32x1024xf32, #tpu.memory_space<vmem>> -> memref<32x1024xf32, #tpu.memory_space<vmem>>
    tpu.wait_dma2 semaphore(%dma_wait3A_986 : memref<!tpu.dma_semaphore, #tpu.memory_space<semaphore_mem>>) src(%dma_wait3A_993 : memref<32x1024xf32, #tpu.memory_space<vmem>>) dst(%dma_wait3A_989 : memref<32x1024xf32, #tpu.memory_space<hbm>>)
    %dma_wait3A_994 = arith.constant 0 : i32
    %dma_wait3A_995 = arith.constant 3 : i32
    %dma_wait3A_996 = arith.constant 0 : i32
    %dma_wait3A_997 = arith.constant 0 : i32
    %dma_wait3A_998 = arith.constant 0 : i32
    %dma_wait3A_999 = tpu.memref_slice %arg4[%dma_wait3A_994, %dma_wait3A_997, %dma_wait3A_998] : memref<3x32x1024xf32, #tpu.memory_space<vmem>> -> memref<1x32x1024xf32, #tpu.memory_space<vmem>>
    %dma_wait3A_1000 = tpu.memref_squeeze %dma_wait3A_999 : memref<1x32x1024xf32, #tpu.memory_space<vmem>> -> memref<32x1024xf32, #tpu.memory_space<vmem>>
    %dma_wait3A_1001 = arith.constant 0 : i32
    %dma_wait3A_1002 = tpu.memref_slice %arg3[%dma_wait3A_995, %add3A_529, %dma_wait3A_1001] : memref<4x8192x1024xf32, #tpu.memory_space<hbm>> -> memref<1x32x1024xf32, #tpu.memory_space<hbm>>
    %dma_wait3A_1003 = tpu.memref_squeeze %dma_wait3A_1002 : memref<1x32x1024xf32, #tpu.memory_space<hbm>> -> memref<32x1024xf32, #tpu.memory_space<hbm>>
    %dma_wait3A_1004 = tpu.memref_slice %arg6[%dma_wait3A_996] : memref<3x!tpu.dma_semaphore, #tpu.memory_space<semaphore_mem>> -> memref<1x!tpu.dma_semaphore, #tpu.memory_space<semaphore_mem>>
    %dma_wait3A_1005 = tpu.memref_squeeze %dma_wait3A_1004 : memref<1x!tpu.dma_semaphore, #tpu.memory_space<semaphore_mem>> -> memref<!tpu.dma_semaphore, #tpu.memory_space<semaphore_mem>>
    %dma_wait3A_1006 = arith.constant 0 : i32
    %dma_wait3A_1007 = tpu.memref_slice %arg3[%dma_wait3A_995, %add3A_529, %dma_wait3A_1006] : memref<4x8192x1024xf32, #tpu.memory_space<hbm>> -> memref<1x32x1024xf32, #tpu.memory_space<hbm>>
    %dma_wait3A_1008 = tpu.memref_squeeze %dma_wait3A_1007 : memref<1x32x1024xf32, #tpu.memory_space<hbm>> -> memref<32x1024xf32, #tpu.memory_space<hbm>>
    %dma_wait3A_1009 = arith.constant 0 : i32
    %dma_wait3A_1010 = arith.constant 0 : i32
    %dma_wait3A_1011 = tpu.memref_slice %arg4[%dma_wait3A_994, %dma_wait3A_1009, %dma_wait3A_1010] : memref<3x32x1024xf32, #tpu.memory_space<vmem>> -> memref<1x32x1024xf32, #tpu.memory_space<vmem>>
    %dma_wait3A_1012 = tpu.memref_squeeze %dma_wait3A_1011 : memref<1x32x1024xf32, #tpu.memory_space<vmem>> -> memref<32x1024xf32, #tpu.memory_space<vmem>>
    tpu.wait_dma2 semaphore(%dma_wait3A_1005 : memref<!tpu.dma_semaphore, #tpu.memory_space<semaphore_mem>>) src(%dma_wait3A_1012 : memref<32x1024xf32, #tpu.memory_space<vmem>>) dst(%dma_wait3A_1008 : memref<32x1024xf32, #tpu.memory_space<hbm>>)
    %add3A_1013 = arith.constant 192 : i32
    %add3A_1014 = arith.addi %mul3A_2, %add3A_1013 : i32
    %dma_start3A_1015 = arith.constant 0 : i32
    %dma_start3A_1016 = arith.constant 0 : i32
    %dma_start3A_1017 = arith.constant 0 : i32
    %dma_start3A_1018 = arith.constant 0 : i32
    %dma_start3A_1019 = tpu.memref_slice %arg4[%dma_start3A_1015, %dma_start3A_1017, %dma_start3A_1018] : memref<3x32x1024xf32, #tpu.memory_space<vmem>> -> memref<1x32x1024xf32, #tpu.memory_space<vmem>>
    %dma_start3A_1020 = tpu.memref_squeeze %dma_start3A_1019 : memref<1x32x1024xf32, #tpu.memory_space<vmem>> -> memref<32x1024xf32, #tpu.memory_space<vmem>>
    %dma_start3A_1021 = arith.constant 0 : i32
    %dma_start3A_1022 = tpu.memref_slice %arg2[%add3A_1014, %dma_start3A_1021] : memref<8192x1024xf32, #tpu.memory_space<hbm>> -> memref<32x1024xf32, #tpu.memory_space<hbm>>
    %dma_start3A_1023 = tpu.memref_slice %arg5[%dma_start3A_1016] : memref<3x!tpu.dma_semaphore, #tpu.memory_space<semaphore_mem>> -> memref<1x!tpu.dma_semaphore, #tpu.memory_space<semaphore_mem>>
    %dma_start3A_1024 = tpu.memref_squeeze %dma_start3A_1023 : memref<1x!tpu.dma_semaphore, #tpu.memory_space<semaphore_mem>> -> memref<!tpu.dma_semaphore, #tpu.memory_space<semaphore_mem>>
    %dma_start3A_1025 = arith.constant 0 : i32
    %dma_start3A_1026 = arith.constant 0 : i32
    %dma_start3A_1027 = tpu.memref_slice %arg4[%dma_start3A_1015, %dma_start3A_1025, %dma_start3A_1026] : memref<3x32x1024xf32, #tpu.memory_space<vmem>> -> memref<1x32x1024xf32, #tpu.memory_space<vmem>>
    %dma_start3A_1028 = tpu.memref_squeeze %dma_start3A_1027 : memref<1x32x1024xf32, #tpu.memory_space<vmem>> -> memref<32x1024xf32, #tpu.memory_space<vmem>>
    %dma_start3A_1029 = arith.constant 0 : i32
    %dma_start3A_1030 = tpu.memref_slice %arg2[%add3A_1014, %dma_start3A_1029] : memref<8192x1024xf32, #tpu.memory_space<hbm>> -> memref<32x1024xf32, #tpu.memory_space<hbm>>
    tpu.enqueue_dma source(%dma_start3A_1030 : memref<32x1024xf32, #tpu.memory_space<hbm>>) target(%dma_start3A_1028 : memref<32x1024xf32, #tpu.memory_space<vmem>>) target_semaphore(%dma_start3A_1024 : memref<!tpu.dma_semaphore, #tpu.memory_space<semaphore_mem>>)
    %dma_wait3A_1031 = arith.constant 0 : i32
    %dma_wait3A_1032 = arith.constant 0 : i32
    %dma_wait3A_1033 = arith.constant 0 : i32
    %dma_wait3A_1034 = arith.constant 0 : i32
    %dma_wait3A_1035 = tpu.memref_slice %arg4[%dma_wait3A_1031, %dma_wait3A_1033, %dma_wait3A_1034] : memref<3x32x1024xf32, #tpu.memory_space<vmem>> -> memref<1x32x1024xf32, #tpu.memory_space<vmem>>
    %dma_wait3A_1036 = tpu.memref_squeeze %dma_wait3A_1035 : memref<1x32x1024xf32, #tpu.memory_space<vmem>> -> memref<32x1024xf32, #tpu.memory_space<vmem>>
    %dma_wait3A_1037 = arith.constant 0 : i32
    %dma_wait3A_1038 = tpu.memref_slice %arg2[%add3A_1014, %dma_wait3A_1037] : memref<8192x1024xf32, #tpu.memory_space<hbm>> -> memref<32x1024xf32, #tpu.memory_space<hbm>>
    %dma_wait3A_1039 = tpu.memref_slice %arg5[%dma_wait3A_1032] : memref<3x!tpu.dma_semaphore, #tpu.memory_space<semaphore_mem>> -> memref<1x!tpu.dma_semaphore, #tpu.memory_space<semaphore_mem>>
    %dma_wait3A_1040 = tpu.memref_squeeze %dma_wait3A_1039 : memref<1x!tpu.dma_semaphore, #tpu.memory_space<semaphore_mem>> -> memref<!tpu.dma_semaphore, #tpu.memory_space<semaphore_mem>>
    %dma_wait3A_1041 = arith.constant 0 : i32
    %dma_wait3A_1042 = arith.constant 0 : i32
    %dma_wait3A_1043 = tpu.memref_slice %arg4[%dma_wait3A_1031, %dma_wait3A_1041, %dma_wait3A_1042] : memref<3x32x1024xf32, #tpu.memory_space<vmem>> -> memref<1x32x1024xf32, #tpu.memory_space<vmem>>
    %dma_wait3A_1044 = tpu.memref_squeeze %dma_wait3A_1043 : memref<1x32x1024xf32, #tpu.memory_space<vmem>> -> memref<32x1024xf32, #tpu.memory_space<vmem>>
    %dma_wait3A_1045 = arith.constant 0 : i32
    %dma_wait3A_1046 = tpu.memref_slice %arg2[%add3A_1014, %dma_wait3A_1045] : memref<8192x1024xf32, #tpu.memory_space<hbm>> -> memref<32x1024xf32, #tpu.memory_space<hbm>>
    tpu.wait_dma2 semaphore(%dma_wait3A_1040 : memref<!tpu.dma_semaphore, #tpu.memory_space<semaphore_mem>>) src(%dma_wait3A_1046 : memref<32x1024xf32, #tpu.memory_space<hbm>>) dst(%dma_wait3A_1044 : memref<32x1024xf32, #tpu.memory_space<vmem>>)
    %add3A_1047 = arith.constant 192 : i32
    %add3A_1048 = arith.addi %mul3A_2, %add3A_1047 : i32
    %dma_start3A_1049 = arith.constant 0 : i32
    %dma_start3A_1050 = arith.constant 0 : i32
    %dma_start3A_1051 = arith.constant 0 : i32
    %dma_start3A_1052 = arith.constant 0 : i32
    %dma_start3A_1053 = arith.constant 0 : i32
    %dma_start3A_1054 = tpu.memref_slice %arg4[%dma_start3A_1049, %dma_start3A_1052, %dma_start3A_1053] : memref<3x32x1024xf32, #tpu.memory_space<vmem>> -> memref<1x32x1024xf32, #tpu.memory_space<vmem>>
    %dma_start3A_1055 = tpu.memref_squeeze %dma_start3A_1054 : memref<1x32x1024xf32, #tpu.memory_space<vmem>> -> memref<32x1024xf32, #tpu.memory_space<vmem>>
    %dma_start3A_1056 = arith.constant 0 : i32
    %dma_start3A_1057 = tpu.memref_slice %arg3[%dma_start3A_1050, %add3A_1048, %dma_start3A_1056] : memref<4x8192x1024xf32, #tpu.memory_space<hbm>> -> memref<1x32x1024xf32, #tpu.memory_space<hbm>>
    %dma_start3A_1058 = tpu.memref_squeeze %dma_start3A_1057 : memref<1x32x1024xf32, #tpu.memory_space<hbm>> -> memref<32x1024xf32, #tpu.memory_space<hbm>>
    %dma_start3A_1059 = tpu.memref_slice %arg6[%dma_start3A_1051] : memref<3x!tpu.dma_semaphore, #tpu.memory_space<semaphore_mem>> -> memref<1x!tpu.dma_semaphore, #tpu.memory_space<semaphore_mem>>
    %dma_start3A_1060 = tpu.memref_squeeze %dma_start3A_1059 : memref<1x!tpu.dma_semaphore, #tpu.memory_space<semaphore_mem>> -> memref<!tpu.dma_semaphore, #tpu.memory_space<semaphore_mem>>
    %dma_start3A_1061 = arith.constant 0 : i32
    %dma_start3A_1062 = tpu.memref_slice %arg3[%dma_start3A_1050, %add3A_1048, %dma_start3A_1061] : memref<4x8192x1024xf32, #tpu.memory_space<hbm>> -> memref<1x32x1024xf32, #tpu.memory_space<hbm>>
    %dma_start3A_1063 = tpu.memref_squeeze %dma_start3A_1062 : memref<1x32x1024xf32, #tpu.memory_space<hbm>> -> memref<32x1024xf32, #tpu.memory_space<hbm>>
    %dma_start3A_1064 = arith.constant 0 : i32
    %dma_start3A_1065 = arith.constant 0 : i32
    %dma_start3A_1066 = tpu.memref_slice %arg4[%dma_start3A_1049, %dma_start3A_1064, %dma_start3A_1065] : memref<3x32x1024xf32, #tpu.memory_space<vmem>> -> memref<1x32x1024xf32, #tpu.memory_space<vmem>>
    %dma_start3A_1067 = tpu.memref_squeeze %dma_start3A_1066 : memref<1x32x1024xf32, #tpu.memory_space<vmem>> -> memref<32x1024xf32, #tpu.memory_space<vmem>>
    tpu.enqueue_dma source(%dma_start3A_1067 : memref<32x1024xf32, #tpu.memory_space<vmem>>) target(%dma_start3A_1063 : memref<32x1024xf32, #tpu.memory_space<hbm>>) target_semaphore(%dma_start3A_1060 : memref<!tpu.dma_semaphore, #tpu.memory_space<semaphore_mem>>)
    %add3A_1068 = arith.constant 192 : i32
    %add3A_1069 = arith.addi %mul3A_2, %add3A_1068 : i32
    %dma_start3A_1070 = arith.constant 0 : i32
    %dma_start3A_1071 = arith.constant 1 : i32
    %dma_start3A_1072 = arith.constant 0 : i32
    %dma_start3A_1073 = arith.constant 0 : i32
    %dma_start3A_1074 = arith.constant 0 : i32
    %dma_start3A_1075 = tpu.memref_slice %arg4[%dma_start3A_1070, %dma_start3A_1073, %dma_start3A_1074] : memref<3x32x1024xf32, #tpu.memory_space<vmem>> -> memref<1x32x1024xf32, #tpu.memory_space<vmem>>
    %dma_start3A_1076 = tpu.memref_squeeze %dma_start3A_1075 : memref<1x32x1024xf32, #tpu.memory_space<vmem>> -> memref<32x1024xf32, #tpu.memory_space<vmem>>
    %dma_start3A_1077 = arith.constant 0 : i32
    %dma_start3A_1078 = tpu.memref_slice %arg3[%dma_start3A_1071, %add3A_1069, %dma_start3A_1077] : memref<4x8192x1024xf32, #tpu.memory_space<hbm>> -> memref<1x32x1024xf32, #tpu.memory_space<hbm>>
    %dma_start3A_1079 = tpu.memref_squeeze %dma_start3A_1078 : memref<1x32x1024xf32, #tpu.memory_space<hbm>> -> memref<32x1024xf32, #tpu.memory_space<hbm>>
    %dma_start3A_1080 = tpu.memref_slice %arg6[%dma_start3A_1072] : memref<3x!tpu.dma_semaphore, #tpu.memory_space<semaphore_mem>> -> memref<1x!tpu.dma_semaphore, #tpu.memory_space<semaphore_mem>>
    %dma_start3A_1081 = tpu.memref_squeeze %dma_start3A_1080 : memref<1x!tpu.dma_semaphore, #tpu.memory_space<semaphore_mem>> -> memref<!tpu.dma_semaphore, #tpu.memory_space<semaphore_mem>>
    %dma_start3A_1082 = arith.constant 0 : i32
    %dma_start3A_1083 = tpu.memref_slice %arg3[%dma_start3A_1071, %add3A_1069, %dma_start3A_1082] : memref<4x8192x1024xf32, #tpu.memory_space<hbm>> -> memref<1x32x1024xf32, #tpu.memory_space<hbm>>
    %dma_start3A_1084 = tpu.memref_squeeze %dma_start3A_1083 : memref<1x32x1024xf32, #tpu.memory_space<hbm>> -> memref<32x1024xf32, #tpu.memory_space<hbm>>
    %dma_start3A_1085 = arith.constant 0 : i32
    %dma_start3A_1086 = arith.constant 0 : i32
    %dma_start3A_1087 = tpu.memref_slice %arg4[%dma_start3A_1070, %dma_start3A_1085, %dma_start3A_1086] : memref<3x32x1024xf32, #tpu.memory_space<vmem>> -> memref<1x32x1024xf32, #tpu.memory_space<vmem>>
    %dma_start3A_1088 = tpu.memref_squeeze %dma_start3A_1087 : memref<1x32x1024xf32, #tpu.memory_space<vmem>> -> memref<32x1024xf32, #tpu.memory_space<vmem>>
    tpu.enqueue_dma source(%dma_start3A_1088 : memref<32x1024xf32, #tpu.memory_space<vmem>>) target(%dma_start3A_1084 : memref<32x1024xf32, #tpu.memory_space<hbm>>) target_semaphore(%dma_start3A_1081 : memref<!tpu.dma_semaphore, #tpu.memory_space<semaphore_mem>>)
    %add3A_1089 = arith.constant 192 : i32
    %add3A_1090 = arith.addi %mul3A_2, %add3A_1089 : i32
    %dma_start3A_1091 = arith.constant 0 : i32
    %dma_start3A_1092 = arith.constant 2 : i32
    %dma_start3A_1093 = arith.constant 0 : i32
    %dma_start3A_1094 = arith.constant 0 : i32
    %dma_start3A_1095 = arith.constant 0 : i32
    %dma_start3A_1096 = tpu.memref_slice %arg4[%dma_start3A_1091, %dma_start3A_1094, %dma_start3A_1095] : memref<3x32x1024xf32, #tpu.memory_space<vmem>> -> memref<1x32x1024xf32, #tpu.memory_space<vmem>>
    %dma_start3A_1097 = tpu.memref_squeeze %dma_start3A_1096 : memref<1x32x1024xf32, #tpu.memory_space<vmem>> -> memref<32x1024xf32, #tpu.memory_space<vmem>>
    %dma_start3A_1098 = arith.constant 0 : i32
    %dma_start3A_1099 = tpu.memref_slice %arg3[%dma_start3A_1092, %add3A_1090, %dma_start3A_1098] : memref<4x8192x1024xf32, #tpu.memory_space<hbm>> -> memref<1x32x1024xf32, #tpu.memory_space<hbm>>
    %dma_start3A_1100 = tpu.memref_squeeze %dma_start3A_1099 : memref<1x32x1024xf32, #tpu.memory_space<hbm>> -> memref<32x1024xf32, #tpu.memory_space<hbm>>
    %dma_start3A_1101 = tpu.memref_slice %arg6[%dma_start3A_1093] : memref<3x!tpu.dma_semaphore, #tpu.memory_space<semaphore_mem>> -> memref<1x!tpu.dma_semaphore, #tpu.memory_space<semaphore_mem>>
    %dma_start3A_1102 = tpu.memref_squeeze %dma_start3A_1101 : memref<1x!tpu.dma_semaphore, #tpu.memory_space<semaphore_mem>> -> memref<!tpu.dma_semaphore, #tpu.memory_space<semaphore_mem>>
    %dma_start3A_1103 = arith.constant 0 : i32
    %dma_start3A_1104 = tpu.memref_slice %arg3[%dma_start3A_1092, %add3A_1090, %dma_start3A_1103] : memref<4x8192x1024xf32, #tpu.memory_space<hbm>> -> memref<1x32x1024xf32, #tpu.memory_space<hbm>>
    %dma_start3A_1105 = tpu.memref_squeeze %dma_start3A_1104 : memref<1x32x1024xf32, #tpu.memory_space<hbm>> -> memref<32x1024xf32, #tpu.memory_space<hbm>>
    %dma_start3A_1106 = arith.constant 0 : i32
    %dma_start3A_1107 = arith.constant 0 : i32
    %dma_start3A_1108 = tpu.memref_slice %arg4[%dma_start3A_1091, %dma_start3A_1106, %dma_start3A_1107] : memref<3x32x1024xf32, #tpu.memory_space<vmem>> -> memref<1x32x1024xf32, #tpu.memory_space<vmem>>
    %dma_start3A_1109 = tpu.memref_squeeze %dma_start3A_1108 : memref<1x32x1024xf32, #tpu.memory_space<vmem>> -> memref<32x1024xf32, #tpu.memory_space<vmem>>
    tpu.enqueue_dma source(%dma_start3A_1109 : memref<32x1024xf32, #tpu.memory_space<vmem>>) target(%dma_start3A_1105 : memref<32x1024xf32, #tpu.memory_space<hbm>>) target_semaphore(%dma_start3A_1102 : memref<!tpu.dma_semaphore, #tpu.memory_space<semaphore_mem>>)
    %add3A_1110 = arith.constant 192 : i32
    %add3A_1111 = arith.addi %mul3A_2, %add3A_1110 : i32
    %dma_start3A_1112 = arith.constant 0 : i32
    %dma_start3A_1113 = arith.constant 3 : i32
    %dma_start3A_1114 = arith.constant 0 : i32
    %dma_start3A_1115 = arith.constant 0 : i32
    %dma_start3A_1116 = arith.constant 0 : i32
    %dma_start3A_1117 = tpu.memref_slice %arg4[%dma_start3A_1112, %dma_start3A_1115, %dma_start3A_1116] : memref<3x32x1024xf32, #tpu.memory_space<vmem>> -> memref<1x32x1024xf32, #tpu.memory_space<vmem>>
    %dma_start3A_1118 = tpu.memref_squeeze %dma_start3A_1117 : memref<1x32x1024xf32, #tpu.memory_space<vmem>> -> memref<32x1024xf32, #tpu.memory_space<vmem>>
    %dma_start3A_1119 = arith.constant 0 : i32
    %dma_start3A_1120 = tpu.memref_slice %arg3[%dma_start3A_1113, %add3A_1111, %dma_start3A_1119] : memref<4x8192x1024xf32, #tpu.memory_space<hbm>> -> memref<1x32x1024xf32, #tpu.memory_space<hbm>>
    %dma_start3A_1121 = tpu.memref_squeeze %dma_start3A_1120 : memref<1x32x1024xf32, #tpu.memory_space<hbm>> -> memref<32x1024xf32, #tpu.memory_space<hbm>>
    %dma_start3A_1122 = tpu.memref_slice %arg6[%dma_start3A_1114] : memref<3x!tpu.dma_semaphore, #tpu.memory_space<semaphore_mem>> -> memref<1x!tpu.dma_semaphore, #tpu.memory_space<semaphore_mem>>
    %dma_start3A_1123 = tpu.memref_squeeze %dma_start3A_1122 : memref<1x!tpu.dma_semaphore, #tpu.memory_space<semaphore_mem>> -> memref<!tpu.dma_semaphore, #tpu.memory_space<semaphore_mem>>
    %dma_start3A_1124 = arith.constant 0 : i32
    %dma_start3A_1125 = tpu.memref_slice %arg3[%dma_start3A_1113, %add3A_1111, %dma_start3A_1124] : memref<4x8192x1024xf32, #tpu.memory_space<hbm>> -> memref<1x32x1024xf32, #tpu.memory_space<hbm>>
    %dma_start3A_1126 = tpu.memref_squeeze %dma_start3A_1125 : memref<1x32x1024xf32, #tpu.memory_space<hbm>> -> memref<32x1024xf32, #tpu.memory_space<hbm>>
    %dma_start3A_1127 = arith.constant 0 : i32
    %dma_start3A_1128 = arith.constant 0 : i32
    %dma_start3A_1129 = tpu.memref_slice %arg4[%dma_start3A_1112, %dma_start3A_1127, %dma_start3A_1128] : memref<3x32x1024xf32, #tpu.memory_space<vmem>> -> memref<1x32x1024xf32, #tpu.memory_space<vmem>>
    %dma_start3A_1130 = tpu.memref_squeeze %dma_start3A_1129 : memref<1x32x1024xf32, #tpu.memory_space<vmem>> -> memref<32x1024xf32, #tpu.memory_space<vmem>>
    tpu.enqueue_dma source(%dma_start3A_1130 : memref<32x1024xf32, #tpu.memory_space<vmem>>) target(%dma_start3A_1126 : memref<32x1024xf32, #tpu.memory_space<hbm>>) target_semaphore(%dma_start3A_1123 : memref<!tpu.dma_semaphore, #tpu.memory_space<semaphore_mem>>)
    %dma_wait3A_1131 = arith.constant 1 : i32
    %dma_wait3A_1132 = arith.constant 0 : i32
    %dma_wait3A_1133 = arith.constant 1 : i32
    %dma_wait3A_1134 = arith.constant 0 : i32
    %dma_wait3A_1135 = arith.constant 0 : i32
    %dma_wait3A_1136 = tpu.memref_slice %arg4[%dma_wait3A_1131, %dma_wait3A_1134, %dma_wait3A_1135] : memref<3x32x1024xf32, #tpu.memory_space<vmem>> -> memref<1x32x1024xf32, #tpu.memory_space<vmem>>
    %dma_wait3A_1137 = tpu.memref_squeeze %dma_wait3A_1136 : memref<1x32x1024xf32, #tpu.memory_space<vmem>> -> memref<32x1024xf32, #tpu.memory_space<vmem>>
    %dma_wait3A_1138 = arith.constant 0 : i32
    %dma_wait3A_1139 = tpu.memref_slice %arg3[%dma_wait3A_1132, %add3A_660, %dma_wait3A_1138] : memref<4x8192x1024xf32, #tpu.memory_space<hbm>> -> memref<1x32x1024xf32, #tpu.memory_space<hbm>>
    %dma_wait3A_1140 = tpu.memref_squeeze %dma_wait3A_1139 : memref<1x32x1024xf32, #tpu.memory_space<hbm>> -> memref<32x1024xf32, #tpu.memory_space<hbm>>
    %dma_wait3A_1141 = tpu.memref_slice %arg6[%dma_wait3A_1133] : memref<3x!tpu.dma_semaphore, #tpu.memory_space<semaphore_mem>> -> memref<1x!tpu.dma_semaphore, #tpu.memory_space<semaphore_mem>>
    %dma_wait3A_1142 = tpu.memref_squeeze %dma_wait3A_1141 : memref<1x!tpu.dma_semaphore, #tpu.memory_space<semaphore_mem>> -> memref<!tpu.dma_semaphore, #tpu.memory_space<semaphore_mem>>
    %dma_wait3A_1143 = arith.constant 0 : i32
    %dma_wait3A_1144 = tpu.memref_slice %arg3[%dma_wait3A_1132, %add3A_660, %dma_wait3A_1143] : memref<4x8192x1024xf32, #tpu.memory_space<hbm>> -> memref<1x32x1024xf32, #tpu.memory_space<hbm>>
    %dma_wait3A_1145 = tpu.memref_squeeze %dma_wait3A_1144 : memref<1x32x1024xf32, #tpu.memory_space<hbm>> -> memref<32x1024xf32, #tpu.memory_space<hbm>>
    %dma_wait3A_1146 = arith.constant 0 : i32
    %dma_wait3A_1147 = arith.constant 0 : i32
    %dma_wait3A_1148 = tpu.memref_slice %arg4[%dma_wait3A_1131, %dma_wait3A_1146, %dma_wait3A_1147] : memref<3x32x1024xf32, #tpu.memory_space<vmem>> -> memref<1x32x1024xf32, #tpu.memory_space<vmem>>
    %dma_wait3A_1149 = tpu.memref_squeeze %dma_wait3A_1148 : memref<1x32x1024xf32, #tpu.memory_space<vmem>> -> memref<32x1024xf32, #tpu.memory_space<vmem>>
    tpu.wait_dma2 semaphore(%dma_wait3A_1142 : memref<!tpu.dma_semaphore, #tpu.memory_space<semaphore_mem>>) src(%dma_wait3A_1149 : memref<32x1024xf32, #tpu.memory_space<vmem>>) dst(%dma_wait3A_1145 : memref<32x1024xf32, #tpu.memory_space<hbm>>)
    %dma_wait3A_1150 = arith.constant 1 : i32
    %dma_wait3A_1151 = arith.constant 1 : i32
    %dma_wait3A_1152 = arith.constant 1 : i32
    %dma_wait3A_1153 = arith.constant 0 : i32
    %dma_wait3A_1154 = arith.constant 0 : i32
    %dma_wait3A_1155 = tpu.memref_slice %arg4[%dma_wait3A_1150, %dma_wait3A_1153, %dma_wait3A_1154] : memref<3x32x1024xf32, #tpu.memory_space<vmem>> -> memref<1x32x1024xf32, #tpu.memory_space<vmem>>
    %dma_wait3A_1156 = tpu.memref_squeeze %dma_wait3A_1155 : memref<1x32x1024xf32, #tpu.memory_space<vmem>> -> memref<32x1024xf32, #tpu.memory_space<vmem>>
    %dma_wait3A_1157 = arith.constant 0 : i32
    %dma_wait3A_1158 = tpu.memref_slice %arg3[%dma_wait3A_1151, %add3A_681, %dma_wait3A_1157] : memref<4x8192x1024xf32, #tpu.memory_space<hbm>> -> memref<1x32x1024xf32, #tpu.memory_space<hbm>>
    %dma_wait3A_1159 = tpu.memref_squeeze %dma_wait3A_1158 : memref<1x32x1024xf32, #tpu.memory_space<hbm>> -> memref<32x1024xf32, #tpu.memory_space<hbm>>
    %dma_wait3A_1160 = tpu.memref_slice %arg6[%dma_wait3A_1152] : memref<3x!tpu.dma_semaphore, #tpu.memory_space<semaphore_mem>> -> memref<1x!tpu.dma_semaphore, #tpu.memory_space<semaphore_mem>>
    %dma_wait3A_1161 = tpu.memref_squeeze %dma_wait3A_1160 : memref<1x!tpu.dma_semaphore, #tpu.memory_space<semaphore_mem>> -> memref<!tpu.dma_semaphore, #tpu.memory_space<semaphore_mem>>
    %dma_wait3A_1162 = arith.constant 0 : i32
    %dma_wait3A_1163 = tpu.memref_slice %arg3[%dma_wait3A_1151, %add3A_681, %dma_wait3A_1162] : memref<4x8192x1024xf32, #tpu.memory_space<hbm>> -> memref<1x32x1024xf32, #tpu.memory_space<hbm>>
    %dma_wait3A_1164 = tpu.memref_squeeze %dma_wait3A_1163 : memref<1x32x1024xf32, #tpu.memory_space<hbm>> -> memref<32x1024xf32, #tpu.memory_space<hbm>>
    %dma_wait3A_1165 = arith.constant 0 : i32
    %dma_wait3A_1166 = arith.constant 0 : i32
    %dma_wait3A_1167 = tpu.memref_slice %arg4[%dma_wait3A_1150, %dma_wait3A_1165, %dma_wait3A_1166] : memref<3x32x1024xf32, #tpu.memory_space<vmem>> -> memref<1x32x1024xf32, #tpu.memory_space<vmem>>
    %dma_wait3A_1168 = tpu.memref_squeeze %dma_wait3A_1167 : memref<1x32x1024xf32, #tpu.memory_space<vmem>> -> memref<32x1024xf32, #tpu.memory_space<vmem>>
    tpu.wait_dma2 semaphore(%dma_wait3A_1161 : memref<!tpu.dma_semaphore, #tpu.memory_space<semaphore_mem>>) src(%dma_wait3A_1168 : memref<32x1024xf32, #tpu.memory_space<vmem>>) dst(%dma_wait3A_1164 : memref<32x1024xf32, #tpu.memory_space<hbm>>)
    %dma_wait3A_1169 = arith.constant 1 : i32
    %dma_wait3A_1170 = arith.constant 2 : i32
    %dma_wait3A_1171 = arith.constant 1 : i32
    %dma_wait3A_1172 = arith.constant 0 : i32
    %dma_wait3A_1173 = arith.constant 0 : i32
    %dma_wait3A_1174 = tpu.memref_slice %arg4[%dma_wait3A_1169, %dma_wait3A_1172, %dma_wait3A_1173] : memref<3x32x1024xf32, #tpu.memory_space<vmem>> -> memref<1x32x1024xf32, #tpu.memory_space<vmem>>
    %dma_wait3A_1175 = tpu.memref_squeeze %dma_wait3A_1174 : memref<1x32x1024xf32, #tpu.memory_space<vmem>> -> memref<32x1024xf32, #tpu.memory_space<vmem>>
    %dma_wait3A_1176 = arith.constant 0 : i32
    %dma_wait3A_1177 = tpu.memref_slice %arg3[%dma_wait3A_1170, %add3A_702, %dma_wait3A_1176] : memref<4x8192x1024xf32, #tpu.memory_space<hbm>> -> memref<1x32x1024xf32, #tpu.memory_space<hbm>>
    %dma_wait3A_1178 = tpu.memref_squeeze %dma_wait3A_1177 : memref<1x32x1024xf32, #tpu.memory_space<hbm>> -> memref<32x1024xf32, #tpu.memory_space<hbm>>
    %dma_wait3A_1179 = tpu.memref_slice %arg6[%dma_wait3A_1171] : memref<3x!tpu.dma_semaphore, #tpu.memory_space<semaphore_mem>> -> memref<1x!tpu.dma_semaphore, #tpu.memory_space<semaphore_mem>>
    %dma_wait3A_1180 = tpu.memref_squeeze %dma_wait3A_1179 : memref<1x!tpu.dma_semaphore, #tpu.memory_space<semaphore_mem>> -> memref<!tpu.dma_semaphore, #tpu.memory_space<semaphore_mem>>
    %dma_wait3A_1181 = arith.constant 0 : i32
    %dma_wait3A_1182 = tpu.memref_slice %arg3[%dma_wait3A_1170, %add3A_702, %dma_wait3A_1181] : memref<4x8192x1024xf32, #tpu.memory_space<hbm>> -> memref<1x32x1024xf32, #tpu.memory_space<hbm>>
    %dma_wait3A_1183 = tpu.memref_squeeze %dma_wait3A_1182 : memref<1x32x1024xf32, #tpu.memory_space<hbm>> -> memref<32x1024xf32, #tpu.memory_space<hbm>>
    %dma_wait3A_1184 = arith.constant 0 : i32
    %dma_wait3A_1185 = arith.constant 0 : i32
    %dma_wait3A_1186 = tpu.memref_slice %arg4[%dma_wait3A_1169, %dma_wait3A_1184, %dma_wait3A_1185] : memref<3x32x1024xf32, #tpu.memory_space<vmem>> -> memref<1x32x1024xf32, #tpu.memory_space<vmem>>
    %dma_wait3A_1187 = tpu.memref_squeeze %dma_wait3A_1186 : memref<1x32x1024xf32, #tpu.memory_space<vmem>> -> memref<32x1024xf32, #tpu.memory_space<vmem>>
    tpu.wait_dma2 semaphore(%dma_wait3A_1180 : memref<!tpu.dma_semaphore, #tpu.memory_space<semaphore_mem>>) src(%dma_wait3A_1187 : memref<32x1024xf32, #tpu.memory_space<vmem>>) dst(%dma_wait3A_1183 : memref<32x1024xf32, #tpu.memory_space<hbm>>)
    %dma_wait3A_1188 = arith.constant 1 : i32
    %dma_wait3A_1189 = arith.constant 3 : i32
    %dma_wait3A_1190 = arith.constant 1 : i32
    %dma_wait3A_1191 = arith.constant 0 : i32
    %dma_wait3A_1192 = arith.constant 0 : i32
    %dma_wait3A_1193 = tpu.memref_slice %arg4[%dma_wait3A_1188, %dma_wait3A_1191, %dma_wait3A_1192] : memref<3x32x1024xf32, #tpu.memory_space<vmem>> -> memref<1x32x1024xf32, #tpu.memory_space<vmem>>
    %dma_wait3A_1194 = tpu.memref_squeeze %dma_wait3A_1193 : memref<1x32x1024xf32, #tpu.memory_space<vmem>> -> memref<32x1024xf32, #tpu.memory_space<vmem>>
    %dma_wait3A_1195 = arith.constant 0 : i32
    %dma_wait3A_1196 = tpu.memref_slice %arg3[%dma_wait3A_1189, %add3A_723, %dma_wait3A_1195] : memref<4x8192x1024xf32, #tpu.memory_space<hbm>> -> memref<1x32x1024xf32, #tpu.memory_space<hbm>>
    %dma_wait3A_1197 = tpu.memref_squeeze %dma_wait3A_1196 : memref<1x32x1024xf32, #tpu.memory_space<hbm>> -> memref<32x1024xf32, #tpu.memory_space<hbm>>
    %dma_wait3A_1198 = tpu.memref_slice %arg6[%dma_wait3A_1190] : memref<3x!tpu.dma_semaphore, #tpu.memory_space<semaphore_mem>> -> memref<1x!tpu.dma_semaphore, #tpu.memory_space<semaphore_mem>>
    %dma_wait3A_1199 = tpu.memref_squeeze %dma_wait3A_1198 : memref<1x!tpu.dma_semaphore, #tpu.memory_space<semaphore_mem>> -> memref<!tpu.dma_semaphore, #tpu.memory_space<semaphore_mem>>
    %dma_wait3A_1200 = arith.constant 0 : i32
    %dma_wait3A_1201 = tpu.memref_slice %arg3[%dma_wait3A_1189, %add3A_723, %dma_wait3A_1200] : memref<4x8192x1024xf32, #tpu.memory_space<hbm>> -> memref<1x32x1024xf32, #tpu.memory_space<hbm>>
    %dma_wait3A_1202 = tpu.memref_squeeze %dma_wait3A_1201 : memref<1x32x1024xf32, #tpu.memory_space<hbm>> -> memref<32x1024xf32, #tpu.memory_space<hbm>>
    %dma_wait3A_1203 = arith.constant 0 : i32
    %dma_wait3A_1204 = arith.constant 0 : i32
    %dma_wait3A_1205 = tpu.memref_slice %arg4[%dma_wait3A_1188, %dma_wait3A_1203, %dma_wait3A_1204] : memref<3x32x1024xf32, #tpu.memory_space<vmem>> -> memref<1x32x1024xf32, #tpu.memory_space<vmem>>
    %dma_wait3A_1206 = tpu.memref_squeeze %dma_wait3A_1205 : memref<1x32x1024xf32, #tpu.memory_space<vmem>> -> memref<32x1024xf32, #tpu.memory_space<vmem>>
    tpu.wait_dma2 semaphore(%dma_wait3A_1199 : memref<!tpu.dma_semaphore, #tpu.memory_space<semaphore_mem>>) src(%dma_wait3A_1206 : memref<32x1024xf32, #tpu.memory_space<vmem>>) dst(%dma_wait3A_1202 : memref<32x1024xf32, #tpu.memory_space<hbm>>)
    %add3A_1207 = arith.constant 224 : i32
    %add3A_1208 = arith.addi %mul3A_2, %add3A_1207 : i32
    %dma_start3A_1209 = arith.constant 1 : i32
    %dma_start3A_1210 = arith.constant 1 : i32
    %dma_start3A_1211 = arith.constant 0 : i32
    %dma_start3A_1212 = arith.constant 0 : i32
    %dma_start3A_1213 = tpu.memref_slice %arg4[%dma_start3A_1209, %dma_start3A_1211, %dma_start3A_1212] : memref<3x32x1024xf32, #tpu.memory_space<vmem>> -> memref<1x32x1024xf32, #tpu.memory_space<vmem>>
    %dma_start3A_1214 = tpu.memref_squeeze %dma_start3A_1213 : memref<1x32x1024xf32, #tpu.memory_space<vmem>> -> memref<32x1024xf32, #tpu.memory_space<vmem>>
    %dma_start3A_1215 = arith.constant 0 : i32
    %dma_start3A_1216 = tpu.memref_slice %arg2[%add3A_1208, %dma_start3A_1215] : memref<8192x1024xf32, #tpu.memory_space<hbm>> -> memref<32x1024xf32, #tpu.memory_space<hbm>>
    %dma_start3A_1217 = tpu.memref_slice %arg5[%dma_start3A_1210] : memref<3x!tpu.dma_semaphore, #tpu.memory_space<semaphore_mem>> -> memref<1x!tpu.dma_semaphore, #tpu.memory_space<semaphore_mem>>
    %dma_start3A_1218 = tpu.memref_squeeze %dma_start3A_1217 : memref<1x!tpu.dma_semaphore, #tpu.memory_space<semaphore_mem>> -> memref<!tpu.dma_semaphore, #tpu.memory_space<semaphore_mem>>
    %dma_start3A_1219 = arith.constant 0 : i32
    %dma_start3A_1220 = arith.constant 0 : i32
    %dma_start3A_1221 = tpu.memref_slice %arg4[%dma_start3A_1209, %dma_start3A_1219, %dma_start3A_1220] : memref<3x32x1024xf32, #tpu.memory_space<vmem>> -> memref<1x32x1024xf32, #tpu.memory_space<vmem>>
    %dma_start3A_1222 = tpu.memref_squeeze %dma_start3A_1221 : memref<1x32x1024xf32, #tpu.memory_space<vmem>> -> memref<32x1024xf32, #tpu.memory_space<vmem>>
    %dma_start3A_1223 = arith.constant 0 : i32
    %dma_start3A_1224 = tpu.memref_slice %arg2[%add3A_1208, %dma_start3A_1223] : memref<8192x1024xf32, #tpu.memory_space<hbm>> -> memref<32x1024xf32, #tpu.memory_space<hbm>>
    tpu.enqueue_dma source(%dma_start3A_1224 : memref<32x1024xf32, #tpu.memory_space<hbm>>) target(%dma_start3A_1222 : memref<32x1024xf32, #tpu.memory_space<vmem>>) target_semaphore(%dma_start3A_1218 : memref<!tpu.dma_semaphore, #tpu.memory_space<semaphore_mem>>)
    %dma_wait3A_1225 = arith.constant 1 : i32
    %dma_wait3A_1226 = arith.constant 1 : i32
    %dma_wait3A_1227 = arith.constant 0 : i32
    %dma_wait3A_1228 = arith.constant 0 : i32
    %dma_wait3A_1229 = tpu.memref_slice %arg4[%dma_wait3A_1225, %dma_wait3A_1227, %dma_wait3A_1228] : memref<3x32x1024xf32, #tpu.memory_space<vmem>> -> memref<1x32x1024xf32, #tpu.memory_space<vmem>>
    %dma_wait3A_1230 = tpu.memref_squeeze %dma_wait3A_1229 : memref<1x32x1024xf32, #tpu.memory_space<vmem>> -> memref<32x1024xf32, #tpu.memory_space<vmem>>
    %dma_wait3A_1231 = arith.constant 0 : i32
    %dma_wait3A_1232 = tpu.memref_slice %arg2[%add3A_1208, %dma_wait3A_1231] : memref<8192x1024xf32, #tpu.memory_space<hbm>> -> memref<32x1024xf32, #tpu.memory_space<hbm>>
    %dma_wait3A_1233 = tpu.memref_slice %arg5[%dma_wait3A_1226] : memref<3x!tpu.dma_semaphore, #tpu.memory_space<semaphore_mem>> -> memref<1x!tpu.dma_semaphore, #tpu.memory_space<semaphore_mem>>
    %dma_wait3A_1234 = tpu.memref_squeeze %dma_wait3A_1233 : memref<1x!tpu.dma_semaphore, #tpu.memory_space<semaphore_mem>> -> memref<!tpu.dma_semaphore, #tpu.memory_space<semaphore_mem>>
    %dma_wait3A_1235 = arith.constant 0 : i32
    %dma_wait3A_1236 = arith.constant 0 : i32
    %dma_wait3A_1237 = tpu.memref_slice %arg4[%dma_wait3A_1225, %dma_wait3A_1235, %dma_wait3A_1236] : memref<3x32x1024xf32, #tpu.memory_space<vmem>> -> memref<1x32x1024xf32, #tpu.memory_space<vmem>>
    %dma_wait3A_1238 = tpu.memref_squeeze %dma_wait3A_1237 : memref<1x32x1024xf32, #tpu.memory_space<vmem>> -> memref<32x1024xf32, #tpu.memory_space<vmem>>
    %dma_wait3A_1239 = arith.constant 0 : i32
    %dma_wait3A_1240 = tpu.memref_slice %arg2[%add3A_1208, %dma_wait3A_1239] : memref<8192x1024xf32, #tpu.memory_space<hbm>> -> memref<32x1024xf32, #tpu.memory_space<hbm>>
    tpu.wait_dma2 semaphore(%dma_wait3A_1234 : memref<!tpu.dma_semaphore, #tpu.memory_space<semaphore_mem>>) src(%dma_wait3A_1240 : memref<32x1024xf32, #tpu.memory_space<hbm>>) dst(%dma_wait3A_1238 : memref<32x1024xf32, #tpu.memory_space<vmem>>)
    %add3A_1241 = arith.constant 224 : i32
    %add3A_1242 = arith.addi %mul3A_2, %add3A_1241 : i32
    %dma_start3A_1243 = arith.constant 1 : i32
    %dma_start3A_1244 = arith.constant 0 : i32
    %dma_start3A_1245 = arith.constant 1 : i32
    %dma_start3A_1246 = arith.constant 0 : i32
    %dma_start3A_1247 = arith.constant 0 : i32
    %dma_start3A_1248 = tpu.memref_slice %arg4[%dma_start3A_1243, %dma_start3A_1246, %dma_start3A_1247] : memref<3x32x1024xf32, #tpu.memory_space<vmem>> -> memref<1x32x1024xf32, #tpu.memory_space<vmem>>
    %dma_start3A_1249 = tpu.memref_squeeze %dma_start3A_1248 : memref<1x32x1024xf32, #tpu.memory_space<vmem>> -> memref<32x1024xf32, #tpu.memory_space<vmem>>
    %dma_start3A_1250 = arith.constant 0 : i32
    %dma_start3A_1251 = tpu.memref_slice %arg3[%dma_start3A_1244, %add3A_1242, %dma_start3A_1250] : memref<4x8192x1024xf32, #tpu.memory_space<hbm>> -> memref<1x32x1024xf32, #tpu.memory_space<hbm>>
    %dma_start3A_1252 = tpu.memref_squeeze %dma_start3A_1251 : memref<1x32x1024xf32, #tpu.memory_space<hbm>> -> memref<32x1024xf32, #tpu.memory_space<hbm>>
    %dma_start3A_1253 = tpu.memref_slice %arg6[%dma_start3A_1245] : memref<3x!tpu.dma_semaphore, #tpu.memory_space<semaphore_mem>> -> memref<1x!tpu.dma_semaphore, #tpu.memory_space<semaphore_mem>>
    %dma_start3A_1254 = tpu.memref_squeeze %dma_start3A_1253 : memref<1x!tpu.dma_semaphore, #tpu.memory_space<semaphore_mem>> -> memref<!tpu.dma_semaphore, #tpu.memory_space<semaphore_mem>>
    %dma_start3A_1255 = arith.constant 0 : i32
    %dma_start3A_1256 = tpu.memref_slice %arg3[%dma_start3A_1244, %add3A_1242, %dma_start3A_1255] : memref<4x8192x1024xf32, #tpu.memory_space<hbm>> -> memref<1x32x1024xf32, #tpu.memory_space<hbm>>
    %dma_start3A_1257 = tpu.memref_squeeze %dma_start3A_1256 : memref<1x32x1024xf32, #tpu.memory_space<hbm>> -> memref<32x1024xf32, #tpu.memory_space<hbm>>
    %dma_start3A_1258 = arith.constant 0 : i32
    %dma_start3A_1259 = arith.constant 0 : i32
    %dma_start3A_1260 = tpu.memref_slice %arg4[%dma_start3A_1243, %dma_start3A_1258, %dma_start3A_1259] : memref<3x32x1024xf32, #tpu.memory_space<vmem>> -> memref<1x32x1024xf32, #tpu.memory_space<vmem>>
    %dma_start3A_1261 = tpu.memref_squeeze %dma_start3A_1260 : memref<1x32x1024xf32, #tpu.memory_space<vmem>> -> memref<32x1024xf32, #tpu.memory_space<vmem>>
    tpu.enqueue_dma source(%dma_start3A_1261 : memref<32x1024xf32, #tpu.memory_space<vmem>>) target(%dma_start3A_1257 : memref<32x1024xf32, #tpu.memory_space<hbm>>) target_semaphore(%dma_start3A_1254 : memref<!tpu.dma_semaphore, #tpu.memory_space<semaphore_mem>>)
    %add3A_1262 = arith.constant 224 : i32
    %add3A_1263 = arith.addi %mul3A_2, %add3A_1262 : i32
    %dma_start3A_1264 = arith.constant 1 : i32
    %dma_start3A_1265 = arith.constant 1 : i32
    %dma_start3A_1266 = arith.constant 1 : i32
    %dma_start3A_1267 = arith.constant 0 : i32
    %dma_start3A_1268 = arith.constant 0 : i32
    %dma_start3A_1269 = tpu.memref_slice %arg4[%dma_start3A_1264, %dma_start3A_1267, %dma_start3A_1268] : memref<3x32x1024xf32, #tpu.memory_space<vmem>> -> memref<1x32x1024xf32, #tpu.memory_space<vmem>>
    %dma_start3A_1270 = tpu.memref_squeeze %dma_start3A_1269 : memref<1x32x1024xf32, #tpu.memory_space<vmem>> -> memref<32x1024xf32, #tpu.memory_space<vmem>>
    %dma_start3A_1271 = arith.constant 0 : i32
    %dma_start3A_1272 = tpu.memref_slice %arg3[%dma_start3A_1265, %add3A_1263, %dma_start3A_1271] : memref<4x8192x1024xf32, #tpu.memory_space<hbm>> -> memref<1x32x1024xf32, #tpu.memory_space<hbm>>
    %dma_start3A_1273 = tpu.memref_squeeze %dma_start3A_1272 : memref<1x32x1024xf32, #tpu.memory_space<hbm>> -> memref<32x1024xf32, #tpu.memory_space<hbm>>
    %dma_start3A_1274 = tpu.memref_slice %arg6[%dma_start3A_1266] : memref<3x!tpu.dma_semaphore, #tpu.memory_space<semaphore_mem>> -> memref<1x!tpu.dma_semaphore, #tpu.memory_space<semaphore_mem>>
    %dma_start3A_1275 = tpu.memref_squeeze %dma_start3A_1274 : memref<1x!tpu.dma_semaphore, #tpu.memory_space<semaphore_mem>> -> memref<!tpu.dma_semaphore, #tpu.memory_space<semaphore_mem>>
    %dma_start3A_1276 = arith.constant 0 : i32
    %dma_start3A_1277 = tpu.memref_slice %arg3[%dma_start3A_1265, %add3A_1263, %dma_start3A_1276] : memref<4x8192x1024xf32, #tpu.memory_space<hbm>> -> memref<1x32x1024xf32, #tpu.memory_space<hbm>>
    %dma_start3A_1278 = tpu.memref_squeeze %dma_start3A_1277 : memref<1x32x1024xf32, #tpu.memory_space<hbm>> -> memref<32x1024xf32, #tpu.memory_space<hbm>>
    %dma_start3A_1279 = arith.constant 0 : i32
    %dma_start3A_1280 = arith.constant 0 : i32
    %dma_start3A_1281 = tpu.memref_slice %arg4[%dma_start3A_1264, %dma_start3A_1279, %dma_start3A_1280] : memref<3x32x1024xf32, #tpu.memory_space<vmem>> -> memref<1x32x1024xf32, #tpu.memory_space<vmem>>
    %dma_start3A_1282 = tpu.memref_squeeze %dma_start3A_1281 : memref<1x32x1024xf32, #tpu.memory_space<vmem>> -> memref<32x1024xf32, #tpu.memory_space<vmem>>
    tpu.enqueue_dma source(%dma_start3A_1282 : memref<32x1024xf32, #tpu.memory_space<vmem>>) target(%dma_start3A_1278 : memref<32x1024xf32, #tpu.memory_space<hbm>>) target_semaphore(%dma_start3A_1275 : memref<!tpu.dma_semaphore, #tpu.memory_space<semaphore_mem>>)
    %add3A_1283 = arith.constant 224 : i32
    %add3A_1284 = arith.addi %mul3A_2, %add3A_1283 : i32
    %dma_start3A_1285 = arith.constant 1 : i32
    %dma_start3A_1286 = arith.constant 2 : i32
    %dma_start3A_1287 = arith.constant 1 : i32
    %dma_start3A_1288 = arith.constant 0 : i32
    %dma_start3A_1289 = arith.constant 0 : i32
    %dma_start3A_1290 = tpu.memref_slice %arg4[%dma_start3A_1285, %dma_start3A_1288, %dma_start3A_1289] : memref<3x32x1024xf32, #tpu.memory_space<vmem>> -> memref<1x32x1024xf32, #tpu.memory_space<vmem>>
    %dma_start3A_1291 = tpu.memref_squeeze %dma_start3A_1290 : memref<1x32x1024xf32, #tpu.memory_space<vmem>> -> memref<32x1024xf32, #tpu.memory_space<vmem>>
    %dma_start3A_1292 = arith.constant 0 : i32
    %dma_start3A_1293 = tpu.memref_slice %arg3[%dma_start3A_1286, %add3A_1284, %dma_start3A_1292] : memref<4x8192x1024xf32, #tpu.memory_space<hbm>> -> memref<1x32x1024xf32, #tpu.memory_space<hbm>>
    %dma_start3A_1294 = tpu.memref_squeeze %dma_start3A_1293 : memref<1x32x1024xf32, #tpu.memory_space<hbm>> -> memref<32x1024xf32, #tpu.memory_space<hbm>>
    %dma_start3A_1295 = tpu.memref_slice %arg6[%dma_start3A_1287] : memref<3x!tpu.dma_semaphore, #tpu.memory_space<semaphore_mem>> -> memref<1x!tpu.dma_semaphore, #tpu.memory_space<semaphore_mem>>
    %dma_start3A_1296 = tpu.memref_squeeze %dma_start3A_1295 : memref<1x!tpu.dma_semaphore, #tpu.memory_space<semaphore_mem>> -> memref<!tpu.dma_semaphore, #tpu.memory_space<semaphore_mem>>
    %dma_start3A_1297 = arith.constant 0 : i32
    %dma_start3A_1298 = tpu.memref_slice %arg3[%dma_start3A_1286, %add3A_1284, %dma_start3A_1297] : memref<4x8192x1024xf32, #tpu.memory_space<hbm>> -> memref<1x32x1024xf32, #tpu.memory_space<hbm>>
    %dma_start3A_1299 = tpu.memref_squeeze %dma_start3A_1298 : memref<1x32x1024xf32, #tpu.memory_space<hbm>> -> memref<32x1024xf32, #tpu.memory_space<hbm>>
    %dma_start3A_1300 = arith.constant 0 : i32
    %dma_start3A_1301 = arith.constant 0 : i32
    %dma_start3A_1302 = tpu.memref_slice %arg4[%dma_start3A_1285, %dma_start3A_1300, %dma_start3A_1301] : memref<3x32x1024xf32, #tpu.memory_space<vmem>> -> memref<1x32x1024xf32, #tpu.memory_space<vmem>>
    %dma_start3A_1303 = tpu.memref_squeeze %dma_start3A_1302 : memref<1x32x1024xf32, #tpu.memory_space<vmem>> -> memref<32x1024xf32, #tpu.memory_space<vmem>>
    tpu.enqueue_dma source(%dma_start3A_1303 : memref<32x1024xf32, #tpu.memory_space<vmem>>) target(%dma_start3A_1299 : memref<32x1024xf32, #tpu.memory_space<hbm>>) target_semaphore(%dma_start3A_1296 : memref<!tpu.dma_semaphore, #tpu.memory_space<semaphore_mem>>)
    %add3A_1304 = arith.constant 224 : i32
    %add3A_1305 = arith.addi %mul3A_2, %add3A_1304 : i32
    %dma_start3A_1306 = arith.constant 1 : i32
    %dma_start3A_1307 = arith.constant 3 : i32
    %dma_start3A_1308 = arith.constant 1 : i32
    %dma_start3A_1309 = arith.constant 0 : i32
    %dma_start3A_1310 = arith.constant 0 : i32
    %dma_start3A_1311 = tpu.memref_slice %arg4[%dma_start3A_1306, %dma_start3A_1309, %dma_start3A_1310] : memref<3x32x1024xf32, #tpu.memory_space<vmem>> -> memref<1x32x1024xf32, #tpu.memory_space<vmem>>
    %dma_start3A_1312 = tpu.memref_squeeze %dma_start3A_1311 : memref<1x32x1024xf32, #tpu.memory_space<vmem>> -> memref<32x1024xf32, #tpu.memory_space<vmem>>
    %dma_start3A_1313 = arith.constant 0 : i32
    %dma_start3A_1314 = tpu.memref_slice %arg3[%dma_start3A_1307, %add3A_1305, %dma_start3A_1313] : memref<4x8192x1024xf32, #tpu.memory_space<hbm>> -> memref<1x32x1024xf32, #tpu.memory_space<hbm>>
    %dma_start3A_1315 = tpu.memref_squeeze %dma_start3A_1314 : memref<1x32x1024xf32, #tpu.memory_space<hbm>> -> memref<32x1024xf32, #tpu.memory_space<hbm>>
    %dma_start3A_1316 = tpu.memref_slice %arg6[%dma_start3A_1308] : memref<3x!tpu.dma_semaphore, #tpu.memory_space<semaphore_mem>> -> memref<1x!tpu.dma_semaphore, #tpu.memory_space<semaphore_mem>>
    %dma_start3A_1317 = tpu.memref_squeeze %dma_start3A_1316 : memref<1x!tpu.dma_semaphore, #tpu.memory_space<semaphore_mem>> -> memref<!tpu.dma_semaphore, #tpu.memory_space<semaphore_mem>>
    %dma_start3A_1318 = arith.constant 0 : i32
    %dma_start3A_1319 = tpu.memref_slice %arg3[%dma_start3A_1307, %add3A_1305, %dma_start3A_1318] : memref<4x8192x1024xf32, #tpu.memory_space<hbm>> -> memref<1x32x1024xf32, #tpu.memory_space<hbm>>
    %dma_start3A_1320 = tpu.memref_squeeze %dma_start3A_1319 : memref<1x32x1024xf32, #tpu.memory_space<hbm>> -> memref<32x1024xf32, #tpu.memory_space<hbm>>
    %dma_start3A_1321 = arith.constant 0 : i32
    %dma_start3A_1322 = arith.constant 0 : i32
    %dma_start3A_1323 = tpu.memref_slice %arg4[%dma_start3A_1306, %dma_start3A_1321, %dma_start3A_1322] : memref<3x32x1024xf32, #tpu.memory_space<vmem>> -> memref<1x32x1024xf32, #tpu.memory_space<vmem>>
    %dma_start3A_1324 = tpu.memref_squeeze %dma_start3A_1323 : memref<1x32x1024xf32, #tpu.memory_space<vmem>> -> memref<32x1024xf32, #tpu.memory_space<vmem>>
    tpu.enqueue_dma source(%dma_start3A_1324 : memref<32x1024xf32, #tpu.memory_space<vmem>>) target(%dma_start3A_1320 : memref<32x1024xf32, #tpu.memory_space<hbm>>) target_semaphore(%dma_start3A_1317 : memref<!tpu.dma_semaphore, #tpu.memory_space<semaphore_mem>>)
    %dma_wait3A_1325 = arith.constant 2 : i32
    %dma_wait3A_1326 = arith.constant 0 : i32
    %dma_wait3A_1327 = arith.constant 2 : i32
    %dma_wait3A_1328 = arith.constant 0 : i32
    %dma_wait3A_1329 = arith.constant 0 : i32
    %dma_wait3A_1330 = tpu.memref_slice %arg4[%dma_wait3A_1325, %dma_wait3A_1328, %dma_wait3A_1329] : memref<3x32x1024xf32, #tpu.memory_space<vmem>> -> memref<1x32x1024xf32, #tpu.memory_space<vmem>>
    %dma_wait3A_1331 = tpu.memref_squeeze %dma_wait3A_1330 : memref<1x32x1024xf32, #tpu.memory_space<vmem>> -> memref<32x1024xf32, #tpu.memory_space<vmem>>
    %dma_wait3A_1332 = arith.constant 0 : i32
    %dma_wait3A_1333 = tpu.memref_slice %arg3[%dma_wait3A_1326, %add3A_854, %dma_wait3A_1332] : memref<4x8192x1024xf32, #tpu.memory_space<hbm>> -> memref<1x32x1024xf32, #tpu.memory_space<hbm>>
    %dma_wait3A_1334 = tpu.memref_squeeze %dma_wait3A_1333 : memref<1x32x1024xf32, #tpu.memory_space<hbm>> -> memref<32x1024xf32, #tpu.memory_space<hbm>>
    %dma_wait3A_1335 = tpu.memref_slice %arg6[%dma_wait3A_1327] : memref<3x!tpu.dma_semaphore, #tpu.memory_space<semaphore_mem>> -> memref<1x!tpu.dma_semaphore, #tpu.memory_space<semaphore_mem>>
    %dma_wait3A_1336 = tpu.memref_squeeze %dma_wait3A_1335 : memref<1x!tpu.dma_semaphore, #tpu.memory_space<semaphore_mem>> -> memref<!tpu.dma_semaphore, #tpu.memory_space<semaphore_mem>>
    %dma_wait3A_1337 = arith.constant 0 : i32
    %dma_wait3A_1338 = tpu.memref_slice %arg3[%dma_wait3A_1326, %add3A_854, %dma_wait3A_1337] : memref<4x8192x1024xf32, #tpu.memory_space<hbm>> -> memref<1x32x1024xf32, #tpu.memory_space<hbm>>
    %dma_wait3A_1339 = tpu.memref_squeeze %dma_wait3A_1338 : memref<1x32x1024xf32, #tpu.memory_space<hbm>> -> memref<32x1024xf32, #tpu.memory_space<hbm>>
    %dma_wait3A_1340 = arith.constant 0 : i32
    %dma_wait3A_1341 = arith.constant 0 : i32
    %dma_wait3A_1342 = tpu.memref_slice %arg4[%dma_wait3A_1325, %dma_wait3A_1340, %dma_wait3A_1341] : memref<3x32x1024xf32, #tpu.memory_space<vmem>> -> memref<1x32x1024xf32, #tpu.memory_space<vmem>>
    %dma_wait3A_1343 = tpu.memref_squeeze %dma_wait3A_1342 : memref<1x32x1024xf32, #tpu.memory_space<vmem>> -> memref<32x1024xf32, #tpu.memory_space<vmem>>
    tpu.wait_dma2 semaphore(%dma_wait3A_1336 : memref<!tpu.dma_semaphore, #tpu.memory_space<semaphore_mem>>) src(%dma_wait3A_1343 : memref<32x1024xf32, #tpu.memory_space<vmem>>) dst(%dma_wait3A_1339 : memref<32x1024xf32, #tpu.memory_space<hbm>>)
    %dma_wait3A_1344 = arith.constant 2 : i32
    %dma_wait3A_1345 = arith.constant 1 : i32
    %dma_wait3A_1346 = arith.constant 2 : i32
    %dma_wait3A_1347 = arith.constant 0 : i32
    %dma_wait3A_1348 = arith.constant 0 : i32
    %dma_wait3A_1349 = tpu.memref_slice %arg4[%dma_wait3A_1344, %dma_wait3A_1347, %dma_wait3A_1348] : memref<3x32x1024xf32, #tpu.memory_space<vmem>> -> memref<1x32x1024xf32, #tpu.memory_space<vmem>>
    %dma_wait3A_1350 = tpu.memref_squeeze %dma_wait3A_1349 : memref<1x32x1024xf32, #tpu.memory_space<vmem>> -> memref<32x1024xf32, #tpu.memory_space<vmem>>
    %dma_wait3A_1351 = arith.constant 0 : i32
    %dma_wait3A_1352 = tpu.memref_slice %arg3[%dma_wait3A_1345, %add3A_875, %dma_wait3A_1351] : memref<4x8192x1024xf32, #tpu.memory_space<hbm>> -> memref<1x32x1024xf32, #tpu.memory_space<hbm>>
    %dma_wait3A_1353 = tpu.memref_squeeze %dma_wait3A_1352 : memref<1x32x1024xf32, #tpu.memory_space<hbm>> -> memref<32x1024xf32, #tpu.memory_space<hbm>>
    %dma_wait3A_1354 = tpu.memref_slice %arg6[%dma_wait3A_1346] : memref<3x!tpu.dma_semaphore, #tpu.memory_space<semaphore_mem>> -> memref<1x!tpu.dma_semaphore, #tpu.memory_space<semaphore_mem>>
    %dma_wait3A_1355 = tpu.memref_squeeze %dma_wait3A_1354 : memref<1x!tpu.dma_semaphore, #tpu.memory_space<semaphore_mem>> -> memref<!tpu.dma_semaphore, #tpu.memory_space<semaphore_mem>>
    %dma_wait3A_1356 = arith.constant 0 : i32
    %dma_wait3A_1357 = tpu.memref_slice %arg3[%dma_wait3A_1345, %add3A_875, %dma_wait3A_1356] : memref<4x8192x1024xf32, #tpu.memory_space<hbm>> -> memref<1x32x1024xf32, #tpu.memory_space<hbm>>
    %dma_wait3A_1358 = tpu.memref_squeeze %dma_wait3A_1357 : memref<1x32x1024xf32, #tpu.memory_space<hbm>> -> memref<32x1024xf32, #tpu.memory_space<hbm>>
    %dma_wait3A_1359 = arith.constant 0 : i32
    %dma_wait3A_1360 = arith.constant 0 : i32
    %dma_wait3A_1361 = tpu.memref_slice %arg4[%dma_wait3A_1344, %dma_wait3A_1359, %dma_wait3A_1360] : memref<3x32x1024xf32, #tpu.memory_space<vmem>> -> memref<1x32x1024xf32, #tpu.memory_space<vmem>>
    %dma_wait3A_1362 = tpu.memref_squeeze %dma_wait3A_1361 : memref<1x32x1024xf32, #tpu.memory_space<vmem>> -> memref<32x1024xf32, #tpu.memory_space<vmem>>
    tpu.wait_dma2 semaphore(%dma_wait3A_1355 : memref<!tpu.dma_semaphore, #tpu.memory_space<semaphore_mem>>) src(%dma_wait3A_1362 : memref<32x1024xf32, #tpu.memory_space<vmem>>) dst(%dma_wait3A_1358 : memref<32x1024xf32, #tpu.memory_space<hbm>>)
    %dma_wait3A_1363 = arith.constant 2 : i32
    %dma_wait3A_1364 = arith.constant 2 : i32
    %dma_wait3A_1365 = arith.constant 2 : i32
    %dma_wait3A_1366 = arith.constant 0 : i32
    %dma_wait3A_1367 = arith.constant 0 : i32
    %dma_wait3A_1368 = tpu.memref_slice %arg4[%dma_wait3A_1363, %dma_wait3A_1366, %dma_wait3A_1367] : memref<3x32x1024xf32, #tpu.memory_space<vmem>> -> memref<1x32x1024xf32, #tpu.memory_space<vmem>>
    %dma_wait3A_1369 = tpu.memref_squeeze %dma_wait3A_1368 : memref<1x32x1024xf32, #tpu.memory_space<vmem>> -> memref<32x1024xf32, #tpu.memory_space<vmem>>
    %dma_wait3A_1370 = arith.constant 0 : i32
    %dma_wait3A_1371 = tpu.memref_slice %arg3[%dma_wait3A_1364, %add3A_896, %dma_wait3A_1370] : memref<4x8192x1024xf32, #tpu.memory_space<hbm>> -> memref<1x32x1024xf32, #tpu.memory_space<hbm>>
    %dma_wait3A_1372 = tpu.memref_squeeze %dma_wait3A_1371 : memref<1x32x1024xf32, #tpu.memory_space<hbm>> -> memref<32x1024xf32, #tpu.memory_space<hbm>>
    %dma_wait3A_1373 = tpu.memref_slice %arg6[%dma_wait3A_1365] : memref<3x!tpu.dma_semaphore, #tpu.memory_space<semaphore_mem>> -> memref<1x!tpu.dma_semaphore, #tpu.memory_space<semaphore_mem>>
    %dma_wait3A_1374 = tpu.memref_squeeze %dma_wait3A_1373 : memref<1x!tpu.dma_semaphore, #tpu.memory_space<semaphore_mem>> -> memref<!tpu.dma_semaphore, #tpu.memory_space<semaphore_mem>>
    %dma_wait3A_1375 = arith.constant 0 : i32
    %dma_wait3A_1376 = tpu.memref_slice %arg3[%dma_wait3A_1364, %add3A_896, %dma_wait3A_1375] : memref<4x8192x1024xf32, #tpu.memory_space<hbm>> -> memref<1x32x1024xf32, #tpu.memory_space<hbm>>
    %dma_wait3A_1377 = tpu.memref_squeeze %dma_wait3A_1376 : memref<1x32x1024xf32, #tpu.memory_space<hbm>> -> memref<32x1024xf32, #tpu.memory_space<hbm>>
    %dma_wait3A_1378 = arith.constant 0 : i32
    %dma_wait3A_1379 = arith.constant 0 : i32
    %dma_wait3A_1380 = tpu.memref_slice %arg4[%dma_wait3A_1363, %dma_wait3A_1378, %dma_wait3A_1379] : memref<3x32x1024xf32, #tpu.memory_space<vmem>> -> memref<1x32x1024xf32, #tpu.memory_space<vmem>>
    %dma_wait3A_1381 = tpu.memref_squeeze %dma_wait3A_1380 : memref<1x32x1024xf32, #tpu.memory_space<vmem>> -> memref<32x1024xf32, #tpu.memory_space<vmem>>
    tpu.wait_dma2 semaphore(%dma_wait3A_1374 : memref<!tpu.dma_semaphore, #tpu.memory_space<semaphore_mem>>) src(%dma_wait3A_1381 : memref<32x1024xf32, #tpu.memory_space<vmem>>) dst(%dma_wait3A_1377 : memref<32x1024xf32, #tpu.memory_space<hbm>>)
    %dma_wait3A_1382 = arith.constant 2 : i32
    %dma_wait3A_1383 = arith.constant 3 : i32
    %dma_wait3A_1384 = arith.constant 2 : i32
    %dma_wait3A_1385 = arith.constant 0 : i32
    %dma_wait3A_1386 = arith.constant 0 : i32
    %dma_wait3A_1387 = tpu.memref_slice %arg4[%dma_wait3A_1382, %dma_wait3A_1385, %dma_wait3A_1386] : memref<3x32x1024xf32, #tpu.memory_space<vmem>> -> memref<1x32x1024xf32, #tpu.memory_space<vmem>>
    %dma_wait3A_1388 = tpu.memref_squeeze %dma_wait3A_1387 : memref<1x32x1024xf32, #tpu.memory_space<vmem>> -> memref<32x1024xf32, #tpu.memory_space<vmem>>
    %dma_wait3A_1389 = arith.constant 0 : i32
    %dma_wait3A_1390 = tpu.memref_slice %arg3[%dma_wait3A_1383, %add3A_917, %dma_wait3A_1389] : memref<4x8192x1024xf32, #tpu.memory_space<hbm>> -> memref<1x32x1024xf32, #tpu.memory_space<hbm>>
    %dma_wait3A_1391 = tpu.memref_squeeze %dma_wait3A_1390 : memref<1x32x1024xf32, #tpu.memory_space<hbm>> -> memref<32x1024xf32, #tpu.memory_space<hbm>>
    %dma_wait3A_1392 = tpu.memref_slice %arg6[%dma_wait3A_1384] : memref<3x!tpu.dma_semaphore, #tpu.memory_space<semaphore_mem>> -> memref<1x!tpu.dma_semaphore, #tpu.memory_space<semaphore_mem>>
    %dma_wait3A_1393 = tpu.memref_squeeze %dma_wait3A_1392 : memref<1x!tpu.dma_semaphore, #tpu.memory_space<semaphore_mem>> -> memref<!tpu.dma_semaphore, #tpu.memory_space<semaphore_mem>>
    %dma_wait3A_1394 = arith.constant 0 : i32
    %dma_wait3A_1395 = tpu.memref_slice %arg3[%dma_wait3A_1383, %add3A_917, %dma_wait3A_1394] : memref<4x8192x1024xf32, #tpu.memory_space<hbm>> -> memref<1x32x1024xf32, #tpu.memory_space<hbm>>
    %dma_wait3A_1396 = tpu.memref_squeeze %dma_wait3A_1395 : memref<1x32x1024xf32, #tpu.memory_space<hbm>> -> memref<32x1024xf32, #tpu.memory_space<hbm>>
    %dma_wait3A_1397 = arith.constant 0 : i32
    %dma_wait3A_1398 = arith.constant 0 : i32
    %dma_wait3A_1399 = tpu.memref_slice %arg4[%dma_wait3A_1382, %dma_wait3A_1397, %dma_wait3A_1398] : memref<3x32x1024xf32, #tpu.memory_space<vmem>> -> memref<1x32x1024xf32, #tpu.memory_space<vmem>>
    %dma_wait3A_1400 = tpu.memref_squeeze %dma_wait3A_1399 : memref<1x32x1024xf32, #tpu.memory_space<vmem>> -> memref<32x1024xf32, #tpu.memory_space<vmem>>
    tpu.wait_dma2 semaphore(%dma_wait3A_1393 : memref<!tpu.dma_semaphore, #tpu.memory_space<semaphore_mem>>) src(%dma_wait3A_1400 : memref<32x1024xf32, #tpu.memory_space<vmem>>) dst(%dma_wait3A_1396 : memref<32x1024xf32, #tpu.memory_space<hbm>>)
    %dma_wait3A_1401 = arith.constant 0 : i32
    %dma_wait3A_1402 = arith.constant 0 : i32
    %dma_wait3A_1403 = arith.constant 0 : i32
    %dma_wait3A_1404 = arith.constant 0 : i32
    %dma_wait3A_1405 = arith.constant 0 : i32
    %dma_wait3A_1406 = tpu.memref_slice %arg4[%dma_wait3A_1401, %dma_wait3A_1404, %dma_wait3A_1405] : memref<3x32x1024xf32, #tpu.memory_space<vmem>> -> memref<1x32x1024xf32, #tpu.memory_space<vmem>>
    %dma_wait3A_1407 = tpu.memref_squeeze %dma_wait3A_1406 : memref<1x32x1024xf32, #tpu.memory_space<vmem>> -> memref<32x1024xf32, #tpu.memory_space<vmem>>
    %dma_wait3A_1408 = arith.constant 0 : i32
    %dma_wait3A_1409 = tpu.memref_slice %arg3[%dma_wait3A_1402, %add3A_1048, %dma_wait3A_1408] : memref<4x8192x1024xf32, #tpu.memory_space<hbm>> -> memref<1x32x1024xf32, #tpu.memory_space<hbm>>
    %dma_wait3A_1410 = tpu.memref_squeeze %dma_wait3A_1409 : memref<1x32x1024xf32, #tpu.memory_space<hbm>> -> memref<32x1024xf32, #tpu.memory_space<hbm>>
    %dma_wait3A_1411 = tpu.memref_slice %arg6[%dma_wait3A_1403] : memref<3x!tpu.dma_semaphore, #tpu.memory_space<semaphore_mem>> -> memref<1x!tpu.dma_semaphore, #tpu.memory_space<semaphore_mem>>
    %dma_wait3A_1412 = tpu.memref_squeeze %dma_wait3A_1411 : memref<1x!tpu.dma_semaphore, #tpu.memory_space<semaphore_mem>> -> memref<!tpu.dma_semaphore, #tpu.memory_space<semaphore_mem>>
    %dma_wait3A_1413 = arith.constant 0 : i32
    %dma_wait3A_1414 = tpu.memref_slice %arg3[%dma_wait3A_1402, %add3A_1048, %dma_wait3A_1413] : memref<4x8192x1024xf32, #tpu.memory_space<hbm>> -> memref<1x32x1024xf32, #tpu.memory_space<hbm>>
    %dma_wait3A_1415 = tpu.memref_squeeze %dma_wait3A_1414 : memref<1x32x1024xf32, #tpu.memory_space<hbm>> -> memref<32x1024xf32, #tpu.memory_space<hbm>>
    %dma_wait3A_1416 = arith.constant 0 : i32
    %dma_wait3A_1417 = arith.constant 0 : i32
    %dma_wait3A_1418 = tpu.memref_slice %arg4[%dma_wait3A_1401, %dma_wait3A_1416, %dma_wait3A_1417] : memref<3x32x1024xf32, #tpu.memory_space<vmem>> -> memref<1x32x1024xf32, #tpu.memory_space<vmem>>
    %dma_wait3A_1419 = tpu.memref_squeeze %dma_wait3A_1418 : memref<1x32x1024xf32, #tpu.memory_space<vmem>> -> memref<32x1024xf32, #tpu.memory_space<vmem>>
    tpu.wait_dma2 semaphore(%dma_wait3A_1412 : memref<!tpu.dma_semaphore, #tpu.memory_space<semaphore_mem>>) src(%dma_wait3A_1419 : memref<32x1024xf32, #tpu.memory_space<vmem>>) dst(%dma_wait3A_1415 : memref<32x1024xf32, #tpu.memory_space<hbm>>)
    %dma_wait3A_1420 = arith.constant 0 : i32
    %dma_wait3A_1421 = arith.constant 1 : i32
    %dma_wait3A_1422 = arith.constant 0 : i32
    %dma_wait3A_1423 = arith.constant 0 : i32
    %dma_wait3A_1424 = arith.constant 0 : i32
    %dma_wait3A_1425 = tpu.memref_slice %arg4[%dma_wait3A_1420, %dma_wait3A_1423, %dma_wait3A_1424] : memref<3x32x1024xf32, #tpu.memory_space<vmem>> -> memref<1x32x1024xf32, #tpu.memory_space<vmem>>
    %dma_wait3A_1426 = tpu.memref_squeeze %dma_wait3A_1425 : memref<1x32x1024xf32, #tpu.memory_space<vmem>> -> memref<32x1024xf32, #tpu.memory_space<vmem>>
    %dma_wait3A_1427 = arith.constant 0 : i32
    %dma_wait3A_1428 = tpu.memref_slice %arg3[%dma_wait3A_1421, %add3A_1069, %dma_wait3A_1427] : memref<4x8192x1024xf32, #tpu.memory_space<hbm>> -> memref<1x32x1024xf32, #tpu.memory_space<hbm>>
    %dma_wait3A_1429 = tpu.memref_squeeze %dma_wait3A_1428 : memref<1x32x1024xf32, #tpu.memory_space<hbm>> -> memref<32x1024xf32, #tpu.memory_space<hbm>>
    %dma_wait3A_1430 = tpu.memref_slice %arg6[%dma_wait3A_1422] : memref<3x!tpu.dma_semaphore, #tpu.memory_space<semaphore_mem>> -> memref<1x!tpu.dma_semaphore, #tpu.memory_space<semaphore_mem>>
    %dma_wait3A_1431 = tpu.memref_squeeze %dma_wait3A_1430 : memref<1x!tpu.dma_semaphore, #tpu.memory_space<semaphore_mem>> -> memref<!tpu.dma_semaphore, #tpu.memory_space<semaphore_mem>>
    %dma_wait3A_1432 = arith.constant 0 : i32
    %dma_wait3A_1433 = tpu.memref_slice %arg3[%dma_wait3A_1421, %add3A_1069, %dma_wait3A_1432] : memref<4x8192x1024xf32, #tpu.memory_space<hbm>> -> memref<1x32x1024xf32, #tpu.memory_space<hbm>>
    %dma_wait3A_1434 = tpu.memref_squeeze %dma_wait3A_1433 : memref<1x32x1024xf32, #tpu.memory_space<hbm>> -> memref<32x1024xf32, #tpu.memory_space<hbm>>
    %dma_wait3A_1435 = arith.constant 0 : i32
    %dma_wait3A_1436 = arith.constant 0 : i32
    %dma_wait3A_1437 = tpu.memref_slice %arg4[%dma_wait3A_1420, %dma_wait3A_1435, %dma_wait3A_1436] : memref<3x32x1024xf32, #tpu.memory_space<vmem>> -> memref<1x32x1024xf32, #tpu.memory_space<vmem>>
    %dma_wait3A_1438 = tpu.memref_squeeze %dma_wait3A_1437 : memref<1x32x1024xf32, #tpu.memory_space<vmem>> -> memref<32x1024xf32, #tpu.memory_space<vmem>>
    tpu.wait_dma2 semaphore(%dma_wait3A_1431 : memref<!tpu.dma_semaphore, #tpu.memory_space<semaphore_mem>>) src(%dma_wait3A_1438 : memref<32x1024xf32, #tpu.memory_space<vmem>>) dst(%dma_wait3A_1434 : memref<32x1024xf32, #tpu.memory_space<hbm>>)
    %dma_wait3A_1439 = arith.constant 0 : i32
    %dma_wait3A_1440 = arith.constant 2 : i32
    %dma_wait3A_1441 = arith.constant 0 : i32
    %dma_wait3A_1442 = arith.constant 0 : i32
    %dma_wait3A_1443 = arith.constant 0 : i32
    %dma_wait3A_1444 = tpu.memref_slice %arg4[%dma_wait3A_1439, %dma_wait3A_1442, %dma_wait3A_1443] : memref<3x32x1024xf32, #tpu.memory_space<vmem>> -> memref<1x32x1024xf32, #tpu.memory_space<vmem>>
    %dma_wait3A_1445 = tpu.memref_squeeze %dma_wait3A_1444 : memref<1x32x1024xf32, #tpu.memory_space<vmem>> -> memref<32x1024xf32, #tpu.memory_space<vmem>>
    %dma_wait3A_1446 = arith.constant 0 : i32
    %dma_wait3A_1447 = tpu.memref_slice %arg3[%dma_wait3A_1440, %add3A_1090, %dma_wait3A_1446] : memref<4x8192x1024xf32, #tpu.memory_space<hbm>> -> memref<1x32x1024xf32, #tpu.memory_space<hbm>>
    %dma_wait3A_1448 = tpu.memref_squeeze %dma_wait3A_1447 : memref<1x32x1024xf32, #tpu.memory_space<hbm>> -> memref<32x1024xf32, #tpu.memory_space<hbm>>
    %dma_wait3A_1449 = tpu.memref_slice %arg6[%dma_wait3A_1441] : memref<3x!tpu.dma_semaphore, #tpu.memory_space<semaphore_mem>> -> memref<1x!tpu.dma_semaphore, #tpu.memory_space<semaphore_mem>>
    %dma_wait3A_1450 = tpu.memref_squeeze %dma_wait3A_1449 : memref<1x!tpu.dma_semaphore, #tpu.memory_space<semaphore_mem>> -> memref<!tpu.dma_semaphore, #tpu.memory_space<semaphore_mem>>
    %dma_wait3A_1451 = arith.constant 0 : i32
    %dma_wait3A_1452 = tpu.memref_slice %arg3[%dma_wait3A_1440, %add3A_1090, %dma_wait3A_1451] : memref<4x8192x1024xf32, #tpu.memory_space<hbm>> -> memref<1x32x1024xf32, #tpu.memory_space<hbm>>
    %dma_wait3A_1453 = tpu.memref_squeeze %dma_wait3A_1452 : memref<1x32x1024xf32, #tpu.memory_space<hbm>> -> memref<32x1024xf32, #tpu.memory_space<hbm>>
    %dma_wait3A_1454 = arith.constant 0 : i32
    %dma_wait3A_1455 = arith.constant 0 : i32
    %dma_wait3A_1456 = tpu.memref_slice %arg4[%dma_wait3A_1439, %dma_wait3A_1454, %dma_wait3A_1455] : memref<3x32x1024xf32, #tpu.memory_space<vmem>> -> memref<1x32x1024xf32, #tpu.memory_space<vmem>>
    %dma_wait3A_1457 = tpu.memref_squeeze %dma_wait3A_1456 : memref<1x32x1024xf32, #tpu.memory_space<vmem>> -> memref<32x1024xf32, #tpu.memory_space<vmem>>
    tpu.wait_dma2 semaphore(%dma_wait3A_1450 : memref<!tpu.dma_semaphore, #tpu.memory_space<semaphore_mem>>) src(%dma_wait3A_1457 : memref<32x1024xf32, #tpu.memory_space<vmem>>) dst(%dma_wait3A_1453 : memref<32x1024xf32, #tpu.memory_space<hbm>>)
    %dma_wait3A_1458 = arith.constant 0 : i32
    %dma_wait3A_1459 = arith.constant 3 : i32
    %dma_wait3A_1460 = arith.constant 0 : i32
    %dma_wait3A_1461 = arith.constant 0 : i32
    %dma_wait3A_1462 = arith.constant 0 : i32
    %dma_wait3A_1463 = tpu.memref_slice %arg4[%dma_wait3A_1458, %dma_wait3A_1461, %dma_wait3A_1462] : memref<3x32x1024xf32, #tpu.memory_space<vmem>> -> memref<1x32x1024xf32, #tpu.memory_space<vmem>>
    %dma_wait3A_1464 = tpu.memref_squeeze %dma_wait3A_1463 : memref<1x32x1024xf32, #tpu.memory_space<vmem>> -> memref<32x1024xf32, #tpu.memory_space<vmem>>
    %dma_wait3A_1465 = arith.constant 0 : i32
    %dma_wait3A_1466 = tpu.memref_slice %arg3[%dma_wait3A_1459, %add3A_1111, %dma_wait3A_1465] : memref<4x8192x1024xf32, #tpu.memory_space<hbm>> -> memref<1x32x1024xf32, #tpu.memory_space<hbm>>
    %dma_wait3A_1467 = tpu.memref_squeeze %dma_wait3A_1466 : memref<1x32x1024xf32, #tpu.memory_space<hbm>> -> memref<32x1024xf32, #tpu.memory_space<hbm>>
    %dma_wait3A_1468 = tpu.memref_slice %arg6[%dma_wait3A_1460] : memref<3x!tpu.dma_semaphore, #tpu.memory_space<semaphore_mem>> -> memref<1x!tpu.dma_semaphore, #tpu.memory_space<semaphore_mem>>
    %dma_wait3A_1469 = tpu.memref_squeeze %dma_wait3A_1468 : memref<1x!tpu.dma_semaphore, #tpu.memory_space<semaphore_mem>> -> memref<!tpu.dma_semaphore, #tpu.memory_space<semaphore_mem>>
    %dma_wait3A_1470 = arith.constant 0 : i32
    %dma_wait3A_1471 = tpu.memref_slice %arg3[%dma_wait3A_1459, %add3A_1111, %dma_wait3A_1470] : memref<4x8192x1024xf32, #tpu.memory_space<hbm>> -> memref<1x32x1024xf32, #tpu.memory_space<hbm>>
    %dma_wait3A_1472 = tpu.memref_squeeze %dma_wait3A_1471 : memref<1x32x1024xf32, #tpu.memory_space<hbm>> -> memref<32x1024xf32, #tpu.memory_space<hbm>>
    %dma_wait3A_1473 = arith.constant 0 : i32
    %dma_wait3A_1474 = arith.constant 0 : i32
    %dma_wait3A_1475 = tpu.memref_slice %arg4[%dma_wait3A_1458, %dma_wait3A_1473, %dma_wait3A_1474] : memref<3x32x1024xf32, #tpu.memory_space<vmem>> -> memref<1x32x1024xf32, #tpu.memory_space<vmem>>
    %dma_wait3A_1476 = tpu.memref_squeeze %dma_wait3A_1475 : memref<1x32x1024xf32, #tpu.memory_space<vmem>> -> memref<32x1024xf32, #tpu.memory_space<vmem>>
    tpu.wait_dma2 semaphore(%dma_wait3A_1469 : memref<!tpu.dma_semaphore, #tpu.memory_space<semaphore_mem>>) src(%dma_wait3A_1476 : memref<32x1024xf32, #tpu.memory_space<vmem>>) dst(%dma_wait3A_1472 : memref<32x1024xf32, #tpu.memory_space<hbm>>)
    %dma_wait3A_1477 = arith.constant 1 : i32
    %dma_wait3A_1478 = arith.constant 0 : i32
    %dma_wait3A_1479 = arith.constant 1 : i32
    %dma_wait3A_1480 = arith.constant 0 : i32
    %dma_wait3A_1481 = arith.constant 0 : i32
    %dma_wait3A_1482 = tpu.memref_slice %arg4[%dma_wait3A_1477, %dma_wait3A_1480, %dma_wait3A_1481] : memref<3x32x1024xf32, #tpu.memory_space<vmem>> -> memref<1x32x1024xf32, #tpu.memory_space<vmem>>
    %dma_wait3A_1483 = tpu.memref_squeeze %dma_wait3A_1482 : memref<1x32x1024xf32, #tpu.memory_space<vmem>> -> memref<32x1024xf32, #tpu.memory_space<vmem>>
    %dma_wait3A_1484 = arith.constant 0 : i32
    %dma_wait3A_1485 = tpu.memref_slice %arg3[%dma_wait3A_1478, %add3A_1242, %dma_wait3A_1484] : memref<4x8192x1024xf32, #tpu.memory_space<hbm>> -> memref<1x32x1024xf32, #tpu.memory_space<hbm>>
    %dma_wait3A_1486 = tpu.memref_squeeze %dma_wait3A_1485 : memref<1x32x1024xf32, #tpu.memory_space<hbm>> -> memref<32x1024xf32, #tpu.memory_space<hbm>>
    %dma_wait3A_1487 = tpu.memref_slice %arg6[%dma_wait3A_1479] : memref<3x!tpu.dma_semaphore, #tpu.memory_space<semaphore_mem>> -> memref<1x!tpu.dma_semaphore, #tpu.memory_space<semaphore_mem>>
    %dma_wait3A_1488 = tpu.memref_squeeze %dma_wait3A_1487 : memref<1x!tpu.dma_semaphore, #tpu.memory_space<semaphore_mem>> -> memref<!tpu.dma_semaphore, #tpu.memory_space<semaphore_mem>>
    %dma_wait3A_1489 = arith.constant 0 : i32
    %dma_wait3A_1490 = tpu.memref_slice %arg3[%dma_wait3A_1478, %add3A_1242, %dma_wait3A_1489] : memref<4x8192x1024xf32, #tpu.memory_space<hbm>> -> memref<1x32x1024xf32, #tpu.memory_space<hbm>>
    %dma_wait3A_1491 = tpu.memref_squeeze %dma_wait3A_1490 : memref<1x32x1024xf32, #tpu.memory_space<hbm>> -> memref<32x1024xf32, #tpu.memory_space<hbm>>
    %dma_wait3A_1492 = arith.constant 0 : i32
    %dma_wait3A_1493 = arith.constant 0 : i32
    %dma_wait3A_1494 = tpu.memref_slice %arg4[%dma_wait3A_1477, %dma_wait3A_1492, %dma_wait3A_1493] : memref<3x32x1024xf32, #tpu.memory_space<vmem>> -> memref<1x32x1024xf32, #tpu.memory_space<vmem>>
    %dma_wait3A_1495 = tpu.memref_squeeze %dma_wait3A_1494 : memref<1x32x1024xf32, #tpu.memory_space<vmem>> -> memref<32x1024xf32, #tpu.memory_space<vmem>>
    tpu.wait_dma2 semaphore(%dma_wait3A_1488 : memref<!tpu.dma_semaphore, #tpu.memory_space<semaphore_mem>>) src(%dma_wait3A_1495 : memref<32x1024xf32, #tpu.memory_space<vmem>>) dst(%dma_wait3A_1491 : memref<32x1024xf32, #tpu.memory_space<hbm>>)
    %dma_wait3A_1496 = arith.constant 1 : i32
    %dma_wait3A_1497 = arith.constant 1 : i32
    %dma_wait3A_1498 = arith.constant 1 : i32
    %dma_wait3A_1499 = arith.constant 0 : i32
    %dma_wait3A_1500 = arith.constant 0 : i32
    %dma_wait3A_1501 = tpu.memref_slice %arg4[%dma_wait3A_1496, %dma_wait3A_1499, %dma_wait3A_1500] : memref<3x32x1024xf32, #tpu.memory_space<vmem>> -> memref<1x32x1024xf32, #tpu.memory_space<vmem>>
    %dma_wait3A_1502 = tpu.memref_squeeze %dma_wait3A_1501 : memref<1x32x1024xf32, #tpu.memory_space<vmem>> -> memref<32x1024xf32, #tpu.memory_space<vmem>>
    %dma_wait3A_1503 = arith.constant 0 : i32
    %dma_wait3A_1504 = tpu.memref_slice %arg3[%dma_wait3A_1497, %add3A_1263, %dma_wait3A_1503] : memref<4x8192x1024xf32, #tpu.memory_space<hbm>> -> memref<1x32x1024xf32, #tpu.memory_space<hbm>>
    %dma_wait3A_1505 = tpu.memref_squeeze %dma_wait3A_1504 : memref<1x32x1024xf32, #tpu.memory_space<hbm>> -> memref<32x1024xf32, #tpu.memory_space<hbm>>
    %dma_wait3A_1506 = tpu.memref_slice %arg6[%dma_wait3A_1498] : memref<3x!tpu.dma_semaphore, #tpu.memory_space<semaphore_mem>> -> memref<1x!tpu.dma_semaphore, #tpu.memory_space<semaphore_mem>>
    %dma_wait3A_1507 = tpu.memref_squeeze %dma_wait3A_1506 : memref<1x!tpu.dma_semaphore, #tpu.memory_space<semaphore_mem>> -> memref<!tpu.dma_semaphore, #tpu.memory_space<semaphore_mem>>
    %dma_wait3A_1508 = arith.constant 0 : i32
    %dma_wait3A_1509 = tpu.memref_slice %arg3[%dma_wait3A_1497, %add3A_1263, %dma_wait3A_1508] : memref<4x8192x1024xf32, #tpu.memory_space<hbm>> -> memref<1x32x1024xf32, #tpu.memory_space<hbm>>
    %dma_wait3A_1510 = tpu.memref_squeeze %dma_wait3A_1509 : memref<1x32x1024xf32, #tpu.memory_space<hbm>> -> memref<32x1024xf32, #tpu.memory_space<hbm>>
    %dma_wait3A_1511 = arith.constant 0 : i32
    %dma_wait3A_1512 = arith.constant 0 : i32
    %dma_wait3A_1513 = tpu.memref_slice %arg4[%dma_wait3A_1496, %dma_wait3A_1511, %dma_wait3A_1512] : memref<3x32x1024xf32, #tpu.memory_space<vmem>> -> memref<1x32x1024xf32, #tpu.memory_space<vmem>>
    %dma_wait3A_1514 = tpu.memref_squeeze %dma_wait3A_1513 : memref<1x32x1024xf32, #tpu.memory_space<vmem>> -> memref<32x1024xf32, #tpu.memory_space<vmem>>
    tpu.wait_dma2 semaphore(%dma_wait3A_1507 : memref<!tpu.dma_semaphore, #tpu.memory_space<semaphore_mem>>) src(%dma_wait3A_1514 : memref<32x1024xf32, #tpu.memory_space<vmem>>) dst(%dma_wait3A_1510 : memref<32x1024xf32, #tpu.memory_space<hbm>>)
    %dma_wait3A_1515 = arith.constant 1 : i32
    %dma_wait3A_1516 = arith.constant 2 : i32
    %dma_wait3A_1517 = arith.constant 1 : i32
    %dma_wait3A_1518 = arith.constant 0 : i32
    %dma_wait3A_1519 = arith.constant 0 : i32
    %dma_wait3A_1520 = tpu.memref_slice %arg4[%dma_wait3A_1515, %dma_wait3A_1518, %dma_wait3A_1519] : memref<3x32x1024xf32, #tpu.memory_space<vmem>> -> memref<1x32x1024xf32, #tpu.memory_space<vmem>>
    %dma_wait3A_1521 = tpu.memref_squeeze %dma_wait3A_1520 : memref<1x32x1024xf32, #tpu.memory_space<vmem>> -> memref<32x1024xf32, #tpu.memory_space<vmem>>
    %dma_wait3A_1522 = arith.constant 0 : i32
    %dma_wait3A_1523 = tpu.memref_slice %arg3[%dma_wait3A_1516, %add3A_1284, %dma_wait3A_1522] : memref<4x8192x1024xf32, #tpu.memory_space<hbm>> -> memref<1x32x1024xf32, #tpu.memory_space<hbm>>
    %dma_wait3A_1524 = tpu.memref_squeeze %dma_wait3A_1523 : memref<1x32x1024xf32, #tpu.memory_space<hbm>> -> memref<32x1024xf32, #tpu.memory_space<hbm>>
    %dma_wait3A_1525 = tpu.memref_slice %arg6[%dma_wait3A_1517] : memref<3x!tpu.dma_semaphore, #tpu.memory_space<semaphore_mem>> -> memref<1x!tpu.dma_semaphore, #tpu.memory_space<semaphore_mem>>
    %dma_wait3A_1526 = tpu.memref_squeeze %dma_wait3A_1525 : memref<1x!tpu.dma_semaphore, #tpu.memory_space<semaphore_mem>> -> memref<!tpu.dma_semaphore, #tpu.memory_space<semaphore_mem>>
    %dma_wait3A_1527 = arith.constant 0 : i32
    %dma_wait3A_1528 = tpu.memref_slice %arg3[%dma_wait3A_1516, %add3A_1284, %dma_wait3A_1527] : memref<4x8192x1024xf32, #tpu.memory_space<hbm>> -> memref<1x32x1024xf32, #tpu.memory_space<hbm>>
    %dma_wait3A_1529 = tpu.memref_squeeze %dma_wait3A_1528 : memref<1x32x1024xf32, #tpu.memory_space<hbm>> -> memref<32x1024xf32, #tpu.memory_space<hbm>>
    %dma_wait3A_1530 = arith.constant 0 : i32
    %dma_wait3A_1531 = arith.constant 0 : i32
    %dma_wait3A_1532 = tpu.memref_slice %arg4[%dma_wait3A_1515, %dma_wait3A_1530, %dma_wait3A_1531] : memref<3x32x1024xf32, #tpu.memory_space<vmem>> -> memref<1x32x1024xf32, #tpu.memory_space<vmem>>
    %dma_wait3A_1533 = tpu.memref_squeeze %dma_wait3A_1532 : memref<1x32x1024xf32, #tpu.memory_space<vmem>> -> memref<32x1024xf32, #tpu.memory_space<vmem>>
    tpu.wait_dma2 semaphore(%dma_wait3A_1526 : memref<!tpu.dma_semaphore, #tpu.memory_space<semaphore_mem>>) src(%dma_wait3A_1533 : memref<32x1024xf32, #tpu.memory_space<vmem>>) dst(%dma_wait3A_1529 : memref<32x1024xf32, #tpu.memory_space<hbm>>)
    %dma_wait3A_1534 = arith.constant 1 : i32
    %dma_wait3A_1535 = arith.constant 3 : i32
    %dma_wait3A_1536 = arith.constant 1 : i32
    %dma_wait3A_1537 = arith.constant 0 : i32
    %dma_wait3A_1538 = arith.constant 0 : i32
    %dma_wait3A_1539 = tpu.memref_slice %arg4[%dma_wait3A_1534, %dma_wait3A_1537, %dma_wait3A_1538] : memref<3x32x1024xf32, #tpu.memory_space<vmem>> -> memref<1x32x1024xf32, #tpu.memory_space<vmem>>
    %dma_wait3A_1540 = tpu.memref_squeeze %dma_wait3A_1539 : memref<1x32x1024xf32, #tpu.memory_space<vmem>> -> memref<32x1024xf32, #tpu.memory_space<vmem>>
    %dma_wait3A_1541 = arith.constant 0 : i32
    %dma_wait3A_1542 = tpu.memref_slice %arg3[%dma_wait3A_1535, %add3A_1305, %dma_wait3A_1541] : memref<4x8192x1024xf32, #tpu.memory_space<hbm>> -> memref<1x32x1024xf32, #tpu.memory_space<hbm>>
    %dma_wait3A_1543 = tpu.memref_squeeze %dma_wait3A_1542 : memref<1x32x1024xf32, #tpu.memory_space<hbm>> -> memref<32x1024xf32, #tpu.memory_space<hbm>>
    %dma_wait3A_1544 = tpu.memref_slice %arg6[%dma_wait3A_1536] : memref<3x!tpu.dma_semaphore, #tpu.memory_space<semaphore_mem>> -> memref<1x!tpu.dma_semaphore, #tpu.memory_space<semaphore_mem>>
    %dma_wait3A_1545 = tpu.memref_squeeze %dma_wait3A_1544 : memref<1x!tpu.dma_semaphore, #tpu.memory_space<semaphore_mem>> -> memref<!tpu.dma_semaphore, #tpu.memory_space<semaphore_mem>>
    %dma_wait3A_1546 = arith.constant 0 : i32
    %dma_wait3A_1547 = tpu.memref_slice %arg3[%dma_wait3A_1535, %add3A_1305, %dma_wait3A_1546] : memref<4x8192x1024xf32, #tpu.memory_space<hbm>> -> memref<1x32x1024xf32, #tpu.memory_space<hbm>>
    %dma_wait3A_1548 = tpu.memref_squeeze %dma_wait3A_1547 : memref<1x32x1024xf32, #tpu.memory_space<hbm>> -> memref<32x1024xf32, #tpu.memory_space<hbm>>
    %dma_wait3A_1549 = arith.constant 0 : i32
    %dma_wait3A_1550 = arith.constant 0 : i32
    %dma_wait3A_1551 = tpu.memref_slice %arg4[%dma_wait3A_1534, %dma_wait3A_1549, %dma_wait3A_1550] : memref<3x32x1024xf32, #tpu.memory_space<vmem>> -> memref<1x32x1024xf32, #tpu.memory_space<vmem>>
    %dma_wait3A_1552 = tpu.memref_squeeze %dma_wait3A_1551 : memref<1x32x1024xf32, #tpu.memory_space<vmem>> -> memref<32x1024xf32, #tpu.memory_space<vmem>>
    tpu.wait_dma2 semaphore(%dma_wait3A_1545 : memref<!tpu.dma_semaphore, #tpu.memory_space<semaphore_mem>>) src(%dma_wait3A_1552 : memref<32x1024xf32, #tpu.memory_space<vmem>>) dst(%dma_wait3A_1548 : memref<32x1024xf32, #tpu.memory_space<hbm>>)
    return
  }
}

</mosaic_0001>

<sc_bundles>
// kernel: kernel.3.cloned.1.call-start
scs
__scs_entry_jumppad:
0x0: {  	(pc) =	sbr.rel $0x88, $3  }
0x1: {  	(tag) =	ssettag $0x0;
	lr =	simm.s32 $0x1  }
0x2: {  	[smem:$0x3FA0] =	sst lr;
	_ =	strace $0xD0000000  }
0x3: {  	_ = 	snop  }
0x4: {  	_ = 	snop  }
0x5: {  	_ = 	snop  }
0x6: {  	_ = 	snop  }
0x7: {  	_ = 	snop  }
__scs_overlays_trampoline_lowered:
0x8: {  	[smem:$0x3FAF] =	sst s0  }
0x9: {  	[smem:$0x3FB0] =	sst s1  }
0xa: {  	[smem:$0x3FB1] =	sst s2  }
0xb: {  	[smem:$0x3FB2] =	sst s3  }
0xc: {  	[smem:$0x3FB3] =	sst s4  }
0xd: {  	[smem:$0x3FB4] =	sst s5  }
0xe: {  	[smem:$0x3FB5] =	sst s6  }
0xf: {  	[smem:$0x3FB6] =	sst s7  }
0x10: {  	[smem:$0x3FB7] =	sst s8  }
0x11: {  	[smem:$0x3FB8] =	sst s9;
	s0 =	simm.s32 @!p0 $0x0  }
0x12: {  	s1 =	sld [smem:$0x3F9E];
	s0 =	simm.s32 @p0 $0x1  }
0x13: {  	[smem:$0x3FB9] =	sst s0;
	s0 =	simm.s32 @!p1 $0x0  }
0x14: {  	s2 =	sld [smem:$0x3F9D];
	s0 =	simm.s32 @p1 $0x1  }
0x15: {  	[smem:$0x3FBA] =	sst s0;
	s0 =	simm.s32 @!p2 $0x0  }
0x16: {  	s3 =	sld [smem:$0x3FDB];
	s0 =	simm.s32 @p2 $0x1  }
0x17: {  	s4 =	simm.s32 $0x1BF5;
	[smem:$0x3FBC] =	sst s0  }
0x18: {  	s0 =	sld [smem:$0x3F9F];
	_ =	swait.ge [sflag:s4], $0x0  }
0x19: {  	s7 =	sld [smem:$0x3FA0]  }
0x1a: {  	s8 =	sadd.s32 $0xFFFFE003, lr  }
0x1b: {  	s9 =	sadd.s32 $0xFFFFFEF7, lr;
	s5 =	simm.s32 $0xFFFFFFFF;
	p2 =	slt.u32 s8, $0xFFFFF086  }
0x1c: {  	p1 =	slt.u32 s9, $0xF7A;
	s5 =	simm.s32 @!p2 $0x0  }
0x1d: {  	s5 =	simm.s32 @p1 $0x1;
	p0 =	seq.s32 s7, s2  }
0x1e: {  	s7 =	smul.u32 @!p0 $0xF7A, s2;
	p2 =	seq.s32 @!p0 s5, $0x0  }
0x1f: {  	s9 =	smul.u32 $0xF7A, s1;
	s8 =	simm.s32 @!p0 $0x1BF5;
	p2 =	por !p2, p0  }
0x20: {  	[sflag:s8] =	ssyncset.s32 @!p0 $0xFFFFF086;
	s6 =	sadd.s32 @!p0 s3, s7;
	s7 =	simm.s32 @!p0 $0x108  }
0x21: {  	s3 =	sadd.s32 s3, s9;
	s6 =	sadd.s32 @!p0 $0x88, s6;
	s7 =	simm.s32 @p2 $0x1082  }
0x22: {  	[simem:s7], [sflag:s8] =	dma.local @!p0 [hbm:s6], $0xF7A  }
0x23: {  	s9 =	sor.u32 $0xD0000000, s2;
	s6 =	simm.s32 $0x108;
	_ =	swait.ge @!p0 [sflag:s8], $0x0  }
0x24: {  	s3 =	sadd.s32 $0x88, s3;
	s6 =	simm.s32 @!p1 $0x1082;
	[sflag:s4] =	ssyncset.s32 $0xFFFFF086  }
0x25: {  	[simem:s6], [sflag:s4] =	dma.local [hbm:s3], $0xF7A  }
0x26: {  	[smem:$0x3FA0] =	sst s1;
	(tag) =	ssettag s2;
	_ =	strace s9  }
0x27: {  	s1 =	sld [smem:$0x3FB0]  }
0x28: {  	s2 =	sld [smem:$0x3FB1]  }
0x29: {  	s4 =	sld [smem:$0x3FB3]  }
0x2a: {  	p0 =	seq.s32 s5, $0x0;
	s5 =	sld [smem:$0x3FB4]  }
0x2b: {  	s6 =	sld [smem:$0x3FB5]  }
0x2c: {  	s7 =	sld [smem:$0x3FB6]  }
0x2d: {  	s3 =	simm.s32 $0x108;
	s8 =	sld [smem:$0x3FB7]  }
0x2e: {  	s3 =	simm.s32 @!p0 $0x1082;
	s9 =	sld [smem:$0x3FB8]  }
0x2f: {  	lr =	sadd.s32 s0, s3;
	s0 =	sld [smem:$0x3FAF]  }
0x30: {  	s3 =	sld [smem:$0x3FB2]  }
0x31: {  	[smem:$0x3FBB] =	sst s10  }
0x32: {  	s10 =	sld [smem:$0x3FB9];
	_ =	sdelay $0x3  }
0x33: {  	p0 =	seq.s32 s10, $0x1;
	s10 =	sld [smem:$0x3FBB];
	_ =	sdelay $0x3  }
0x34: {  	[smem:$0x3FBB] =	sst s10  }
0x35: {  	s10 =	sld [smem:$0x3FBA];
	_ =	sdelay $0x3  }
0x36: {  	p1 =	seq.s32 s10, $0x1;
	s10 =	sld [smem:$0x3FBB];
	_ =	sdelay $0x3  }
0x37: {  	[smem:$0x3FBB] =	sst s10  }
0x38: {  	s10 =	sld [smem:$0x3FBC]  }
0x39: {  	_ = 	snop;
	(pc) =	sbr.ind lr, $3  }
0x3a: {  	_ = 	snop  }
0x3b: {  	_ = 	snop  }
0x3c: {  	p2 =	seq.s32 s10, $0x1;
	s10 =	sld [smem:$0x3FBB]  }
0x3d: {  	_ =	shalt  }
0x3e: {  	_ =	shalt  }
0x3f: {  	_ =	shalt  }
0x40: {  	_ =	shalt  }
0x41: {  	_ =	shalt  }
0x42: {  	_ =	shalt  }
0x43: {  	_ =	shalt  }
0x44: {  	_ =	shalt  }
0x45: {  	_ =	shalt  }
0x46: {  	_ =	shalt  }
0x47: {  	_ =	shalt  }
0x48: {  	_ =	shalt  }
0x49: {  	_ =	shalt  }
0x4a: {  	_ =	shalt  }
0x4b: {  	_ =	shalt  }
0x4c: {  	_ =	shalt  }
0x4d: {  	_ =	shalt  }
0x4e: {  	_ =	shalt  }
0x4f: {  	_ =	shalt  }
0x50: {  	_ =	shalt  }
0x51: {  	_ =	shalt  }
0x52: {  	_ =	shalt  }
0x53: {  	_ =	shalt  }
0x54: {  	_ =	shalt  }
0x55: {  	_ =	shalt  }
0x56: {  	_ =	shalt  }
0x57: {  	_ =	shalt  }
0x58: {  	_ =	shalt  }
0x59: {  	_ =	shalt  }
0x5a: {  	_ =	shalt  }
0x5b: {  	_ =	shalt  }
0x5c: {  	_ =	shalt  }
0x5d: {  	_ =	shalt  }
0x5e: {  	_ =	shalt  }
0x5f: {  	_ =	shalt  }
0x60: {  	_ =	shalt  }
0x61: {  	_ =	shalt  }
0x62: {  	_ =	shalt  }
0x63: {  	_ =	shalt  }
0x64: {  	_ =	shalt  }
0x65: {  	_ =	shalt  }
0x66: {  	_ =	shalt  }
0x67: {  	_ =	shalt  }
0x68: {  	_ =	shalt  }
0x69: {  	_ =	shalt  }
0x6a: {  	_ =	shalt  }
0x6b: {  	_ =	shalt  }
0x6c: {  	_ =	shalt  }
0x6d: {  	_ =	shalt  }
0x6e: {  	_ =	shalt  }
0x6f: {  	_ =	shalt  }
0x70: {  	_ =	shalt  }
0x71: {  	_ =	shalt  }
0x72: {  	_ =	shalt  }
0x73: {  	_ =	shalt  }
0x74: {  	_ =	shalt  }
0x75: {  	_ =	shalt  }
0x76: {  	_ =	shalt  }
0x77: {  	_ =	shalt  }
0x78: {  	_ =	shalt  }
0x79: {  	_ =	shalt  }
0x7a: {  	_ =	shalt  }
0x7b: {  	_ =	shalt  }
0x7c: {  	_ =	shalt  }
0x7d: {  	_ =	shalt  }
0x7e: {  	_ =	shalt  }
0x7f: {  	_ =	shalt  }
0x80: {  	_ =	shalt  }
0x81: {  	_ =	shalt  }
0x82: {  	_ =	shalt  }
0x83: {  	_ =	shalt  }
0x84: {  	_ =	shalt  }
0x85: {  	_ =	shalt  }
0x86: {  	_ =	shalt  }
0x87: {  	_ =	shalt  }
.Lfunc_end0:
.L_simem_size_0:
called_computation_lowered:
.L_overlay_start_0:
0x88: {  	s2 =	sld [smem:$0x3FD9]  }
0x89: {  	s3 =	sld [smem:$0x3FFE];
	_ =	sdelay $0x1  }
0x8a: {  	s1 =	srdreg.scid  }
0x8b: {  	s0 =	sand.u32 $0x1, s1  }
0x8c: {  	s18 =	sshll.u32 s0, $0xA;
	s2 =	sadd.s32 s3, s2  }
0x8d: {  	s2 =	sadd.s32 s2, s18  }
0x8e: {  	[smem:$0x3FC7] =	sst s2  }
0x8f: {  	_ = 	snop  }
0x90: {  	s2 =	sld [smem:$0x3FC9]  }
0x91: {  	s19 =	sld [smem:$0x3FD0];
	(tm) =	ssettm $0x1  }
0x92: {  	s4 =	sld [smem:$0x3FFB];
	_ =	sdelay $0x3  }
0x93: {  	_ =	strace s4  }
0x94: {  	s4 =	sld [smem:$0x3FFC];
	_ =	sdelay $0x3  }
0x95: {  	_ =	strace s4  }
0x96: {  	s4 =	sld [smem:$0x3FFD];
	_ =	sdelay $0x3  }
0x97: {  	_ =	strace s4  }
0x98: {  	_ =	strace $0x8FFFFFFF  }
0x99: {  	s20 =	sld [smem:$0x3FDB];
	_ =	sdelay $0x1  }
0x9a: {  	s5 =	simm.s32 $_scs_section_size  }
0x9b: {  	s6 =	simm.s32 $_size__tile_overlayer_lowered;
	s7 =	simm.s32 $_tile_overlayer_lowered  }
0x9c: {  	s23 =	simm.s32 $0x1BFF;
	s22 =	sshll.u32 s7, $0x1;
	s4 =	sadd.s32 s5, s20  }
0x9d: {  	s8 =	simm.s32 $0x0;
	s21 =	sshll.u32 s6, $0x1;
	s6 =	sadd.s32 s22, s4  }
0x9e: {  	[timem:s8], [sflag:s23] =	dma.local [hbm:s6], s21  }
0x9f: {  	_ =	swait.ge [sflag:s23], s21  }
0xa0: {  	s5 =	ssub.s32 $0x0, s21;
	[sflag:s23] =	ssyncset.done $0x0  }
0xa1: {  	[sflag:s23] =	ssyncadd.s32 s5;
	_ =	sdelay $0x1  }
0xa2: {  	s24 =	simm.s32 $0x1B8B  }
0xa3: {  	_ =	swait.ge [sflag:s24], $0x1  }
0xa4: {  	[sflag:s24] =	ssyncset.done $0x0  }
0xa5: {  	s25 =	simm.s32 $0x1B8E;
	[sflag:s24] =	ssyncadd.s32 $0xFFFFFFFF  }
0xa6: {  	s26 =	simm.s32 $execute0_lowered;
	[smem:$0x3FD2] =	sst s25  }
0xa7: {  	s5 =	sshll.u32 s26, $0x1;
	_ =	strace $0x80000046;
	[dreg:$0x1] =	wrdreg $0xFFFFFFFF  }
0xa8: {  	s28 =	simm.s32 $_size_execute0_lowered;
	s4 =	sadd.s32 s4, s5;
	[dreg:$0x0] =	wrdreg $0x0  }
0xa9: {  	s5 =	sshll.u32 s28, $0x1;
	[dreg:$0x2] =	wrdreg s4  }
0xaa: {  	[dreg:$0x3] =	wrdreg s5  }
0xab: {  	[dreg:$0x4] =	wrdreg $0xC0  }
0xac: {  	_ =	task [dreg:s8], $0x5FFFF  }
0xad: {  	[dreg:$0x1] =	wrdreg $0xFFFFFFFF  }
0xae: {  	[dreg:$0x0] =	wrdreg $0x60  }
0xaf: {  	[dreg:$0x2] =	wrdreg s2  }
0xb0: {  	[dreg:$0x3] =	wrdreg s19  }
0xb1: {  	[dreg:$0x4] =	wrdreg $0x9  }
0xb2: {  	_ =	task.clear_ibuf [dreg:s8], $0x5FFFF;
	_ =	strace $0x90000046  }
0xb3: {  	s29 =	simm.s32 $0x9;
	_ =	strace $0x80000048  }
0xb4: {  	_ =	swait.ge [sflag:s29], $0x1  }
0xb5: {  	[sflag:s29] =	ssyncadd.s32 $0xFFFFFFFF  }
0xb6: {  	_ =	strace $0x90000048  }
0xb7: {  	_ =	sfence  }
0xb8: {  	s30 =	sld [smem:$0x0];
	_ =	sdelay $0x2  }
0xb9: {  	s31 =	sshll.u32 s1, $0xD;
	s1 =	sshrl.u32 s1, $0x2  }
0xba: {  	s3 =	sand.u32 $0x4000, s31;
	s1 =	sadd.s32 s1, s30  }
0xbb: {  	s0 =	sor.u32 s3, s0;
	s1 =	sshll.u32 s1, $0x11  }
0xbc: {  	s0 =	sor.u32 s1, s0  }
0xbd: {  	s0 =	sadd.s32 $0x8F2B, s0  }
0xbe: {  	[sflag:s0] =	ssyncadd.remote.s32 $0x1  }
0xbf: {  	_ =	sfence.sel $0xFFFF  }
0xc0: {  	[dreg:$0x0] =	wrdreg $0xFFFFFFFF;
	(pc) =	sbr.abs _section_cstart, $3  }
0xc1: {  	[dreg:$0x1] =	wrdreg $0xFFFFFFFF  }
0xc2: {  	_ =	task.clear_ibuf [dreg:s8], $0x2FFFF;
	_ =	strace $0x9FFFFFFF  }
0xc3: {  	(tm) =	ssettm $0x7FFFFFFF  }
tec
execute0_lowered:
.L_overlay_start_1:
0x0: {  	(tag) =	ssettag $0x1  }
0x1: {  	s0 =	rddreg [dreg:$0x0];
	s1 =	srdreg.scid  }
0x2: {  	s3 =	rddreg [dreg:$0x1];
	s4 =	stileid.u32;
	s1 =	sand.u32 $0x1, s1  }
0x3: {  	s2 =	simm.s32 $0x0;
	s4 =	sshll.u32 s4, $0x10;
	s5 =	sshll.u32 s1, $0xF  }
0x4: {  	[smem:$0x7FF] =	sst s2;
	s4 =	sor.u32 s5, s4  }
0x5: {  	_ =	strace $0x80000047;
	s5 =	sadd.s32 s0, s4;
	s6 =	sor.u32 $0x1000, s4  }
0x6: {  	s7 =	sor.u32 $0x2000, s4;
	[dreg:$0x3] =	wrdreg s5;
	s13 =	sadd.s32 s0, s6  }
0x7: {  	s31 =	sadd.s32 s3, s4;
	s14 =	sadd.s32 s0, s7;
	[dreg:$0x4] =	wrdreg s13  }
0x8: {  	s15 =	sadd.s32 $0x100000, s31;
	[dreg:$0x5] =	wrdreg s14  }
0x9: {  	s16 =	sadd.s32 $0x200000, s31;
	[dreg:$0x6] =	wrdreg s15  }
0xa: {  	s17 =	sadd.s32 $0x300000, s31;
	[dreg:$0x7] =	wrdreg s16  }
0xb: {  	s18 =	sadd.s32 s3, s6;
	[dreg:$0x8] =	wrdreg s17  }
0xc: {  	s19 =	sadd.s32 $0x101000, s31;
	[dreg:$0x9] =	wrdreg s18  }
0xd: {  	s29 =	simm.s32 $0x10000;
	s20 =	sadd.s32 $0x201000, s31;
	[dreg:$0xa] =	wrdreg s19  }
0xe: {  	p0 =	por $0x0, $0x0;
	s21 =	sadd.s32 $0x301000, s31;
	[dreg:$0xb] =	wrdreg s20  }
0xf: {  	s30 =	simm.s32 $0x3;
	s22 =	sadd.s32 s3, s7;
	[dreg:$0xc] =	wrdreg s21  }
0x10: {  	s1 =	ssub.s32 $0x2, s1;
	s23 =	sadd.s32 $0x102000, s31;
	[dreg:$0xd] =	wrdreg s22  }
0x11: {  	s10 =	sshrl.u32 s1, $0x1;
	s24 =	sadd.s32 $0x202000, s31;
	[dreg:$0xe] =	wrdreg s23  }
0x12: {  	s26 =	sor.u32 $0x3000, s4;
	s25 =	sadd.s32 $0x302000, s31;
	[dreg:$0xf] =	wrdreg s24  }
0x13: {  	s1 =	ssub.s32 s1, s10;
	s7 =	sadd.s32 s0, s26;
	[dreg:$0x10] =	wrdreg s25  }
0x14: {  	s10 =	simm.s32 $0x8000;
	s8 =	sadd.s32 s3, s26;
	[dreg:$0x11] =	wrdreg s7  }
0x15: {  	s9 =	sadd.s32 $0x103000, s31;
	s11 =	sadd.s32 $0x203000, s31;
	[dreg:$0x12] =	wrdreg s8  }
0x16: {  	s12 =	sadd.s32 $0x303000, s31;
	s26 =	sadd.s32 $0x204000, s31;
	[dreg:$0x13] =	wrdreg s9  }
0x17: {  	s28 =	sadd.s32 $0x304000, s31;
	s6 =	sadd.s32 $0x107000, s31;
	[dreg:$0x14] =	wrdreg s11  }
0x18: {  	s13 =	sor.u32 $0x4000, s4;
	[dreg:$0x15] =	wrdreg s12;
	s25 =	sadd.s32 $0x104000, s31  }
0x19: {  	s15 =	sor.u32 $0x5000, s4;
	s19 =	sadd.s32 $0x105000, s31;
	s20 =	sadd.s32 $0x205000, s31  }
0x1a: {  	s21 =	sadd.s32 $0x305000, s31;
	s16 =	sor.u32 $0x6000, s4;
	s4 =	sor.u32 $0x7000, s4  }
0x1b: {  	s7 =	sadd.s32 $0x207000, s31;
	s8 =	sadd.s32 $0x307000, s31;
	s23 =	smax.u32 s1, $0x1  }
0x1c: {  	s12 =	simm.s32 $0x2;
	s9 =	simm.s32 $0x6;
	s1 =	rddreg [dreg:$0x3]  }
0x1d: {  	s14 =	sadd.s32 s0, s13;
	s24 =	sadd.s32 s3, s13;
	p1 =	sne.s32 s23, $0x1  }
.Ltmp0:
0x1e: {  	s22 =	sadd.s32 s0, s15;
	s18 =	sadd.s32 s3, s15;
	(pc) =	sbr.rel @!p1 .LBB2_5-.Ltmp0, $4  }
0x1f: {  	s17 =	sadd.s32 s0, s16;
	s13 =	sadd.s32 s3, s16;
	s15 =	sadd.s32 $0x206000, s31  }
0x20: {  	s16 =	sadd.s32 $0x306000, s31;
	s11 =	sadd.s32 s0, s4;
	s5 =	sadd.s32 s3, s4  }
0x21: {  	s0 =	sadd.s32 $0xFFFFFFFF, s23;
	s23 =	simm.s32 $0x1;
	s4 =	simm.s32 $0x4  }
0x22: {  	s3 =	simm.s32 $0x5;
	[dreg:$0x16] =	wrdreg s14;
	s14 =	sadd.s32 $0x106000, s31  }
0x23: {  	[dreg:$0x18] =	wrdreg s0  }
0x24: {  	[tilespmem:s2], [sflag:$0x1] =	stream.linear.gather [hbm4b:s1+s2], $0x8000, $0x38;
	[tilespmem:$0x18000] =	vst v63  }
0x25: {  	s0 =	rddreg [dreg:$0x4]  }
0x26: {  	[tilespmem:s10], [sflag:$0x2] =	stream.linear.gather [hbm4b:s0+s2], $0x8000, $0x38;
	[tilespmem:$0x18000] =	vst v63  }
0x27: {  	s1 =	rddreg [dreg:$0x5]  }
0x28: {  	[tilespmem:s29], [sflag:$0x3] =	stream.linear.gather [hbm4b:s1+s2], $0x8000, $0x38;
	[tilespmem:$0x18000] =	vst v63  }
0x29: {  	_ =	swait.ge [sflag:s23], $0x8000  }
0x2a: {  	[sflag:s23] =	ssyncset.done $0x0  }
0x2b: {  	[sflag:s23] =	ssyncadd.s32 $0xFFFF8000  }
0x2c: {  	[hbm4b:s31+s2] =	stream.linear.scatter [tilespmem:s2], [sflag:$0x4], $0x8000, $0x38;
	[tilespmem:$0x18000] =	vst v63  }
0x2d: {  	s0 =	rddreg [dreg:$0x6]  }
0x2e: {  	[hbm4b:s0+s2] =	stream.linear.scatter [tilespmem:s2], [sflag:$0x4], $0x8000, $0x38;
	[tilespmem:$0x18000] =	vst v63  }
0x2f: {  	s1 =	rddreg [dreg:$0x7]  }
0x30: {  	[hbm4b:s1+s2] =	stream.linear.scatter [tilespmem:s2], [sflag:$0x4], $0x8000, $0x38;
	[tilespmem:$0x18000] =	vst v63  }
0x31: {  	s0 =	rddreg [dreg:$0x8]  }
0x32: {  	[hbm4b:s0+s2] =	stream.linear.scatter [tilespmem:s2], [sflag:$0x4], $0x8000, $0x38;
	[tilespmem:$0x18000] =	vst v63  }
0x33: {  	_ =	swait.ge [sflag:s12], $0x8000  }
0x34: {  	[sflag:s12] =	ssyncset.done $0x0  }
0x35: {  	s0 =	rddreg [dreg:$0x9];
	[sflag:s12] =	ssyncadd.s32 $0xFFFF8000  }
0x36: {  	[hbm4b:s0+s2] =	stream.linear.scatter [tilespmem:s10], [sflag:$0x5], $0x8000, $0x38;
	[tilespmem:$0x18000] =	vst v63  }
0x37: {  	s1 =	rddreg [dreg:$0xa]  }
0x38: {  	[hbm4b:s1+s2] =	stream.linear.scatter [tilespmem:s10], [sflag:$0x5], $0x8000, $0x38;
	[tilespmem:$0x18000] =	vst v63  }
0x39: {  	s0 =	rddreg [dreg:$0xb]  }
0x3a: {  	[hbm4b:s0+s2] =	stream.linear.scatter [tilespmem:s10], [sflag:$0x5], $0x8000, $0x38;
	[tilespmem:$0x18000] =	vst v63  }
0x3b: {  	s1 =	rddreg [dreg:$0xc]  }
0x3c: {  	[hbm4b:s1+s2] =	stream.linear.scatter [tilespmem:s10], [sflag:$0x5], $0x8000, $0x38;
	[tilespmem:$0x18000] =	vst v63  }
0x3d: {  	_ =	swait.ge [sflag:s30], $0x8000  }
0x3e: {  	[sflag:s30] =	ssyncset.done $0x0  }
0x3f: {  	s0 =	rddreg [dreg:$0xd];
	[sflag:s30] =	ssyncadd.s32 $0xFFFF8000  }
0x40: {  	[hbm4b:s0+s2] =	stream.linear.scatter [tilespmem:s29], [sflag:$0x6], $0x8000, $0x38;
	[tilespmem:$0x18000] =	vst v63  }
0x41: {  	s1 =	rddreg [dreg:$0xe]  }
0x42: {  	[hbm4b:s1+s2] =	stream.linear.scatter [tilespmem:s29], [sflag:$0x6], $0x8000, $0x38;
	[tilespmem:$0x18000] =	vst v63  }
0x43: {  	s0 =	rddreg [dreg:$0xf]  }
0x44: {  	[hbm4b:s0+s2] =	stream.linear.scatter [tilespmem:s29], [sflag:$0x6], $0x8000, $0x38;
	[tilespmem:$0x18000] =	vst v63  }
0x45: {  	s1 =	rddreg [dreg:$0x10]  }
0x46: {  	[hbm4b:s1+s2] =	stream.linear.scatter [tilespmem:s29], [sflag:$0x6], $0x8000, $0x38;
	[tilespmem:$0x18000] =	vst v63  }
0x47: {  	_ =	swait.ge [sflag:s4], $0x8000  }
0x48: {  	[sflag:s4] =	ssyncset.done $0x0  }
0x49: {  	[sflag:s4] =	ssyncadd.s32 $0xFFFF8000  }
0x4a: {  	_ =	swait.ge [sflag:s4], $0x8000  }
0x4b: {  	[sflag:s4] =	ssyncset.done $0x0  }
0x4c: {  	[sflag:s4] =	ssyncadd.s32 $0xFFFF8000  }
0x4d: {  	_ =	swait.ge [sflag:s4], $0x8000  }
0x4e: {  	[sflag:s4] =	ssyncset.done $0x0  }
0x4f: {  	[sflag:s4] =	ssyncadd.s32 $0xFFFF8000  }
0x50: {  	_ =	swait.ge [sflag:s4], $0x8000  }
0x51: {  	[sflag:s4] =	ssyncset.done $0x0  }
0x52: {  	s1 =	rddreg [dreg:$0x11];
	[sflag:s4] =	ssyncadd.s32 $0xFFFF8000  }
0x53: {  	[tilespmem:s2], [sflag:$0x1] =	stream.linear.gather [hbm4b:s1+s2], $0x8000, $0x38;
	[tilespmem:$0x18000] =	vst v63  }
0x54: {  	_ =	swait.ge [sflag:s23], $0x8000  }
0x55: {  	[sflag:s23] =	ssyncset.done $0x0  }
0x56: {  	s0 =	rddreg [dreg:$0x12];
	[sflag:s23] =	ssyncadd.s32 $0xFFFF8000  }
0x57: {  	[hbm4b:s0+s2] =	stream.linear.scatter [tilespmem:s2], [sflag:$0x4], $0x8000, $0x38;
	[tilespmem:$0x18000] =	vst v63  }
0x58: {  	s1 =	rddreg [dreg:$0x13]  }
0x59: {  	[hbm4b:s1+s2] =	stream.linear.scatter [tilespmem:s2], [sflag:$0x4], $0x8000, $0x38;
	[tilespmem:$0x18000] =	vst v63  }
0x5a: {  	s0 =	rddreg [dreg:$0x14]  }
0x5b: {  	[hbm4b:s0+s2] =	stream.linear.scatter [tilespmem:s2], [sflag:$0x4], $0x8000, $0x38;
	[tilespmem:$0x18000] =	vst v63  }
0x5c: {  	s1 =	rddreg [dreg:$0x15]  }
0x5d: {  	[hbm4b:s1+s2] =	stream.linear.scatter [tilespmem:s2], [sflag:$0x4], $0x8000, $0x38;
	[tilespmem:$0x18000] =	vst v63  }
0x5e: {  	_ =	swait.ge [sflag:s3], $0x8000  }
0x5f: {  	[sflag:s3] =	ssyncset.done $0x0  }
0x60: {  	[sflag:s3] =	ssyncadd.s32 $0xFFFF8000  }
0x61: {  	_ =	swait.ge [sflag:s3], $0x8000  }
0x62: {  	[sflag:s3] =	ssyncset.done $0x0  }
0x63: {  	[sflag:s3] =	ssyncadd.s32 $0xFFFF8000  }
0x64: {  	_ =	swait.ge [sflag:s3], $0x8000  }
0x65: {  	[sflag:s3] =	ssyncset.done $0x0  }
0x66: {  	[sflag:s3] =	ssyncadd.s32 $0xFFFF8000  }
0x67: {  	_ =	swait.ge [sflag:s3], $0x8000  }
0x68: {  	[sflag:s3] =	ssyncset.done $0x0  }
0x69: {  	s1 =	rddreg [dreg:$0x16];
	[sflag:s3] =	ssyncadd.s32 $0xFFFF8000  }
0x6a: {  	[tilespmem:s10], [sflag:$0x2] =	stream.linear.gather [hbm4b:s1+s2], $0x8000, $0x38;
	[tilespmem:$0x18000] =	vst v63  }
0x6b: {  	_ =	swait.ge [sflag:s12], $0x8000  }
0x6c: {  	[sflag:s12] =	ssyncset.done $0x0  }
0x6d: {  	[sflag:s12] =	ssyncadd.s32 $0xFFFF8000  }
0x6e: {  	[hbm4b:s24+s2] =	stream.linear.scatter [tilespmem:s10], [sflag:$0x5], $0x8000, $0x38;
	[tilespmem:$0x18000] =	vst v63  }
0x6f: {  	_ = 	snop  }
0x70: {  	[hbm4b:s25+s2] =	stream.linear.scatter [tilespmem:s10], [sflag:$0x5], $0x8000, $0x38;
	[tilespmem:$0x18000] =	vst v63  }
0x71: {  	_ = 	snop  }
0x72: {  	[hbm4b:s26+s2] =	stream.linear.scatter [tilespmem:s10], [sflag:$0x5], $0x8000, $0x38;
	[tilespmem:$0x18000] =	vst v63  }
0x73: {  	_ = 	snop  }
0x74: {  	[hbm4b:s28+s2] =	stream.linear.scatter [tilespmem:s10], [sflag:$0x5], $0x8000, $0x38;
	[tilespmem:$0x18000] =	vst v63  }
0x75: {  	_ =	swait.ge [sflag:s9], $0x8000  }
0x76: {  	[sflag:s9] =	ssyncset.done $0x0  }
0x77: {  	[sflag:s9] =	ssyncadd.s32 $0xFFFF8000  }
0x78: {  	_ =	swait.ge [sflag:s9], $0x8000  }
0x79: {  	[sflag:s9] =	ssyncset.done $0x0  }
0x7a: {  	[sflag:s9] =	ssyncadd.s32 $0xFFFF8000  }
0x7b: {  	_ =	swait.ge [sflag:s9], $0x8000  }
0x7c: {  	[sflag:s9] =	ssyncset.done $0x0  }
0x7d: {  	[sflag:s9] =	ssyncadd.s32 $0xFFFF8000  }
0x7e: {  	_ =	swait.ge [sflag:s9], $0x8000  }
0x7f: {  	[sflag:s9] =	ssyncset.done $0x0  }
0x80: {  	[sflag:s9] =	ssyncadd.s32 $0xFFFF8000  }
0x81: {  	[tilespmem:s29], [sflag:$0x3] =	stream.linear.gather [hbm4b:s22+s2], $0x8000, $0x38;
	[tilespmem:$0x18000] =	vst v63  }
0x82: {  	_ =	swait.ge [sflag:s30], $0x8000  }
0x83: {  	[sflag:s30] =	ssyncset.done $0x0  }
0x84: {  	[sflag:s30] =	ssyncadd.s32 $0xFFFF8000  }
0x85: {  	[hbm4b:s18+s2] =	stream.linear.scatter [tilespmem:s29], [sflag:$0x6], $0x8000, $0x38;
	[tilespmem:$0x18000] =	vst v63  }
0x86: {  	_ = 	snop  }
0x87: {  	[hbm4b:s19+s2] =	stream.linear.scatter [tilespmem:s29], [sflag:$0x6], $0x8000, $0x38;
	[tilespmem:$0x18000] =	vst v63  }
0x88: {  	_ = 	snop  }
0x89: {  	[hbm4b:s20+s2] =	stream.linear.scatter [tilespmem:s29], [sflag:$0x6], $0x8000, $0x38;
	[tilespmem:$0x18000] =	vst v63  }
0x8a: {  	_ = 	snop  }
0x8b: {  	[hbm4b:s21+s2] =	stream.linear.scatter [tilespmem:s29], [sflag:$0x6], $0x8000, $0x38;
	[tilespmem:$0x18000] =	vst v63  }
0x8c: {  	_ =	swait.ge [sflag:s4], $0x8000  }
0x8d: {  	[sflag:s4] =	ssyncset.done $0x0  }
0x8e: {  	[sflag:s4] =	ssyncadd.s32 $0xFFFF8000  }
0x8f: {  	_ =	swait.ge [sflag:s4], $0x8000  }
0x90: {  	[sflag:s4] =	ssyncset.done $0x0  }
0x91: {  	[sflag:s4] =	ssyncadd.s32 $0xFFFF8000  }
0x92: {  	_ =	swait.ge [sflag:s4], $0x8000  }
0x93: {  	[sflag:s4] =	ssyncset.done $0x0  }
0x94: {  	[sflag:s4] =	ssyncadd.s32 $0xFFFF8000  }
0x95: {  	_ =	swait.ge [sflag:s4], $0x8000  }
0x96: {  	[sflag:s4] =	ssyncset.done $0x0  }
0x97: {  	[sflag:s4] =	ssyncadd.s32 $0xFFFF8000  }
0x98: {  	[tilespmem:s2], [sflag:$0x1] =	stream.linear.gather [hbm4b:s17+s2], $0x8000, $0x38;
	[tilespmem:$0x18000] =	vst v63  }
0x99: {  	_ =	swait.ge [sflag:s23], $0x8000  }
0x9a: {  	[sflag:s23] =	ssyncset.done $0x0  }
0x9b: {  	[sflag:s23] =	ssyncadd.s32 $0xFFFF8000  }
0x9c: {  	[hbm4b:s13+s2] =	stream.linear.scatter [tilespmem:s2], [sflag:$0x4], $0x8000, $0x38;
	[tilespmem:$0x18000] =	vst v63  }
0x9d: {  	_ = 	snop  }
0x9e: {  	[hbm4b:s14+s2] =	stream.linear.scatter [tilespmem:s2], [sflag:$0x4], $0x8000, $0x38;
	[tilespmem:$0x18000] =	vst v63  }
0x9f: {  	_ = 	snop  }
0xa0: {  	[hbm4b:s15+s2] =	stream.linear.scatter [tilespmem:s2], [sflag:$0x4], $0x8000, $0x38;
	[tilespmem:$0x18000] =	vst v63  }
0xa1: {  	_ = 	snop  }
0xa2: {  	[hbm4b:s16+s2] =	stream.linear.scatter [tilespmem:s2], [sflag:$0x4], $0x8000, $0x38;
	[tilespmem:$0x18000] =	vst v63  }
0xa3: {  	_ =	swait.ge [sflag:s3], $0x8000  }
0xa4: {  	[sflag:s3] =	ssyncset.done $0x0  }
0xa5: {  	[sflag:s3] =	ssyncadd.s32 $0xFFFF8000  }
0xa6: {  	_ =	swait.ge [sflag:s3], $0x8000  }
0xa7: {  	[sflag:s3] =	ssyncset.done $0x0  }
0xa8: {  	[sflag:s3] =	ssyncadd.s32 $0xFFFF8000  }
0xa9: {  	_ =	swait.ge [sflag:s3], $0x8000  }
0xaa: {  	[sflag:s3] =	ssyncset.done $0x0  }
0xab: {  	[sflag:s3] =	ssyncadd.s32 $0xFFFF8000  }
0xac: {  	_ =	swait.ge [sflag:s3], $0x8000  }
0xad: {  	[sflag:s3] =	ssyncset.done $0x0  }
0xae: {  	[sflag:s3] =	ssyncadd.s32 $0xFFFF8000  }
0xaf: {  	[tilespmem:s10], [sflag:$0x2] =	stream.linear.gather [hbm4b:s11+s2], $0x8000, $0x38;
	[tilespmem:$0x18000] =	vst v63  }
0xb0: {  	_ =	swait.ge [sflag:s12], $0x8000  }
0xb1: {  	[sflag:s12] =	ssyncset.done $0x0  }
0xb2: {  	[sflag:s12] =	ssyncadd.s32 $0xFFFF8000  }
0xb3: {  	[hbm4b:s5+s2] =	stream.linear.scatter [tilespmem:s10], [sflag:$0x5], $0x8000, $0x38;
	[tilespmem:$0x18000] =	vst v63  }
0xb4: {  	_ = 	snop  }
0xb5: {  	[hbm4b:s6+s2] =	stream.linear.scatter [tilespmem:s10], [sflag:$0x5], $0x8000, $0x38;
	[tilespmem:$0x18000] =	vst v63  }
0xb6: {  	_ = 	snop  }
0xb7: {  	[hbm4b:s7+s2] =	stream.linear.scatter [tilespmem:s10], [sflag:$0x5], $0x8000, $0x38;
	[tilespmem:$0x18000] =	vst v63  }
0xb8: {  	_ = 	snop  }
0xb9: {  	[hbm4b:s8+s2] =	stream.linear.scatter [tilespmem:s10], [sflag:$0x5], $0x8000, $0x38;
	[tilespmem:$0x18000] =	vst v63  }
0xba: {  	_ =	swait.ge [sflag:s9], $0x8000  }
0xbb: {  	[sflag:s9] =	ssyncset.done $0x0  }
0xbc: {  	[sflag:s9] =	ssyncadd.s32 $0xFFFF8000  }
0xbd: {  	_ =	swait.ge [sflag:s9], $0x8000  }
0xbe: {  	[sflag:s9] =	ssyncset.done $0x0  }
0xbf: {  	[sflag:s9] =	ssyncadd.s32 $0xFFFF8000  }
0xc0: {  	_ =	swait.ge [sflag:s9], $0x8000  }
0xc1: {  	[sflag:s9] =	ssyncset.done $0x0  }
0xc2: {  	[sflag:s9] =	ssyncadd.s32 $0xFFFF8000  }
0xc3: {  	_ =	swait.ge [sflag:s9], $0x8000  }
0xc4: {  	[sflag:s9] =	ssyncset.done $0x0  }
0xc5: {  	[sflag:s9] =	ssyncadd.s32 $0xFFFF8000  }
0xc6: {  	_ =	swait.ge [sflag:s4], $0x8000  }
0xc7: {  	[sflag:s4] =	ssyncset.done $0x0  }
0xc8: {  	[sflag:s4] =	ssyncadd.s32 $0xFFFF8000  }
0xc9: {  	_ =	swait.ge [sflag:s4], $0x8000  }
0xca: {  	[sflag:s4] =	ssyncset.done $0x0  }
0xcb: {  	[sflag:s4] =	ssyncadd.s32 $0xFFFF8000  }
0xcc: {  	_ =	swait.ge [sflag:s4], $0x8000  }
0xcd: {  	[sflag:s4] =	ssyncset.done $0x0  }
0xce: {  	[sflag:s4] =	ssyncadd.s32 $0xFFFF8000  }
0xcf: {  	_ =	swait.ge [sflag:s4], $0x8000  }
0xd0: {  	[sflag:s4] =	ssyncset.done $0x0  }
0xd1: {  	[sflag:s4] =	ssyncadd.s32 $0xFFFF8000  }
0xd2: {  	_ =	swait.ge [sflag:s3], $0x8000  }
0xd3: {  	[sflag:s3] =	ssyncset.done $0x0  }
0xd4: {  	[sflag:s3] =	ssyncadd.s32 $0xFFFF8000  }
0xd5: {  	_ =	swait.ge [sflag:s3], $0x8000  }
0xd6: {  	[sflag:s3] =	ssyncset.done $0x0  }
0xd7: {  	[sflag:s3] =	ssyncadd.s32 $0xFFFF8000  }
0xd8: {  	_ =	swait.ge [sflag:s3], $0x8000  }
0xd9: {  	s1 =	rddreg [dreg:$0x18]  }
0xda: {  	p1 =	sne.s32 s1, $0x1  }
.Ltmp1:
0xdb: {  	_ = 	snop;
	(pc) =	sbr.rel @!p1 .LBB2_2-.Ltmp1, $4  }
0xdc: {  	[sflag:s3] =	ssyncset.done $0x0  }
0xdd: {  	[sflag:s3] =	ssyncadd.s32 $0xFFFF8000  }
0xde: {  	p0 =	por $0x1, $0x1;
	_ =	swait.ge [sflag:s3], $0x8000;
	[dreg:$0x17] =	wrdreg s31  }
0xdf: {  	s0 =	sadd.s32 $0xFFFFFFFF, s1;
	s1 =	rddreg [dreg:$0x3];
	[sflag:s3] =	ssyncset.done $0x0  }
.LBB2_3:
0xe0: {  	[sflag:s3] =	ssyncadd.s32 $0xFFFF8000;
	s31 =	smov.u32 s28;
	s28 =	smov.u32 s26  }
0xe1: {  	s26 =	smov.u32 s25;
	s25 =	smov.u32 s24;
	s24 =	smov.u32 s22  }
0xe2: {  	s22 =	smov.u32 s21;
	s21 =	smov.u32 s20;
	s20 =	smov.u32 s19  }
0xe3: {  	s19 =	smov.u32 s18;
	s18 =	smov.u32 s17;
	s17 =	smov.u32 s16  }
0xe4: {  	s16 =	smov.u32 s15;
	s15 =	smov.u32 s14;
	s14 =	smov.u32 s13  }
0xe5: {  	s13 =	smov.u32 s11;
	s11 =	smov.u32 s8;
	s8 =	smov.u32 s7  }
0xe6: {  	[tilespmem:s2], [sflag:$0x1] =	stream.linear.gather [hbm4b:s1+s2], $0x8000, $0x38;
	[tilespmem:$0x18000] =	vst v63  }
0xe7: {  	s7 =	smov.u32 s6;
	s6 =	smov.u32 s5;
	s5 =	rddreg [dreg:$0x4]  }
0xe8: {  	[tilespmem:s10], [sflag:$0x2] =	stream.linear.gather [hbm4b:s5+s2], $0x8000, $0x38;
	[tilespmem:$0x18000] =	vst v63  }
0xe9: {  	s1 =	rddreg [dreg:$0x5]  }
0xea: {  	[tilespmem:s29], [sflag:$0x3] =	stream.linear.gather [hbm4b:s1+s2], $0x8000, $0x38;
	[tilespmem:$0x18000] =	vst v63  }
0xeb: {  	_ =	swait.ge [sflag:s23], $0x8000  }
0xec: {  	[sflag:s23] =	ssyncset.done $0x0  }
0xed: {  	s5 =	rddreg [dreg:$0x17];
	[sflag:s23] =	ssyncadd.s32 $0xFFFF8000  }
0xee: {  	[hbm4b:s5+s2] =	stream.linear.scatter [tilespmem:s2], [sflag:$0x4], $0x8000, $0x38;
	[tilespmem:$0x18000] =	vst v63  }
0xef: {  	s1 =	rddreg [dreg:$0x6]  }
0xf0: {  	[hbm4b:s1+s2] =	stream.linear.scatter [tilespmem:s2], [sflag:$0x4], $0x8000, $0x38;
	[tilespmem:$0x18000] =	vst v63  }
0xf1: {  	s5 =	rddreg [dreg:$0x7]  }
0xf2: {  	[hbm4b:s5+s2] =	stream.linear.scatter [tilespmem:s2], [sflag:$0x4], $0x8000, $0x38;
	[tilespmem:$0x18000] =	vst v63  }
0xf3: {  	s1 =	rddreg [dreg:$0x8]  }
0xf4: {  	[hbm4b:s1+s2] =	stream.linear.scatter [tilespmem:s2], [sflag:$0x4], $0x8000, $0x38;
	[tilespmem:$0x18000] =	vst v63  }
0xf5: {  	_ =	swait.ge [sflag:s12], $0x8000  }
0xf6: {  	[sflag:s12] =	ssyncset.done $0x0  }
0xf7: {  	s1 =	rddreg [dreg:$0x9];
	[sflag:s12] =	ssyncadd.s32 $0xFFFF8000  }
0xf8: {  	[hbm4b:s1+s2] =	stream.linear.scatter [tilespmem:s10], [sflag:$0x5], $0x8000, $0x38;
	[tilespmem:$0x18000] =	vst v63  }
0xf9: {  	s5 =	rddreg [dreg:$0xa]  }
0xfa: {  	[hbm4b:s5+s2] =	stream.linear.scatter [tilespmem:s10], [sflag:$0x5], $0x8000, $0x38;
	[tilespmem:$0x18000] =	vst v63  }
0xfb: {  	s1 =	rddreg [dreg:$0xb]  }
0xfc: {  	[hbm4b:s1+s2] =	stream.linear.scatter [tilespmem:s10], [sflag:$0x5], $0x8000, $0x38;
	[tilespmem:$0x18000] =	vst v63  }
0xfd: {  	s5 =	rddreg [dreg:$0xc]  }
0xfe: {  	[hbm4b:s5+s2] =	stream.linear.scatter [tilespmem:s10], [sflag:$0x5], $0x8000, $0x38;
	[tilespmem:$0x18000] =	vst v63  }
0xff: {  	_ =	swait.ge [sflag:s30], $0x8000  }
0x100: {  	[sflag:s30] =	ssyncset.done $0x0  }
0x101: {  	s1 =	rddreg [dreg:$0xd];
	[sflag:s30] =	ssyncadd.s32 $0xFFFF8000  }
0x102: {  	[hbm4b:s1+s2] =	stream.linear.scatter [tilespmem:s29], [sflag:$0x6], $0x8000, $0x38;
	[tilespmem:$0x18000] =	vst v63  }
0x103: {  	s5 =	rddreg [dreg:$0xe]  }
0x104: {  	[hbm4b:s5+s2] =	stream.linear.scatter [tilespmem:s29], [sflag:$0x6], $0x8000, $0x38;
	[tilespmem:$0x18000] =	vst v63  }
0x105: {  	s1 =	rddreg [dreg:$0xf]  }
0x106: {  	[hbm4b:s1+s2] =	stream.linear.scatter [tilespmem:s29], [sflag:$0x6], $0x8000, $0x38;
	[tilespmem:$0x18000] =	vst v63  }
0x107: {  	s5 =	rddreg [dreg:$0x10]  }
0x108: {  	[hbm4b:s5+s2] =	stream.linear.scatter [tilespmem:s29], [sflag:$0x6], $0x8000, $0x38;
	[tilespmem:$0x18000] =	vst v63  }
0x109: {  	_ =	swait.ge [sflag:s4], $0x8000  }
0x10a: {  	[sflag:s4] =	ssyncset.done $0x0  }
0x10b: {  	[sflag:s4] =	ssyncadd.s32 $0xFFFF8000  }
0x10c: {  	_ =	swait.ge [sflag:s4], $0x8000  }
0x10d: {  	[sflag:s4] =	ssyncset.done $0x0  }
0x10e: {  	[sflag:s4] =	ssyncadd.s32 $0xFFFF8000  }
0x10f: {  	_ =	swait.ge [sflag:s4], $0x8000  }
0x110: {  	[sflag:s4] =	ssyncset.done $0x0  }
0x111: {  	[sflag:s4] =	ssyncadd.s32 $0xFFFF8000  }
0x112: {  	_ =	swait.ge [sflag:s4], $0x8000  }
0x113: {  	[sflag:s4] =	ssyncset.done $0x0  }
0x114: {  	s5 =	rddreg [dreg:$0x11];
	[sflag:s4] =	ssyncadd.s32 $0xFFFF8000  }
0x115: {  	[tilespmem:s2], [sflag:$0x1] =	stream.linear.gather [hbm4b:s5+s2], $0x8000, $0x38;
	[tilespmem:$0x18000] =	vst v63  }
0x116: {  	_ =	swait.ge [sflag:s23], $0x8000  }
0x117: {  	[sflag:s23] =	ssyncset.done $0x0  }
0x118: {  	s1 =	rddreg [dreg:$0x12];
	[sflag:s23] =	ssyncadd.s32 $0xFFFF8000  }
0x119: {  	[hbm4b:s1+s2] =	stream.linear.scatter [tilespmem:s2], [sflag:$0x4], $0x8000, $0x38;
	[tilespmem:$0x18000] =	vst v63  }
0x11a: {  	s5 =	rddreg [dreg:$0x13]  }
0x11b: {  	[hbm4b:s5+s2] =	stream.linear.scatter [tilespmem:s2], [sflag:$0x4], $0x8000, $0x38;
	[tilespmem:$0x18000] =	vst v63  }
0x11c: {  	s1 =	rddreg [dreg:$0x14]  }
0x11d: {  	[hbm4b:s1+s2] =	stream.linear.scatter [tilespmem:s2], [sflag:$0x4], $0x8000, $0x38;
	[tilespmem:$0x18000] =	vst v63  }
0x11e: {  	s5 =	rddreg [dreg:$0x15]  }
0x11f: {  	[hbm4b:s5+s2] =	stream.linear.scatter [tilespmem:s2], [sflag:$0x4], $0x8000, $0x38;
	[tilespmem:$0x18000] =	vst v63  }
0x120: {  	_ =	swait.ge [sflag:s3], $0x8000  }
0x121: {  	[sflag:s3] =	ssyncset.done $0x0  }
0x122: {  	[sflag:s3] =	ssyncadd.s32 $0xFFFF8000  }
0x123: {  	_ =	swait.ge [sflag:s3], $0x8000  }
0x124: {  	[sflag:s3] =	ssyncset.done $0x0  }
0x125: {  	[sflag:s3] =	ssyncadd.s32 $0xFFFF8000  }
0x126: {  	s5 =	smov.u32 s6;
	_ =	swait.ge [sflag:s3], $0x8000  }
0x127: {  	s6 =	smov.u32 s7;
	s7 =	smov.u32 s8;
	[sflag:s3] =	ssyncset.done $0x0  }
0x128: {  	s8 =	smov.u32 s11;
	s11 =	smov.u32 s13;
	[sflag:s3] =	ssyncadd.s32 $0xFFFF8000  }
0x129: {  	s13 =	smov.u32 s14;
	s14 =	smov.u32 s15;
	_ =	swait.ge [sflag:s3], $0x8000  }
0x12a: {  	s15 =	smov.u32 s16;
	s16 =	smov.u32 s17;
	[sflag:s3] =	ssyncset.done $0x0  }
0x12b: {  	s17 =	smov.u32 s18;
	s1 =	rddreg [dreg:$0x16];
	[sflag:s3] =	ssyncadd.s32 $0xFFFF8000  }
0x12c: {  	[tilespmem:s10], [sflag:$0x2] =	stream.linear.gather [hbm4b:s1+s2], $0x8000, $0x38;
	[tilespmem:$0x18000] =	vst v63  }
0x12d: {  	s18 =	smov.u32 s19;
	s19 =	smov.u32 s20;
	_ =	swait.ge [sflag:s12], $0x8000  }
0x12e: {  	s20 =	smov.u32 s21;
	s21 =	smov.u32 s22;
	[sflag:s12] =	ssyncset.done $0x0  }
0x12f: {  	s22 =	smov.u32 s24;
	s24 =	smov.u32 s25;
	[sflag:s12] =	ssyncadd.s32 $0xFFFF8000  }
0x130: {  	[hbm4b:s24+s2] =	stream.linear.scatter [tilespmem:s10], [sflag:$0x5], $0x8000, $0x38;
	[tilespmem:$0x18000] =	vst v63  }
0x131: {  	s25 =	smov.u32 s26  }
0x132: {  	[hbm4b:s25+s2] =	stream.linear.scatter [tilespmem:s10], [sflag:$0x5], $0x8000, $0x38;
	[tilespmem:$0x18000] =	vst v63  }
0x133: {  	s26 =	smov.u32 s28  }
0x134: {  	[hbm4b:s26+s2] =	stream.linear.scatter [tilespmem:s10], [sflag:$0x5], $0x8000, $0x38;
	[tilespmem:$0x18000] =	vst v63  }
0x135: {  	_ = 	snop  }
0x136: {  	[hbm4b:s31+s2] =	stream.linear.scatter [tilespmem:s10], [sflag:$0x5], $0x8000, $0x38;
	[tilespmem:$0x18000] =	vst v63  }
0x137: {  	_ =	swait.ge [sflag:s9], $0x8000  }
0x138: {  	[sflag:s9] =	ssyncset.done $0x0  }
0x139: {  	[sflag:s9] =	ssyncadd.s32 $0xFFFF8000  }
0x13a: {  	_ =	swait.ge [sflag:s9], $0x8000  }
0x13b: {  	[sflag:s9] =	ssyncset.done $0x0  }
0x13c: {  	[sflag:s9] =	ssyncadd.s32 $0xFFFF8000  }
0x13d: {  	_ =	swait.ge [sflag:s9], $0x8000  }
0x13e: {  	[sflag:s9] =	ssyncset.done $0x0  }
0x13f: {  	[sflag:s9] =	ssyncadd.s32 $0xFFFF8000  }
0x140: {  	_ =	swait.ge [sflag:s9], $0x8000  }
0x141: {  	[sflag:s9] =	ssyncset.done $0x0  }
0x142: {  	[sflag:s9] =	ssyncadd.s32 $0xFFFF8000  }
0x143: {  	[tilespmem:s29], [sflag:$0x3] =	stream.linear.gather [hbm4b:s22+s2], $0x8000, $0x38;
	[tilespmem:$0x18000] =	vst v63  }
0x144: {  	_ =	swait.ge [sflag:s30], $0x8000  }
0x145: {  	[sflag:s30] =	ssyncset.done $0x0  }
0x146: {  	[sflag:s30] =	ssyncadd.s32 $0xFFFF8000  }
0x147: {  	[hbm4b:s18+s2] =	stream.linear.scatter [tilespmem:s29], [sflag:$0x6], $0x8000, $0x38;
	[tilespmem:$0x18000] =	vst v63  }
0x148: {  	_ = 	snop  }
0x149: {  	[hbm4b:s19+s2] =	stream.linear.scatter [tilespmem:s29], [sflag:$0x6], $0x8000, $0x38;
	[tilespmem:$0x18000] =	vst v63  }
0x14a: {  	_ = 	snop  }
0x14b: {  	[hbm4b:s20+s2] =	stream.linear.scatter [tilespmem:s29], [sflag:$0x6], $0x8000, $0x38;
	[tilespmem:$0x18000] =	vst v63  }
0x14c: {  	_ = 	snop  }
0x14d: {  	[hbm4b:s21+s2] =	stream.linear.scatter [tilespmem:s29], [sflag:$0x6], $0x8000, $0x38;
	[tilespmem:$0x18000] =	vst v63  }
0x14e: {  	_ =	swait.ge [sflag:s4], $0x8000  }
0x14f: {  	[sflag:s4] =	ssyncset.done $0x0  }
0x150: {  	[sflag:s4] =	ssyncadd.s32 $0xFFFF8000  }
0x151: {  	_ =	swait.ge [sflag:s4], $0x8000  }
0x152: {  	[sflag:s4] =	ssyncset.done $0x0  }
0x153: {  	[sflag:s4] =	ssyncadd.s32 $0xFFFF8000  }
0x154: {  	_ =	swait.ge [sflag:s4], $0x8000  }
0x155: {  	[sflag:s4] =	ssyncset.done $0x0  }
0x156: {  	[sflag:s4] =	ssyncadd.s32 $0xFFFF8000  }
0x157: {  	_ =	swait.ge [sflag:s4], $0x8000  }
0x158: {  	[sflag:s4] =	ssyncset.done $0x0  }
0x159: {  	[sflag:s4] =	ssyncadd.s32 $0xFFFF8000  }
0x15a: {  	[tilespmem:s2], [sflag:$0x1] =	stream.linear.gather [hbm4b:s17+s2], $0x8000, $0x38;
	[tilespmem:$0x18000] =	vst v63  }
0x15b: {  	_ =	swait.ge [sflag:s23], $0x8000  }
0x15c: {  	[sflag:s23] =	ssyncset.done $0x0  }
0x15d: {  	[sflag:s23] =	ssyncadd.s32 $0xFFFF8000  }
0x15e: {  	[hbm4b:s13+s2] =	stream.linear.scatter [tilespmem:s2], [sflag:$0x4], $0x8000, $0x38;
	[tilespmem:$0x18000] =	vst v63  }
0x15f: {  	_ = 	snop  }
0x160: {  	[hbm4b:s14+s2] =	stream.linear.scatter [tilespmem:s2], [sflag:$0x4], $0x8000, $0x38;
	[tilespmem:$0x18000] =	vst v63  }
0x161: {  	_ = 	snop  }
0x162: {  	[hbm4b:s15+s2] =	stream.linear.scatter [tilespmem:s2], [sflag:$0x4], $0x8000, $0x38;
	[tilespmem:$0x18000] =	vst v63  }
0x163: {  	_ = 	snop  }
0x164: {  	[hbm4b:s16+s2] =	stream.linear.scatter [tilespmem:s2], [sflag:$0x4], $0x8000, $0x38;
	[tilespmem:$0x18000] =	vst v63  }
0x165: {  	_ =	swait.ge [sflag:s3], $0x8000  }
0x166: {  	[sflag:s3] =	ssyncset.done $0x0  }
0x167: {  	[sflag:s3] =	ssyncadd.s32 $0xFFFF8000  }
0x168: {  	_ =	swait.ge [sflag:s3], $0x8000  }
0x169: {  	[sflag:s3] =	ssyncset.done $0x0  }
0x16a: {  	[sflag:s3] =	ssyncadd.s32 $0xFFFF8000  }
0x16b: {  	_ =	swait.ge [sflag:s3], $0x8000  }
0x16c: {  	[sflag:s3] =	ssyncset.done $0x0  }
0x16d: {  	[sflag:s3] =	ssyncadd.s32 $0xFFFF8000  }
0x16e: {  	_ =	swait.ge [sflag:s3], $0x8000  }
0x16f: {  	[sflag:s3] =	ssyncset.done $0x0  }
0x170: {  	[sflag:s3] =	ssyncadd.s32 $0xFFFF8000  }
0x171: {  	[tilespmem:s10], [sflag:$0x2] =	stream.linear.gather [hbm4b:s11+s2], $0x8000, $0x38;
	[tilespmem:$0x18000] =	vst v63  }
0x172: {  	_ =	swait.ge [sflag:s12], $0x8000  }
0x173: {  	[sflag:s12] =	ssyncset.done $0x0  }
0x174: {  	[sflag:s12] =	ssyncadd.s32 $0xFFFF8000  }
0x175: {  	[hbm4b:s5+s2] =	stream.linear.scatter [tilespmem:s10], [sflag:$0x5], $0x8000, $0x38;
	[tilespmem:$0x18000] =	vst v63  }
0x176: {  	_ = 	snop  }
0x177: {  	[hbm4b:s6+s2] =	stream.linear.scatter [tilespmem:s10], [sflag:$0x5], $0x8000, $0x38;
	[tilespmem:$0x18000] =	vst v63  }
0x178: {  	_ = 	snop  }
0x179: {  	[hbm4b:s7+s2] =	stream.linear.scatter [tilespmem:s10], [sflag:$0x5], $0x8000, $0x38;
	[tilespmem:$0x18000] =	vst v63  }
0x17a: {  	_ = 	snop  }
0x17b: {  	[hbm4b:s8+s2] =	stream.linear.scatter [tilespmem:s10], [sflag:$0x5], $0x8000, $0x38;
	[tilespmem:$0x18000] =	vst v63  }
0x17c: {  	_ =	swait.ge [sflag:s9], $0x8000  }
0x17d: {  	[sflag:s9] =	ssyncset.done $0x0  }
0x17e: {  	[sflag:s9] =	ssyncadd.s32 $0xFFFF8000  }
0x17f: {  	_ =	swait.ge [sflag:s9], $0x8000  }
0x180: {  	[sflag:s9] =	ssyncset.done $0x0  }
0x181: {  	[sflag:s9] =	ssyncadd.s32 $0xFFFF8000  }
0x182: {  	_ =	swait.ge [sflag:s9], $0x8000  }
0x183: {  	[sflag:s9] =	ssyncset.done $0x0  }
0x184: {  	[sflag:s9] =	ssyncadd.s32 $0xFFFF8000  }
0x185: {  	_ =	swait.ge [sflag:s9], $0x8000  }
0x186: {  	[sflag:s9] =	ssyncset.done $0x0  }
0x187: {  	[sflag:s9] =	ssyncadd.s32 $0xFFFF8000  }
0x188: {  	_ =	swait.ge [sflag:s4], $0x8000  }
0x189: {  	[sflag:s4] =	ssyncset.done $0x0  }
0x18a: {  	[sflag:s4] =	ssyncadd.s32 $0xFFFF8000  }
0x18b: {  	_ =	swait.ge [sflag:s4], $0x8000  }
0x18c: {  	[sflag:s4] =	ssyncset.done $0x0  }
0x18d: {  	[sflag:s4] =	ssyncadd.s32 $0xFFFF8000  }
0x18e: {  	_ =	swait.ge [sflag:s4], $0x8000  }
0x18f: {  	[sflag:s4] =	ssyncset.done $0x0  }
0x190: {  	[sflag:s4] =	ssyncadd.s32 $0xFFFF8000  }
0x191: {  	_ =	swait.ge [sflag:s4], $0x8000  }
0x192: {  	[sflag:s4] =	ssyncset.done $0x0  }
0x193: {  	[sflag:s4] =	ssyncadd.s32 $0xFFFF8000  }
0x194: {  	_ =	swait.ge [sflag:s3], $0x8000  }
0x195: {  	[sflag:s3] =	ssyncset.done $0x0  }
0x196: {  	[sflag:s3] =	ssyncadd.s32 $0xFFFF8000  }
0x197: {  	_ =	swait.ge [sflag:s3], $0x8000  }
0x198: {  	[sflag:s3] =	ssyncset.done $0x0  }
0x199: {  	p1 =	sne.s32 s0, $0x1;
	[sflag:s3] =	ssyncadd.s32 $0xFFFF8000  }
.Ltmp2:
0x19a: {  	_ =	swait.ge [sflag:s3], $0x8000;
	(pc) =	sbr.rel @p1 .LBB2_3-.Ltmp2, $4  }
0x19b: {  	[sflag:s3] =	ssyncset.done $0x0  }
0x19c: {  	[sflag:s3] =	ssyncadd.s32 $0xFFFF8000  }
0x19d: {  	s0 =	sadd.s32 $0xFFFFFFFF, s0;
	_ =	swait.ge [sflag:s3], $0x8000  }
0x19e: {  	s28 =	smov.u32 s31;
	s1 =	rddreg [dreg:$0x3];
	[sflag:s3] =	ssyncset.done $0x0  }
0x19f: {  	s31 =	rddreg [dreg:$0x17]  }
.LBB2_5:
0x1a0: {  	[sflag:s3] =	ssyncadd.s32 @p0 $0xFFFF8000  }
0x1a1: {  	[tilespmem:s2], [sflag:$0x1] =	stream.linear.gather [hbm4b:s1+s2], $0x8000, $0x38;
	[tilespmem:$0x18000] =	vst v63  }
0x1a2: {  	s0 =	rddreg [dreg:$0x4]  }
0x1a3: {  	[tilespmem:s10], [sflag:$0x2] =	stream.linear.gather [hbm4b:s0+s2], $0x8000, $0x38;
	[tilespmem:$0x18000] =	vst v63  }
0x1a4: {  	s1 =	rddreg [dreg:$0x5]  }
0x1a5: {  	[tilespmem:s29], [sflag:$0x3] =	stream.linear.gather [hbm4b:s1+s2], $0x8000, $0x38;
	[tilespmem:$0x18000] =	vst v63  }
0x1a6: {  	_ =	swait.ge [sflag:s23], $0x8000  }
0x1a7: {  	[sflag:s23] =	ssyncset.done $0x0  }
0x1a8: {  	[sflag:s23] =	ssyncadd.s32 $0xFFFF8000  }
0x1a9: {  	[hbm4b:s31+s2] =	stream.linear.scatter [tilespmem:s2], [sflag:$0x4], $0x8000, $0x38;
	[tilespmem:$0x18000] =	vst v63  }
0x1aa: {  	s0 =	rddreg [dreg:$0x6]  }
0x1ab: {  	[hbm4b:s0+s2] =	stream.linear.scatter [tilespmem:s2], [sflag:$0x4], $0x8000, $0x38;
	[tilespmem:$0x18000] =	vst v63  }
0x1ac: {  	s1 =	rddreg [dreg:$0x7]  }
0x1ad: {  	[hbm4b:s1+s2] =	stream.linear.scatter [tilespmem:s2], [sflag:$0x4], $0x8000, $0x38;
	[tilespmem:$0x18000] =	vst v63  }
0x1ae: {  	s31 =	rddreg [dreg:$0x8]  }
0x1af: {  	[hbm4b:s31+s2] =	stream.linear.scatter [tilespmem:s2], [sflag:$0x4], $0x8000, $0x38;
	[tilespmem:$0x18000] =	vst v63  }
0x1b0: {  	_ =	swait.ge [sflag:s12], $0x8000  }
0x1b1: {  	[sflag:s12] =	ssyncset.done $0x0  }
0x1b2: {  	s1 =	rddreg [dreg:$0x9];
	[sflag:s12] =	ssyncadd.s32 $0xFFFF8000  }
0x1b3: {  	[hbm4b:s1+s2] =	stream.linear.scatter [tilespmem:s10], [sflag:$0x5], $0x8000, $0x38;
	[tilespmem:$0x18000] =	vst v63  }
0x1b4: {  	s31 =	rddreg [dreg:$0xa]  }
0x1b5: {  	[hbm4b:s31+s2] =	stream.linear.scatter [tilespmem:s10], [sflag:$0x5], $0x8000, $0x38;
	[tilespmem:$0x18000] =	vst v63  }
0x1b6: {  	s0 =	rddreg [dreg:$0xb]  }
0x1b7: {  	[hbm4b:s0+s2] =	stream.linear.scatter [tilespmem:s10], [sflag:$0x5], $0x8000, $0x38;
	[tilespmem:$0x18000] =	vst v63  }
0x1b8: {  	s31 =	rddreg [dreg:$0xc]  }
0x1b9: {  	[hbm4b:s31+s2] =	stream.linear.scatter [tilespmem:s10], [sflag:$0x5], $0x8000, $0x38;
	[tilespmem:$0x18000] =	vst v63  }
0x1ba: {  	_ =	swait.ge [sflag:s30], $0x8000  }
0x1bb: {  	[sflag:s30] =	ssyncset.done $0x0  }
0x1bc: {  	s1 =	rddreg [dreg:$0xd];
	[sflag:s30] =	ssyncadd.s32 $0xFFFF8000  }
0x1bd: {  	[hbm4b:s1+s2] =	stream.linear.scatter [tilespmem:s29], [sflag:$0x6], $0x8000, $0x38;
	[tilespmem:$0x18000] =	vst v63  }
0x1be: {  	s31 =	rddreg [dreg:$0xe]  }
0x1bf: {  	[hbm4b:s31+s2] =	stream.linear.scatter [tilespmem:s29], [sflag:$0x6], $0x8000, $0x38;
	[tilespmem:$0x18000] =	vst v63  }
0x1c0: {  	s0 =	rddreg [dreg:$0xf]  }
0x1c1: {  	[hbm4b:s0+s2] =	stream.linear.scatter [tilespmem:s29], [sflag:$0x6], $0x8000, $0x38;
	[tilespmem:$0x18000] =	vst v63  }
0x1c2: {  	s31 =	rddreg [dreg:$0x10]  }
0x1c3: {  	[hbm4b:s31+s2] =	stream.linear.scatter [tilespmem:s29], [sflag:$0x6], $0x8000, $0x38;
	[tilespmem:$0x18000] =	vst v63  }
0x1c4: {  	_ =	swait.ge [sflag:s4], $0x8000  }
0x1c5: {  	[sflag:s4] =	ssyncset.done $0x0  }
0x1c6: {  	[sflag:s4] =	ssyncadd.s32 $0xFFFF8000  }
0x1c7: {  	_ =	swait.ge [sflag:s4], $0x8000  }
0x1c8: {  	[sflag:s4] =	ssyncset.done $0x0  }
0x1c9: {  	[sflag:s4] =	ssyncadd.s32 $0xFFFF8000  }
0x1ca: {  	_ =	swait.ge [sflag:s4], $0x8000  }
0x1cb: {  	[sflag:s4] =	ssyncset.done $0x0  }
0x1cc: {  	[sflag:s4] =	ssyncadd.s32 $0xFFFF8000  }
0x1cd: {  	_ =	swait.ge [sflag:s4], $0x8000  }
0x1ce: {  	[sflag:s4] =	ssyncset.done $0x0  }
0x1cf: {  	s31 =	rddreg [dreg:$0x11];
	[sflag:s4] =	ssyncadd.s32 $0xFFFF8000  }
0x1d0: {  	[tilespmem:s2], [sflag:$0x1] =	stream.linear.gather [hbm4b:s31+s2], $0x8000, $0x38;
	[tilespmem:$0x18000] =	vst v63  }
0x1d1: {  	_ =	swait.ge [sflag:s23], $0x8000  }
0x1d2: {  	[sflag:s23] =	ssyncset.done $0x0  }
0x1d3: {  	s1 =	rddreg [dreg:$0x12];
	[sflag:s23] =	ssyncadd.s32 $0xFFFF8000  }
0x1d4: {  	[hbm4b:s1+s2] =	stream.linear.scatter [tilespmem:s2], [sflag:$0x4], $0x8000, $0x38;
	[tilespmem:$0x18000] =	vst v63  }
0x1d5: {  	s31 =	rddreg [dreg:$0x13]  }
0x1d6: {  	[hbm4b:s31+s2] =	stream.linear.scatter [tilespmem:s2], [sflag:$0x4], $0x8000, $0x38;
	[tilespmem:$0x18000] =	vst v63  }
0x1d7: {  	s0 =	rddreg [dreg:$0x14]  }
0x1d8: {  	[hbm4b:s0+s2] =	stream.linear.scatter [tilespmem:s2], [sflag:$0x4], $0x8000, $0x38;
	[tilespmem:$0x18000] =	vst v63  }
0x1d9: {  	s31 =	rddreg [dreg:$0x15]  }
0x1da: {  	[hbm4b:s31+s2] =	stream.linear.scatter [tilespmem:s2], [sflag:$0x4], $0x8000, $0x38;
	[tilespmem:$0x18000] =	vst v63  }
0x1db: {  	_ =	swait.ge [sflag:s3], $0x8000  }
0x1dc: {  	[sflag:s3] =	ssyncset.done $0x0  }
0x1dd: {  	[sflag:s3] =	ssyncadd.s32 $0xFFFF8000  }
0x1de: {  	_ =	swait.ge [sflag:s3], $0x8000  }
0x1df: {  	[sflag:s3] =	ssyncset.done $0x0  }
0x1e0: {  	[sflag:s3] =	ssyncadd.s32 $0xFFFF8000  }
0x1e1: {  	_ =	swait.ge [sflag:s3], $0x8000  }
0x1e2: {  	[sflag:s3] =	ssyncset.done $0x0  }
0x1e3: {  	[sflag:s3] =	ssyncadd.s32 $0xFFFF8000  }
0x1e4: {  	_ =	swait.ge [sflag:s3], $0x8000  }
0x1e5: {  	[sflag:s3] =	ssyncset.done $0x0  }
0x1e6: {  	s1 =	rddreg [dreg:$0x16];
	[sflag:s3] =	ssyncadd.s32 $0xFFFF8000  }
0x1e7: {  	[tilespmem:s10], [sflag:$0x2] =	stream.linear.gather [hbm4b:s1+s2], $0x8000, $0x38;
	[tilespmem:$0x18000] =	vst v63  }
0x1e8: {  	_ =	swait.ge [sflag:s12], $0x8000  }
0x1e9: {  	[sflag:s12] =	ssyncset.done $0x0  }
0x1ea: {  	[sflag:s12] =	ssyncadd.s32 $0xFFFF8000  }
0x1eb: {  	[hbm4b:s24+s2] =	stream.linear.scatter [tilespmem:s10], [sflag:$0x5], $0x8000, $0x38;
	[tilespmem:$0x18000] =	vst v63  }
0x1ec: {  	_ = 	snop  }
0x1ed: {  	[hbm4b:s25+s2] =	stream.linear.scatter [tilespmem:s10], [sflag:$0x5], $0x8000, $0x38;
	[tilespmem:$0x18000] =	vst v63  }
0x1ee: {  	_ = 	snop  }
0x1ef: {  	[hbm4b:s26+s2] =	stream.linear.scatter [tilespmem:s10], [sflag:$0x5], $0x8000, $0x38;
	[tilespmem:$0x18000] =	vst v63  }
0x1f0: {  	_ = 	snop  }
0x1f1: {  	[hbm4b:s28+s2] =	stream.linear.scatter [tilespmem:s10], [sflag:$0x5], $0x8000, $0x38;
	[tilespmem:$0x18000] =	vst v63  }
0x1f2: {  	_ =	swait.ge [sflag:s9], $0x8000  }
0x1f3: {  	[sflag:s9] =	ssyncset.done $0x0  }
0x1f4: {  	[sflag:s9] =	ssyncadd.s32 $0xFFFF8000  }
0x1f5: {  	_ =	swait.ge [sflag:s9], $0x8000  }
0x1f6: {  	[sflag:s9] =	ssyncset.done $0x0  }
0x1f7: {  	[sflag:s9] =	ssyncadd.s32 $0xFFFF8000  }
0x1f8: {  	_ =	swait.ge [sflag:s9], $0x8000  }
0x1f9: {  	[sflag:s9] =	ssyncset.done $0x0  }
0x1fa: {  	[sflag:s9] =	ssyncadd.s32 $0xFFFF8000  }
0x1fb: {  	_ =	swait.ge [sflag:s9], $0x8000  }
0x1fc: {  	[sflag:s9] =	ssyncset.done $0x0  }
0x1fd: {  	[sflag:s9] =	ssyncadd.s32 $0xFFFF8000  }
0x1fe: {  	[tilespmem:s29], [sflag:$0x3] =	stream.linear.gather [hbm4b:s22+s2], $0x8000, $0x38;
	[tilespmem:$0x18000] =	vst v63  }
0x1ff: {  	_ =	swait.ge [sflag:s30], $0x8000  }
0x200: {  	[sflag:s30] =	ssyncset.done $0x0  }
0x201: {  	[sflag:s30] =	ssyncadd.s32 $0xFFFF8000  }
0x202: {  	[hbm4b:s18+s2] =	stream.linear.scatter [tilespmem:s29], [sflag:$0x6], $0x8000, $0x38;
	[tilespmem:$0x18000] =	vst v63  }
0x203: {  	_ = 	snop  }
0x204: {  	[hbm4b:s19+s2] =	stream.linear.scatter [tilespmem:s29], [sflag:$0x6], $0x8000, $0x38;
	[tilespmem:$0x18000] =	vst v63  }
0x205: {  	_ = 	snop  }
0x206: {  	[hbm4b:s20+s2] =	stream.linear.scatter [tilespmem:s29], [sflag:$0x6], $0x8000, $0x38;
	[tilespmem:$0x18000] =	vst v63  }
0x207: {  	_ = 	snop  }
0x208: {  	[hbm4b:s21+s2] =	stream.linear.scatter [tilespmem:s29], [sflag:$0x6], $0x8000, $0x38;
	[tilespmem:$0x18000] =	vst v63  }
0x209: {  	_ =	swait.ge [sflag:s4], $0x8000  }
0x20a: {  	[sflag:s4] =	ssyncset.done $0x0  }
0x20b: {  	[sflag:s4] =	ssyncadd.s32 $0xFFFF8000  }
0x20c: {  	_ =	swait.ge [sflag:s4], $0x8000  }
0x20d: {  	[sflag:s4] =	ssyncset.done $0x0  }
0x20e: {  	[sflag:s4] =	ssyncadd.s32 $0xFFFF8000  }
0x20f: {  	_ =	swait.ge [sflag:s4], $0x8000  }
0x210: {  	[sflag:s4] =	ssyncset.done $0x0  }
0x211: {  	[sflag:s4] =	ssyncadd.s32 $0xFFFF8000  }
0x212: {  	_ =	swait.ge [sflag:s4], $0x8000  }
0x213: {  	[sflag:s4] =	ssyncset.done $0x0  }
0x214: {  	[sflag:s4] =	ssyncadd.s32 $0xFFFF8000  }
0x215: {  	[tilespmem:s2], [sflag:$0x1] =	stream.linear.gather [hbm4b:s17+s2], $0x8000, $0x38;
	[tilespmem:$0x18000] =	vst v63  }
0x216: {  	_ =	swait.ge [sflag:s23], $0x8000  }
0x217: {  	[sflag:s23] =	ssyncset.done $0x0  }
0x218: {  	[sflag:s23] =	ssyncadd.s32 $0xFFFF8000  }
0x219: {  	[hbm4b:s13+s2] =	stream.linear.scatter [tilespmem:s2], [sflag:$0x4], $0x8000, $0x38;
	[tilespmem:$0x18000] =	vst v63  }
0x21a: {  	_ = 	snop  }
0x21b: {  	[hbm4b:s14+s2] =	stream.linear.scatter [tilespmem:s2], [sflag:$0x4], $0x8000, $0x38;
	[tilespmem:$0x18000] =	vst v63  }
0x21c: {  	_ = 	snop  }
0x21d: {  	[hbm4b:s15+s2] =	stream.linear.scatter [tilespmem:s2], [sflag:$0x4], $0x8000, $0x38;
	[tilespmem:$0x18000] =	vst v63  }
0x21e: {  	_ = 	snop  }
0x21f: {  	[hbm4b:s16+s2] =	stream.linear.scatter [tilespmem:s2], [sflag:$0x4], $0x8000, $0x38;
	[tilespmem:$0x18000] =	vst v63  }
0x220: {  	_ =	swait.ge [sflag:s3], $0x8000  }
0x221: {  	[sflag:s3] =	ssyncset.done $0x0  }
0x222: {  	[sflag:s3] =	ssyncadd.s32 $0xFFFF8000  }
0x223: {  	_ =	swait.ge [sflag:s3], $0x8000  }
0x224: {  	[sflag:s3] =	ssyncset.done $0x0  }
0x225: {  	[sflag:s3] =	ssyncadd.s32 $0xFFFF8000  }
0x226: {  	_ =	swait.ge [sflag:s3], $0x8000  }
0x227: {  	[sflag:s3] =	ssyncset.done $0x0  }
0x228: {  	[sflag:s3] =	ssyncadd.s32 $0xFFFF8000  }
0x229: {  	_ =	swait.ge [sflag:s3], $0x8000  }
0x22a: {  	[sflag:s3] =	ssyncset.done $0x0  }
0x22b: {  	[sflag:s3] =	ssyncadd.s32 $0xFFFF8000  }
0x22c: {  	[tilespmem:s10], [sflag:$0x2] =	stream.linear.gather [hbm4b:s11+s2], $0x8000, $0x38;
	[tilespmem:$0x18000] =	vst v63  }
0x22d: {  	_ =	swait.ge [sflag:s12], $0x8000  }
0x22e: {  	[sflag:s12] =	ssyncset.done $0x0  }
0x22f: {  	[sflag:s12] =	ssyncadd.s32 $0xFFFF8000  }
0x230: {  	[hbm4b:s5+s2] =	stream.linear.scatter [tilespmem:s10], [sflag:$0x5], $0x8000, $0x38;
	[tilespmem:$0x18000] =	vst v63  }
0x231: {  	_ = 	snop  }
0x232: {  	[hbm4b:s6+s2] =	stream.linear.scatter [tilespmem:s10], [sflag:$0x5], $0x8000, $0x38;
	[tilespmem:$0x18000] =	vst v63  }
0x233: {  	_ = 	snop  }
0x234: {  	[hbm4b:s7+s2] =	stream.linear.scatter [tilespmem:s10], [sflag:$0x5], $0x8000, $0x38;
	[tilespmem:$0x18000] =	vst v63  }
0x235: {  	_ = 	snop  }
0x236: {  	[hbm4b:s8+s2] =	stream.linear.scatter [tilespmem:s10], [sflag:$0x5], $0x8000, $0x38;
	[tilespmem:$0x18000] =	vst v63  }
0x237: {  	_ =	swait.ge [sflag:s9], $0x8000  }
0x238: {  	[sflag:s9] =	ssyncset.done $0x0  }
0x239: {  	[sflag:s9] =	ssyncadd.s32 $0xFFFF8000  }
0x23a: {  	_ =	swait.ge [sflag:s9], $0x8000  }
0x23b: {  	[sflag:s9] =	ssyncset.done $0x0  }
0x23c: {  	[sflag:s9] =	ssyncadd.s32 $0xFFFF8000  }
0x23d: {  	_ =	swait.ge [sflag:s9], $0x8000  }
0x23e: {  	[sflag:s9] =	ssyncset.done $0x0  }
0x23f: {  	[sflag:s9] =	ssyncadd.s32 $0xFFFF8000  }
0x240: {  	_ =	swait.ge [sflag:s9], $0x8000  }
0x241: {  	[sflag:s9] =	ssyncset.done $0x0  }
0x242: {  	[sflag:s9] =	ssyncadd.s32 $0xFFFF8000  }
0x243: {  	_ =	swait.ge [sflag:s4], $0x8000  }
0x244: {  	[sflag:s4] =	ssyncset.done $0x0  }
0x245: {  	[sflag:s4] =	ssyncadd.s32 $0xFFFF8000  }
0x246: {  	_ =	swait.ge [sflag:s4], $0x8000  }
0x247: {  	[sflag:s4] =	ssyncset.done $0x0  }
0x248: {  	[sflag:s4] =	ssyncadd.s32 $0xFFFF8000  }
0x249: {  	_ =	swait.ge [sflag:s4], $0x8000  }
0x24a: {  	[sflag:s4] =	ssyncset.done $0x0  }
0x24b: {  	[sflag:s4] =	ssyncadd.s32 $0xFFFF8000  }
0x24c: {  	_ =	swait.ge [sflag:s4], $0x8000  }
0x24d: {  	[sflag:s4] =	ssyncset.done $0x0  }
0x24e: {  	[sflag:s4] =	ssyncadd.s32 $0xFFFF8000  }
0x24f: {  	_ =	swait.ge [sflag:s3], $0x8000  }
0x250: {  	[sflag:s3] =	ssyncset.done $0x0  }
0x251: {  	[sflag:s3] =	ssyncadd.s32 $0xFFFF8000  }
0x252: {  	_ =	swait.ge [sflag:s3], $0x8000  }
0x253: {  	[sflag:s3] =	ssyncset.done $0x0  }
0x254: {  	[sflag:s3] =	ssyncadd.s32 $0xFFFF8000  }
0x255: {  	_ =	swait.ge [sflag:s3], $0x8000  }
0x256: {  	[sflag:s3] =	ssyncset.done $0x0  }
0x257: {  	[sflag:s3] =	ssyncadd.s32 $0xFFFF8000  }
0x258: {  	_ =	swait.ge [sflag:s3], $0x8000  }
0x259: {  	[sflag:s3] =	ssyncset.done $0x0  }
0x25a: {  	[sflag:s3] =	ssyncadd.s32 $0xFFFF8000  }
0x25b: {  	_ =	sfence.sel $0x180000  }
0x25c: {  	[bflag:$0x0] =	sbarrier.arrive $0xFFFF  }
0x25d: {  	_ =	strace $0x90000047  }
0x25e: {  	s31 =	stileid.u32;
	[bflag:$0x2] =	sbarrier.arrive $0xFFFF  }
0x25f: {  	p0 =	sne.s32 s31, $0x0;
	s0 =	rddreg [dreg:$0x2]  }
0x260: {  	s0 =	sadd.s32 @!p0 $0x100000, s0  }
0x261: {  	[sflag:s0] =	ssyncadd.tile.s32 @!p0 $0x1;
	_ =	shalt  }
.LBB2_2:
.Ltmp3:
0x262: {  	(pc) =	sbr.rel .LBB2_5-.Ltmp3, $2  }
0x263: {  	_ =	sdelay $0x2  }
0x264: {  	s31 =	rddreg [dreg:$0x17]  }
.Lfunc_end2:
_tile_overlayer_lowered:
.L_overlay_start_2:
0x265: {  	(tag) =	ssettag $0x2  }
0x266: {  	s0 =	rddreg [dreg:$0x0];
	s2 =	stileid.u32  }
0x267: {  	s1 =	rddreg [dreg:$0x1];
	p0 =	sne.s32 s2, $0x0  }
0x268: {  	s3 =	rddreg [dreg:$0x2];
	[bflag:$0x3] =	sbarrier.arrive $0xFFFF;
	s2 =	simm.s32 @!p0 $0x1C07  }
0x269: {  	[timem:s3], [sflag:s2] =	dma.local @!p0 [hbm:s0], s1  }
0x26a: {  	s0 =	simm.s32 @!p0 $0x7  }
0x26b: {  	_ =	swait.ge @!p0 [sflag:s0], s1  }
0x26c: {  	s1 =	ssub.s32 @!p0 $0x0, s1;
	[sflag:s0] =	ssyncset.done @!p0 $0x0  }
0x26d: {  	[sflag:s0] =	ssyncadd.s32 @!p0 s1  }
0x26e: {  	[bflag:$0x3] =	sbarrier.arrive $0xFFFF  }
0x26f: {  	_ =	shalt  }

</sc_bundles>
